<compile_context>
chip_gen: v7x
topology: tpu7x:2x2x1
jax: 0.10.2.dev20260603
libtpu: 0.0.44.dev20260713+nightly
codegen_flags: <defaults>
</compile_context>

<pallas_src>
import jax
import jax.numpy as jnp
from jax import lax
from jax.experimental import pallas as pl
from jax.experimental.pallas import tpu as pltpu
from jax.experimental.pallas import tpu_sc as plsc

_K = 5
_NEG = float("-inf")
_LANE = 16


def _insert(regs, cur):
    for u in range(_K):
        hi = jnp.maximum(regs[u], cur)
        cur = jnp.minimum(regs[u], cur)
        regs[u] = hi


def _seed(chunks):
    regs = list(chunks)
    for t in range(1, _K):
        cur = regs[t]
        for u in range(t):
            hi = jnp.maximum(regs[u], cur)
            cur = jnp.minimum(regs[u], cur)
            regs[u] = hi
        regs[t] = cur
    return regs


def _loss_body(x_ref, lrow_ref, lab_ref, out_ref, acc_ref):
    i = pl.program_id(0)

    @pl.when(i == 0)
    def _init():
        acc_ref[0] = jnp.float32(0.0)
        acc_ref[1] = jnp.float32(0.0)

    x = x_ref[...]
    lrow = lrow_ref[...]
    lab = lab_ref[...]
    r, v_dim = x.shape
    nchunk = v_dim // 128

    nw = 2
    chunk = [x[:, c * 128:(c + 1) * 128] for c in range(nw * _K)]
    nets = [_seed(chunk[w::nw]) for w in range(nw)]
    ezs = [jnp.exp(chunk[w]) for w in range(nw)]
    for c in chunk[nw:]:
        ezs = ezs[1:] + [ezs[0] + jnp.exp(c)]
    for c in range(nw * _K, nchunk, nw):
        for w in range(nw):
            cw = x[:, (c + w) * 128:(c + w + 1) * 128]
            _insert(nets[w], cw)
            ezs[w] = ezs[w] + jnp.exp(cw)

    cand = jnp.concatenate(sum(nets, []), axis=1)
    top = jnp.max(cand, axis=1, keepdims=True)
    vs = [top]
    for _ in range(_K - 1):
        top = jnp.max(jnp.where(cand >= top, _NEG, cand),
                      axis=1, keepdims=True)
        vs.append(top)

    ez = ezs[0]
    for e in ezs[1:]:
        ez = ez + e
    z = jnp.sum(ez, axis=1, keepdims=True)

    col = lax.broadcasted_iota(jnp.int32, (r, 128), 1)
    ll = jnp.max(jnp.where(col == (lab & 127), lrow, _NEG),
                 axis=1, keepdims=True)

    pp = jnp.exp(ll) / z
    e0 = jnp.exp(pp)
    s = e0
    kc = jnp.zeros((r, 1), jnp.float32)
    for vt in vs:
        keep = vt != ll
        tv = jnp.exp(vt) / z
        s = s + jnp.where(keep, jnp.exp(tv), 0.0)
        kc = kc + jnp.where(keep, 1.0, 0.0)
    mini0 = e0 / s
    per = (1.0 - (kc + 1.0) * mini0) / kc
    validf = ((lab != 0) & (vs[0] != ll)).astype(jnp.float32)
    acc_ref[0] += jnp.sum(per * validf)
    acc_ref[1] += jnp.sum(validf)

    @pl.when(i == pl.num_programs(0) - 1)
    def _fin():
        cnt = acc_ref[1]
        out_ref[0, 0] = jnp.where(cnt > 0.0,
                                  acc_ref[0] / jnp.maximum(cnt, 1.0),
                                  jnp.float32(0.0))


def _gather_body(lab_hbm, table_hbm, out_hbm, lab_v, idx_v, rows_v, sem):
    sid = lax.axis_index("s")
    base = sid * 64
    lanes = lax.iota(jnp.int32, _LANE)
    pltpu.sync_copy(lab_hbm.at[pl.ds(base, 64)], lab_v)
    for c in range(4):
        lab16 = lab_v[pl.ds(c * 16, 16)]
        pos = base + c * 16 + lanes
        idx_v[pl.ds(c * 16, 16)] = pos * 256 + (lab16 >> 7)
    pltpu.async_copy(table_hbm.at[idx_v], rows_v, sem).wait()
    pltpu.sync_copy(rows_v, out_hbm.at[pl.ds(base, 64)])


def kernel(label_ids, logits):
    b, s, v = logits.shape
    n = b * s
    x = logits.reshape(n, v)
    labf = label_ids.reshape(n)
    lab2 = label_ids.reshape(n, 1)
    table = logits.reshape(n * (v // 128), 128)
    r = 16

    mesh = plsc.VectorSubcoreMesh(core_axis_name="c", subcore_axis_name="s",
                                  num_cores=1)

    gather = pl.kernel(
        _gather_body,
        mesh=mesh,
        out_type=jax.ShapeDtypeStruct((n, 128), jnp.float32),
        scratch_types=[
            pltpu.VMEM((64,), jnp.int32),
            pltpu.VMEM((64,), jnp.int32),
            pltpu.VMEM((64, 128), jnp.float32),
            pltpu.SemaphoreType.DMA,
        ],
    )
    lrows = gather(labf, table)

    out = pl.pallas_call(
        _loss_body,
        grid=(n // r,),
        in_specs=[
            pl.BlockSpec((r, v), lambda i: (i, 0)),
            pl.BlockSpec((r, 128), lambda i: (i, 0)),
            pl.BlockSpec((r, 1), lambda i: (i, 0)),
        ],
        out_specs=pl.BlockSpec(memory_space=pltpu.SMEM),
        out_shape=jax.ShapeDtypeStruct((1, 1), jnp.float32),
        scratch_shapes=[pltpu.SMEM((2,), jnp.float32)],
    )(x, lrows, lab2)
    return out[0, 0]

# --- scband reference (transcript-rebuilt; emitter-appended) ---
"""Pipeline reference for scband-ecopo-loss-11553462026768 (READ-ONLY COPY).

The authoritative reference and input builder live on the scoring server;
editing this copy changes nothing except your own understanding.
"""

import jax, jax.numpy as jnp
import numpy as np


def setup_inputs(seed: int = 0) -> dict:
    key = jax.random.key(seed)
    k1, k2 = jax.random.split(key)
    label_ids = jax.random.randint(k1, (32, 32), 0, 32768, dtype=jnp.int32)
    logits = jax.random.normal(k2, (32, 32, 32768), dtype=jnp.float32)
    return {"label_ids": label_ids, "logits": logits}


def reference(label_ids, logits):
    # ECOPO contrastive probability ordering loss, k=5 (init kwarg).
    # Vectorized over every 'wrong position' (label_ids != 0), matching the
    # original per-position python loop math exactly.
    k = 5
    B, S, V = logits.shape
    flat_logits = logits.reshape(B * S, V)
    flat_labels = label_ids.reshape(B * S)
    p = jax.nn.softmax(flat_logits, axis=-1)
    pos_p = jnp.take_along_axis(p, flat_labels[:, None], axis=1)[:, 0]
    topv, topi = jax.lax.top_k(p, k)
    # position contributes iff label nonzero AND argmax != gold label
    valid = (flat_labels != 0) & (topi[:, 0] != flat_labels)
    # drop top-k entries equal to the gold label (original filters them out)
    keep = topi != flat_labels[:, None]
    mini_in = jnp.concatenate([pos_p[:, None], topv], axis=1)  # [N, k+1]
    mask = jnp.concatenate([jnp.ones((B * S, 1), dtype=bool), keep], axis=1)
    masked = jnp.where(mask, mini_in, -jnp.inf)
    mini = jax.nn.softmax(masked, axis=1)  # masked entries -> 0
    diffs = mini[:, 1:] - mini[:, 0:1]
    per_pos = (diffs * keep).sum(axis=1) / jnp.maximum(keep.sum(axis=1), 1)
    nvalid = valid.sum()
    loss = jnp.where(nvalid > 0,
                     (per_pos * valid).sum() / jnp.maximum(nvalid, 1),
                     jnp.float32(0.0))
    return loss

if __name__ == "__main__":
    import jax
    _d = setup_inputs()
    print(jax.jit(kernel)(*tuple(_d.values())))

</pallas_src>

<mosaic_0001>
#map = affine_map<(d0, d1) -> (0)>
#map1 = affine_map<(d0, d1) -> (0, 0)>
module attributes {stable_mosaic.version = 14 : i64} {
  func.func @_gather_body(%arg0: i32, %arg1: i32, %arg2: memref<1024xi32, #tpu.memory_space<hbm>>, %arg3: memref<262144x128xf32, #tpu.memory_space<hbm>>, %arg4: memref<1024x128xf32, #tpu.memory_space<hbm>>, %arg5: memref<64xi32, #tpu.memory_space<vmem>>, %arg6: memref<64xi32, #tpu.memory_space<vmem>>, %arg7: memref<64x128xf32, #tpu.memory_space<vmem>>, %arg8: memref<!tpu.dma_semaphore, #tpu.memory_space<semaphore_mem>>) attributes {dimension_semantics = [#tpu.dimension_semantics<core_parallel>, #tpu.dimension_semantics<subcore_parallel>], iteration_bounds = array<i64: 1, 16>, scalar_prefetch = 0 : i64, scratch_operands = 4 : i64, tpu.core_type = #tpu.core_type<sc_vector_subcore>, window_params = [{transform_indices = #map}, {transform_indices = #map1}, {transform_indices = #map1}]} {
    %mul3A = arith.constant 64 : i32
    %mul3A_0 = arith.muli %arg1, %mul3A : i32
    %iota3A = tpu.iota {dimensions = array<i32: 0>} : vector<16xi32>
    "tpu.region"() ({
      %run_scoped3A = tpu.sem_alloc : memref<!tpu.dma_semaphore, #tpu.memory_space<semaphore_mem>>
      %dma_start3A_73 = tpu.memref_slice %arg2[%mul3A_0] : memref<1024xi32, #tpu.memory_space<hbm>> -> memref<64xi32, #tpu.memory_space<hbm>>
      %dma_start3A_74 = tpu.memref_slice %arg2[%mul3A_0] : memref<1024xi32, #tpu.memory_space<hbm>> -> memref<64xi32, #tpu.memory_space<hbm>>
      tpu.enqueue_dma source(%dma_start3A_74 : memref<64xi32, #tpu.memory_space<hbm>>) target(%arg5 : memref<64xi32, #tpu.memory_space<vmem>>) target_semaphore(%run_scoped3A : memref<!tpu.dma_semaphore, #tpu.memory_space<semaphore_mem>>)
      %dma_wait3A_75 = tpu.memref_slice %arg2[%mul3A_0] : memref<1024xi32, #tpu.memory_space<hbm>> -> memref<64xi32, #tpu.memory_space<hbm>>
      %dma_wait3A_76 = tpu.memref_slice %arg2[%mul3A_0] : memref<1024xi32, #tpu.memory_space<hbm>> -> memref<64xi32, #tpu.memory_space<hbm>>
      tpu.wait_dma2 semaphore(%run_scoped3A : memref<!tpu.dma_semaphore, #tpu.memory_space<semaphore_mem>>) src(%dma_wait3A_76 : memref<64xi32, #tpu.memory_space<hbm>>) dst(%arg5 : memref<64xi32, #tpu.memory_space<vmem>>)
      tpu.yield
    }) : () -> ()
    %get3A = arith.constant 0 : index
    %get3A_1 = tpu.vector_load %arg5[%get3A] {strides = array<i32>} : memref<64xi32, #tpu.memory_space<vmem>>, vector<16xi32>,
    %get3A_2 = vector.shape_cast %get3A_1 : vector<16xi32> to vector<16xi32>
    %add3A = arith.constant 0 : i32
    %add3A_3 = arith.addi %mul3A_0, %add3A : i32
    %add3A_4 = vector.broadcast %add3A_3 : i32 to vector<16xi32>
    %add3A_5 = arith.addi %add3A_4, %iota3A : vector<16xi32>
    %mul3A_6 = arith.constant 256 : i32
    %mul3A_7 = vector.broadcast %mul3A_6 : i32 to vector<16xi32>
    %mul3A_8 = arith.muli %add3A_5, %mul3A_7 : vector<16xi32>
    %shift_right_arithmetic3A = arith.constant 7 : i32
    %shift_right_arithmetic3A_9 = vector.broadcast %shift_right_arithmetic3A : i32 to vector<16xi32>
    %shift_right_arithmetic3A_10 = arith.shrsi %get3A_2, %shift_right_arithmetic3A_9 : vector<16xi32>
    %add3A_11 = arith.addi %mul3A_8, %shift_right_arithmetic3A_10 : vector<16xi32>
    %swap3A = arith.constant 0 : index
    %swap3A_12 = tpu.vector_load %arg6[%swap3A] {strides = array<i32>} : memref<64xi32, #tpu.memory_space<vmem>>, vector<16xi32>,
    %swap3A_13 = vector.shape_cast %swap3A_12 : vector<16xi32> to vector<16xi32>
    %swap3A_14 = vector.shape_cast %add3A_11 : vector<16xi32> to vector<16xi32>
    tpu.vector_store %arg6[%swap3A], %swap3A_14 {strides = array<i32>} : memref<64xi32, #tpu.memory_space<vmem>>, vector<16xi32>,
    %get3A_15 = arith.constant 16 : index
    %get3A_16 = tpu.vector_load %arg5[%get3A_15] {strides = array<i32>} : memref<64xi32, #tpu.memory_space<vmem>>, vector<16xi32>,
    %get3A_17 = vector.shape_cast %get3A_16 : vector<16xi32> to vector<16xi32>
    %add3A_18 = arith.constant 16 : i32
    %add3A_19 = arith.addi %mul3A_0, %add3A_18 : i32
    %add3A_20 = vector.broadcast %add3A_19 : i32 to vector<16xi32>
    %add3A_21 = arith.addi %add3A_20, %iota3A : vector<16xi32>
    %mul3A_22 = arith.constant 256 : i32
    %mul3A_23 = vector.broadcast %mul3A_22 : i32 to vector<16xi32>
    %mul3A_24 = arith.muli %add3A_21, %mul3A_23 : vector<16xi32>
    %shift_right_arithmetic3A_25 = arith.constant 7 : i32
    %shift_right_arithmetic3A_26 = vector.broadcast %shift_right_arithmetic3A_25 : i32 to vector<16xi32>
    %shift_right_arithmetic3A_27 = arith.shrsi %get3A_17, %shift_right_arithmetic3A_26 : vector<16xi32>
    %add3A_28 = arith.addi %mul3A_24, %shift_right_arithmetic3A_27 : vector<16xi32>
    %swap3A_29 = arith.constant 16 : index
    %swap3A_30 = tpu.vector_load %arg6[%swap3A_29] {strides = array<i32>} : memref<64xi32, #tpu.memory_space<vmem>>, vector<16xi32>,
    %swap3A_31 = vector.shape_cast %swap3A_30 : vector<16xi32> to vector<16xi32>
    %swap3A_32 = vector.shape_cast %add3A_28 : vector<16xi32> to vector<16xi32>
    tpu.vector_store %arg6[%swap3A_29], %swap3A_32 {strides = array<i32>} : memref<64xi32, #tpu.memory_space<vmem>>, vector<16xi32>,
    %get3A_33 = arith.constant 32 : index
    %get3A_34 = tpu.vector_load %arg5[%get3A_33] {strides = array<i32>} : memref<64xi32, #tpu.memory_space<vmem>>, vector<16xi32>,
    %get3A_35 = vector.shape_cast %get3A_34 : vector<16xi32> to vector<16xi32>
    %add3A_36 = arith.constant 32 : i32
    %add3A_37 = arith.addi %mul3A_0, %add3A_36 : i32
    %add3A_38 = vector.broadcast %add3A_37 : i32 to vector<16xi32>
    %add3A_39 = arith.addi %add3A_38, %iota3A : vector<16xi32>
    %mul3A_40 = arith.constant 256 : i32
    %mul3A_41 = vector.broadcast %mul3A_40 : i32 to vector<16xi32>
    %mul3A_42 = arith.muli %add3A_39, %mul3A_41 : vector<16xi32>
    %shift_right_arithmetic3A_43 = arith.constant 7 : i32
    %shift_right_arithmetic3A_44 = vector.broadcast %shift_right_arithmetic3A_43 : i32 to vector<16xi32>
    %shift_right_arithmetic3A_45 = arith.shrsi %get3A_35, %shift_right_arithmetic3A_44 : vector<16xi32>
    %add3A_46 = arith.addi %mul3A_42, %shift_right_arithmetic3A_45 : vector<16xi32>
    %swap3A_47 = arith.constant 32 : index
    %swap3A_48 = tpu.vector_load %arg6[%swap3A_47] {strides = array<i32>} : memref<64xi32, #tpu.memory_space<vmem>>, vector<16xi32>,
    %swap3A_49 = vector.shape_cast %swap3A_48 : vector<16xi32> to vector<16xi32>
    %swap3A_50 = vector.shape_cast %add3A_46 : vector<16xi32> to vector<16xi32>
    tpu.vector_store %arg6[%swap3A_47], %swap3A_50 {strides = array<i32>} : memref<64xi32, #tpu.memory_space<vmem>>, vector<16xi32>,
    %get3A_51 = arith.constant 48 : index
    %get3A_52 = tpu.vector_load %arg5[%get3A_51] {strides = array<i32>} : memref<64xi32, #tpu.memory_space<vmem>>, vector<16xi32>,
    %get3A_53 = vector.shape_cast %get3A_52 : vector<16xi32> to vector<16xi32>
    %add3A_54 = arith.constant 48 : i32
    %add3A_55 = arith.addi %mul3A_0, %add3A_54 : i32
    %add3A_56 = vector.broadcast %add3A_55 : i32 to vector<16xi32>
    %add3A_57 = arith.addi %add3A_56, %iota3A : vector<16xi32>
    %mul3A_58 = arith.constant 256 : i32
    %mul3A_59 = vector.broadcast %mul3A_58 : i32 to vector<16xi32>
    %mul3A_60 = arith.muli %add3A_57, %mul3A_59 : vector<16xi32>
    %shift_right_arithmetic3A_61 = arith.constant 7 : i32
    %shift_right_arithmetic3A_62 = vector.broadcast %shift_right_arithmetic3A_61 : i32 to vector<16xi32>
    %shift_right_arithmetic3A_63 = arith.shrsi %get3A_53, %shift_right_arithmetic3A_62 : vector<16xi32>
    %add3A_64 = arith.addi %mul3A_60, %shift_right_arithmetic3A_63 : vector<16xi32>
    %swap3A_65 = arith.constant 48 : index
    %swap3A_66 = tpu.vector_load %arg6[%swap3A_65] {strides = array<i32>} : memref<64xi32, #tpu.memory_space<vmem>>, vector<16xi32>,
    %swap3A_67 = vector.shape_cast %swap3A_66 : vector<16xi32> to vector<16xi32>
    %swap3A_68 = vector.shape_cast %add3A_64 : vector<16xi32> to vector<16xi32>
    tpu.vector_store %arg6[%swap3A_65], %swap3A_68 {strides = array<i32>} : memref<64xi32, #tpu.memory_space<vmem>>, vector<16xi32>,
    %dma_start3A = arith.constant 0 : i32
    %dma_start3A_69 = arith.constant 0 : i32
    %dma_start3A_70 = tpu.memref_slice %arg3[%dma_start3A, %dma_start3A_69] : memref<262144x128xf32, #tpu.memory_space<hbm>> -> memref<262144x128xf32, #tpu.memory_space<hbm>>
    tpu.enqueue_indirect_dma source(%dma_start3A_70 : memref<262144x128xf32, #tpu.memory_space<hbm>>) target(%arg7 : memref<64x128xf32, #tpu.memory_space<vmem>>) offsets(%arg6 : memref<64xi32, #tpu.memory_space<vmem>>) semaphore(%arg8 : memref<!tpu.dma_semaphore, #tpu.memory_space<semaphore_mem>>)
    %dma_wait3A = arith.constant 0 : i32
    %dma_wait3A_71 = arith.constant 0 : i32
    %dma_wait3A_72 = tpu.memref_slice %arg3[%dma_wait3A, %dma_wait3A_71] : memref<262144x128xf32, #tpu.memory_space<hbm>> -> memref<262144x128xf32, #tpu.memory_space<hbm>>
    tpu.wait_indirect_dma semaphore(%arg8 : memref<!tpu.dma_semaphore, #tpu.memory_space<semaphore_mem>>) src(%dma_wait3A_72 : memref<262144x128xf32, #tpu.memory_space<hbm>>) dst(%arg7 : memref<64x128xf32, #tpu.memory_space<vmem>>)
    "tpu.region"() ({
      %run_scoped3A = tpu.sem_alloc : memref<!tpu.dma_semaphore, #tpu.memory_space<semaphore_mem>>
      %dma_start3A_73 = arith.constant 0 : i32
      %dma_start3A_74 = tpu.memref_slice %arg4[%mul3A_0, %dma_start3A_73] : memref<1024x128xf32, #tpu.memory_space<hbm>> -> memref<64x128xf32, #tpu.memory_space<hbm>>
      %dma_start3A_75 = arith.constant 0 : i32
      %dma_start3A_76 = tpu.memref_slice %arg4[%mul3A_0, %dma_start3A_75] : memref<1024x128xf32, #tpu.memory_space<hbm>> -> memref<64x128xf32, #tpu.memory_space<hbm>>
      tpu.enqueue_dma source(%arg7 : memref<64x128xf32, #tpu.memory_space<vmem>>) target(%dma_start3A_76 : memref<64x128xf32, #tpu.memory_space<hbm>>) target_semaphore(%run_scoped3A : memref<!tpu.dma_semaphore, #tpu.memory_space<semaphore_mem>>)
      %dma_wait3A_77 = arith.constant 0 : i32
      %dma_wait3A_78 = tpu.memref_slice %arg4[%mul3A_0, %dma_wait3A_77] : memref<1024x128xf32, #tpu.memory_space<hbm>> -> memref<64x128xf32, #tpu.memory_space<hbm>>
      %dma_wait3A_79 = arith.constant 0 : i32
      %dma_wait3A_80 = tpu.memref_slice %arg4[%mul3A_0, %dma_wait3A_79] : memref<1024x128xf32, #tpu.memory_space<hbm>> -> memref<64x128xf32, #tpu.memory_space<hbm>>
      tpu.wait_dma2 semaphore(%run_scoped3A : memref<!tpu.dma_semaphore, #tpu.memory_space<semaphore_mem>>) src(%arg7 : memref<64x128xf32, #tpu.memory_space<vmem>>) dst(%dma_wait3A_80 : memref<64x128xf32, #tpu.memory_space<hbm>>)
      tpu.yield
    }) : () -> ()
    return
  }
}

module attributes {stable_mosaic.version = 14 : i64} {
  func.func @_loss_body(%arg0: i32, %arg1: memref<16x32768xf32, #tpu.memory_space<vmem>>, %arg2: memref<16x128xf32, #tpu.memory_space<vmem>>, %arg3: memref<16x1xi32, #tpu.memory_space<vmem>>, %arg4: memref<1x1xf32, #tpu.memory_space<smem>>, %arg5: memref<2xf32, #tpu.memory_space<smem>>) attributes {dimension_semantics = [#tpu.dimension_semantics<arbitrary>], iteration_bounds = array<i64: 64>, scalar_prefetch = 0 : i64, scratch_operands = 1 : i64, tpu.core_type = #tpu.core_type<tc>, window_params = [{transform_indices = @transform_0, window_bounds = array<i64: 16, 32768>}, {transform_indices = @transform_1, window_bounds = array<i64: 16, 128>}, {transform_indices = @transform_2, window_bounds = array<i64: 16, 1>}, {transform_indices = @transform_3, window_bounds = array<i64: 1, 1>}]} {
    %eq3A = arith.constant 0 : i32
    %eq3A_0 = arith.cmpi eq, %arg0, %eq3A : i32
    %convert_element_type3A = arith.extui %eq3A_0 : i1 to i32
    %cond3A = arith.constant 0 : i32
    %cond3A_1 = arith.cmpi ne, %convert_element_type3A, %cond3A : i32
    scf.if %cond3A_1 {
      %swap3A_3180 = arith.constant 0.000000e+00 : f32
      %swap3A_3181 = arith.constant 0 : index
      %swap3A_3182 = memref.load %arg5[%swap3A_3181] : memref<2xf32, #tpu.memory_space<smem>>
      memref.store %swap3A_3180, %arg5[%swap3A_3181] : memref<2xf32, #tpu.memory_space<smem>>
      %swap3A_3183 = arith.constant 0.000000e+00 : f32
      %swap3A_3184 = arith.constant 1 : index
      %swap3A_3185 = memref.load %arg5[%swap3A_3184] : memref<2xf32, #tpu.memory_space<smem>>
      memref.store %swap3A_3183, %arg5[%swap3A_3184] : memref<2xf32, #tpu.memory_space<smem>>
    } else {
    }
    %get3A = arith.constant 0 : index
    %get3A_2 = arith.constant 0 : index
    %get3A_3 = vector.load %arg1[%get3A, %get3A_2] : memref<16x32768xf32, #tpu.memory_space<vmem>>, vector<16x32768xf32>
    %get3A_4 = arith.constant 0 : index
    %get3A_5 = arith.constant 0 : index
    %get3A_6 = vector.load %arg2[%get3A_4, %get3A_5] : memref<16x128xf32, #tpu.memory_space<vmem>>, vector<16x128xf32>
    %get3A_7 = arith.constant 0 : index
    %get3A_8 = arith.constant 0 : index
    %get3A_9 = vector.load %arg3[%get3A_7, %get3A_8] : memref<16x1xi32, #tpu.memory_space<vmem>>, vector<16x1xi32>
    %slice3A = vector.extract_strided_slice %get3A_3 {offsets = [0, 0], sizes = [16, 128], strides = [1, 1]} : vector<16x32768xf32> to vector<16x128xf32>
    %slice3A_10 = vector.extract_strided_slice %get3A_3 {offsets = [0, 128], sizes = [16, 128], strides = [1, 1]} : vector<16x32768xf32> to vector<16x128xf32>
    %slice3A_11 = vector.extract_strided_slice %get3A_3 {offsets = [0, 256], sizes = [16, 128], strides = [1, 1]} : vector<16x32768xf32> to vector<16x128xf32>
    %slice3A_12 = vector.extract_strided_slice %get3A_3 {offsets = [0, 384], sizes = [16, 128], strides = [1, 1]} : vector<16x32768xf32> to vector<16x128xf32>
    %slice3A_13 = vector.extract_strided_slice %get3A_3 {offsets = [0, 512], sizes = [16, 128], strides = [1, 1]} : vector<16x32768xf32> to vector<16x128xf32>
    %slice3A_14 = vector.extract_strided_slice %get3A_3 {offsets = [0, 640], sizes = [16, 128], strides = [1, 1]} : vector<16x32768xf32> to vector<16x128xf32>
    %slice3A_15 = vector.extract_strided_slice %get3A_3 {offsets = [0, 768], sizes = [16, 128], strides = [1, 1]} : vector<16x32768xf32> to vector<16x128xf32>
    %slice3A_16 = vector.extract_strided_slice %get3A_3 {offsets = [0, 896], sizes = [16, 128], strides = [1, 1]} : vector<16x32768xf32> to vector<16x128xf32>
    %slice3A_17 = vector.extract_strided_slice %get3A_3 {offsets = [0, 1024], sizes = [16, 128], strides = [1, 1]} : vector<16x32768xf32> to vector<16x128xf32>
    %slice3A_18 = vector.extract_strided_slice %get3A_3 {offsets = [0, 1152], sizes = [16, 128], strides = [1, 1]} : vector<16x32768xf32> to vector<16x128xf32>
    %max3A = arith.maximumf %slice3A, %slice3A_11 : vector<16x128xf32>
    %min3A = arith.minimumf %slice3A, %slice3A_11 : vector<16x128xf32>
    %max3A_19 = arith.maximumf %max3A, %slice3A_13 : vector<16x128xf32>
    %min3A_20 = arith.minimumf %max3A, %slice3A_13 : vector<16x128xf32>
    %max3A_21 = arith.maximumf %min3A, %min3A_20 : vector<16x128xf32>
    %min3A_22 = arith.minimumf %min3A, %min3A_20 : vector<16x128xf32>
    %max3A_23 = arith.maximumf %max3A_19, %slice3A_15 : vector<16x128xf32>
    %min3A_24 = arith.minimumf %max3A_19, %slice3A_15 : vector<16x128xf32>
    %max3A_25 = arith.maximumf %max3A_21, %min3A_24 : vector<16x128xf32>
    %min3A_26 = arith.minimumf %max3A_21, %min3A_24 : vector<16x128xf32>
    %max3A_27 = arith.maximumf %min3A_22, %min3A_26 : vector<16x128xf32>
    %min3A_28 = arith.minimumf %min3A_22, %min3A_26 : vector<16x128xf32>
    %max3A_29 = arith.maximumf %max3A_23, %slice3A_17 : vector<16x128xf32>
    %min3A_30 = arith.minimumf %max3A_23, %slice3A_17 : vector<16x128xf32>
    %max3A_31 = arith.maximumf %max3A_25, %min3A_30 : vector<16x128xf32>
    %min3A_32 = arith.minimumf %max3A_25, %min3A_30 : vector<16x128xf32>
    %max3A_33 = arith.maximumf %max3A_27, %min3A_32 : vector<16x128xf32>
    %min3A_34 = arith.minimumf %max3A_27, %min3A_32 : vector<16x128xf32>
    %max3A_35 = arith.maximumf %min3A_28, %min3A_34 : vector<16x128xf32>
    %min3A_36 = arith.minimumf %min3A_28, %min3A_34 : vector<16x128xf32>
    %max3A_37 = arith.maximumf %slice3A_10, %slice3A_12 : vector<16x128xf32>
    %min3A_38 = arith.minimumf %slice3A_10, %slice3A_12 : vector<16x128xf32>
    %max3A_39 = arith.maximumf %max3A_37, %slice3A_14 : vector<16x128xf32>
    %min3A_40 = arith.minimumf %max3A_37, %slice3A_14 : vector<16x128xf32>
    %max3A_41 = arith.maximumf %min3A_38, %min3A_40 : vector<16x128xf32>
    %min3A_42 = arith.minimumf %min3A_38, %min3A_40 : vector<16x128xf32>
    %max3A_43 = arith.maximumf %max3A_39, %slice3A_16 : vector<16x128xf32>
    %min3A_44 = arith.minimumf %max3A_39, %slice3A_16 : vector<16x128xf32>
    %max3A_45 = arith.maximumf %max3A_41, %min3A_44 : vector<16x128xf32>
    %min3A_46 = arith.minimumf %max3A_41, %min3A_44 : vector<16x128xf32>
    %max3A_47 = arith.maximumf %min3A_42, %min3A_46 : vector<16x128xf32>
    %min3A_48 = arith.minimumf %min3A_42, %min3A_46 : vector<16x128xf32>
    %max3A_49 = arith.maximumf %max3A_43, %slice3A_18 : vector<16x128xf32>
    %min3A_50 = arith.minimumf %max3A_43, %slice3A_18 : vector<16x128xf32>
    %max3A_51 = arith.maximumf %max3A_45, %min3A_50 : vector<16x128xf32>
    %min3A_52 = arith.minimumf %max3A_45, %min3A_50 : vector<16x128xf32>
    %max3A_53 = arith.maximumf %max3A_47, %min3A_52 : vector<16x128xf32>
    %min3A_54 = arith.minimumf %max3A_47, %min3A_52 : vector<16x128xf32>
    %max3A_55 = arith.maximumf %min3A_48, %min3A_54 : vector<16x128xf32>
    %min3A_56 = arith.minimumf %min3A_48, %min3A_54 : vector<16x128xf32>
    %exp3A = math.exp %slice3A : vector<16x128xf32>
    %exp3A_57 = math.exp %slice3A_10 : vector<16x128xf32>
    %exp3A_58 = math.exp %slice3A_11 : vector<16x128xf32>
    %add3A = arith.addf %exp3A, %exp3A_58 : vector<16x128xf32>
    %exp3A_59 = math.exp %slice3A_12 : vector<16x128xf32>
    %add3A_60 = arith.addf %exp3A_57, %exp3A_59 : vector<16x128xf32>
    %exp3A_61 = math.exp %slice3A_13 : vector<16x128xf32>
    %add3A_62 = arith.addf %add3A, %exp3A_61 : vector<16x128xf32>
    %exp3A_63 = math.exp %slice3A_14 : vector<16x128xf32>
    %add3A_64 = arith.addf %add3A_60, %exp3A_63 : vector<16x128xf32>
    %exp3A_65 = math.exp %slice3A_15 : vector<16x128xf32>
    %add3A_66 = arith.addf %add3A_62, %exp3A_65 : vector<16x128xf32>
    %exp3A_67 = math.exp %slice3A_16 : vector<16x128xf32>
    %add3A_68 = arith.addf %add3A_64, %exp3A_67 : vector<16x128xf32>
    %exp3A_69 = math.exp %slice3A_17 : vector<16x128xf32>
    %add3A_70 = arith.addf %add3A_66, %exp3A_69 : vector<16x128xf32>
    %exp3A_71 = math.exp %slice3A_18 : vector<16x128xf32>
    %add3A_72 = arith.addf %add3A_68, %exp3A_71 : vector<16x128xf32>
    %slice3A_73 = vector.extract_strided_slice %get3A_3 {offsets = [0, 1280], sizes = [16, 128], strides = [1, 1]} : vector<16x32768xf32> to vector<16x128xf32>
    %max3A_74 = arith.maximumf %max3A_29, %slice3A_73 : vector<16x128xf32>
    %min3A_75 = arith.minimumf %max3A_29, %slice3A_73 : vector<16x128xf32>
    %max3A_76 = arith.maximumf %max3A_31, %min3A_75 : vector<16x128xf32>
    %min3A_77 = arith.minimumf %max3A_31, %min3A_75 : vector<16x128xf32>
    %max3A_78 = arith.maximumf %max3A_33, %min3A_77 : vector<16x128xf32>
    %min3A_79 = arith.minimumf %max3A_33, %min3A_77 : vector<16x128xf32>
    %max3A_80 = arith.maximumf %max3A_35, %min3A_79 : vector<16x128xf32>
    %min3A_81 = arith.minimumf %max3A_35, %min3A_79 : vector<16x128xf32>
    %max3A_82 = arith.maximumf %min3A_36, %min3A_81 : vector<16x128xf32>
    %exp3A_83 = math.exp %slice3A_73 : vector<16x128xf32>
    %add3A_84 = arith.addf %add3A_70, %exp3A_83 : vector<16x128xf32>
    %slice3A_85 = vector.extract_strided_slice %get3A_3 {offsets = [0, 1408], sizes = [16, 128], strides = [1, 1]} : vector<16x32768xf32> to vector<16x128xf32>
    %max3A_86 = arith.maximumf %max3A_49, %slice3A_85 : vector<16x128xf32>
    %min3A_87 = arith.minimumf %max3A_49, %slice3A_85 : vector<16x128xf32>
    %max3A_88 = arith.maximumf %max3A_51, %min3A_87 : vector<16x128xf32>
    %min3A_89 = arith.minimumf %max3A_51, %min3A_87 : vector<16x128xf32>
    %max3A_90 = arith.maximumf %max3A_53, %min3A_89 : vector<16x128xf32>
    %min3A_91 = arith.minimumf %max3A_53, %min3A_89 : vector<16x128xf32>
    %max3A_92 = arith.maximumf %max3A_55, %min3A_91 : vector<16x128xf32>
    %min3A_93 = arith.minimumf %max3A_55, %min3A_91 : vector<16x128xf32>
    %max3A_94 = arith.maximumf %min3A_56, %min3A_93 : vector<16x128xf32>
    %exp3A_95 = math.exp %slice3A_85 : vector<16x128xf32>
    %add3A_96 = arith.addf %add3A_72, %exp3A_95 : vector<16x128xf32>
    %slice3A_97 = vector.extract_strided_slice %get3A_3 {offsets = [0, 1536], sizes = [16, 128], strides = [1, 1]} : vector<16x32768xf32> to vector<16x128xf32>
    %max3A_98 = arith.maximumf %max3A_74, %slice3A_97 : vector<16x128xf32>
    %min3A_99 = arith.minimumf %max3A_74, %slice3A_97 : vector<16x128xf32>
    %max3A_100 = arith.maximumf %max3A_76, %min3A_99 : vector<16x128xf32>
    %min3A_101 = arith.minimumf %max3A_76, %min3A_99 : vector<16x128xf32>
    %max3A_102 = arith.maximumf %max3A_78, %min3A_101 : vector<16x128xf32>
    %min3A_103 = arith.minimumf %max3A_78, %min3A_101 : vector<16x128xf32>
    %max3A_104 = arith.maximumf %max3A_80, %min3A_103 : vector<16x128xf32>
    %min3A_105 = arith.minimumf %max3A_80, %min3A_103 : vector<16x128xf32>
    %max3A_106 = arith.maximumf %max3A_82, %min3A_105 : vector<16x128xf32>
    %exp3A_107 = math.exp %slice3A_97 : vector<16x128xf32>
    %add3A_108 = arith.addf %add3A_84, %exp3A_107 : vector<16x128xf32>
    %slice3A_109 = vector.extract_strided_slice %get3A_3 {offsets = [0, 1664], sizes = [16, 128], strides = [1, 1]} : vector<16x32768xf32> to vector<16x128xf32>
    %max3A_110 = arith.maximumf %max3A_86, %slice3A_109 : vector<16x128xf32>
    %min3A_111 = arith.minimumf %max3A_86, %slice3A_109 : vector<16x128xf32>
    %max3A_112 = arith.maximumf %max3A_88, %min3A_111 : vector<16x128xf32>
    %min3A_113 = arith.minimumf %max3A_88, %min3A_111 : vector<16x128xf32>
    %max3A_114 = arith.maximumf %max3A_90, %min3A_113 : vector<16x128xf32>
    %min3A_115 = arith.minimumf %max3A_90, %min3A_113 : vector<16x128xf32>
    %max3A_116 = arith.maximumf %max3A_92, %min3A_115 : vector<16x128xf32>
    %min3A_117 = arith.minimumf %max3A_92, %min3A_115 : vector<16x128xf32>
    %max3A_118 = arith.maximumf %max3A_94, %min3A_117 : vector<16x128xf32>
    %exp3A_119 = math.exp %slice3A_109 : vector<16x128xf32>
    %add3A_120 = arith.addf %add3A_96, %exp3A_119 : vector<16x128xf32>
    %slice3A_121 = vector.extract_strided_slice %get3A_3 {offsets = [0, 1792], sizes = [16, 128], strides = [1, 1]} : vector<16x32768xf32> to vector<16x128xf32>
    %max3A_122 = arith.maximumf %max3A_98, %slice3A_121 : vector<16x128xf32>
    %min3A_123 = arith.minimumf %max3A_98, %slice3A_121 : vector<16x128xf32>
    %max3A_124 = arith.maximumf %max3A_100, %min3A_123 : vector<16x128xf32>
    %min3A_125 = arith.minimumf %max3A_100, %min3A_123 : vector<16x128xf32>
    %max3A_126 = arith.maximumf %max3A_102, %min3A_125 : vector<16x128xf32>
    %min3A_127 = arith.minimumf %max3A_102, %min3A_125 : vector<16x128xf32>
    %max3A_128 = arith.maximumf %max3A_104, %min3A_127 : vector<16x128xf32>
    %min3A_129 = arith.minimumf %max3A_104, %min3A_127 : vector<16x128xf32>
    %max3A_130 = arith.maximumf %max3A_106, %min3A_129 : vector<16x128xf32>
    %exp3A_131 = math.exp %slice3A_121 : vector<16x128xf32>
    %add3A_132 = arith.addf %add3A_108, %exp3A_131 : vector<16x128xf32>
    %slice3A_133 = vector.extract_strided_slice %get3A_3 {offsets = [0, 1920], sizes = [16, 128], strides = [1, 1]} : vector<16x32768xf32> to vector<16x128xf32>
    %max3A_134 = arith.maximumf %max3A_110, %slice3A_133 : vector<16x128xf32>
    %min3A_135 = arith.minimumf %max3A_110, %slice3A_133 : vector<16x128xf32>
    %max3A_136 = arith.maximumf %max3A_112, %min3A_135 : vector<16x128xf32>
    %min3A_137 = arith.minimumf %max3A_112, %min3A_135 : vector<16x128xf32>
    %max3A_138 = arith.maximumf %max3A_114, %min3A_137 : vector<16x128xf32>
    %min3A_139 = arith.minimumf %max3A_114, %min3A_137 : vector<16x128xf32>
    %max3A_140 = arith.maximumf %max3A_116, %min3A_139 : vector<16x128xf32>
    %min3A_141 = arith.minimumf %max3A_116, %min3A_139 : vector<16x128xf32>
    %max3A_142 = arith.maximumf %max3A_118, %min3A_141 : vector<16x128xf32>
    %exp3A_143 = math.exp %slice3A_133 : vector<16x128xf32>
    %add3A_144 = arith.addf %add3A_120, %exp3A_143 : vector<16x128xf32>
    %slice3A_145 = vector.extract_strided_slice %get3A_3 {offsets = [0, 2048], sizes = [16, 128], strides = [1, 1]} : vector<16x32768xf32> to vector<16x128xf32>
    %max3A_146 = arith.maximumf %max3A_122, %slice3A_145 : vector<16x128xf32>
    %min3A_147 = arith.minimumf %max3A_122, %slice3A_145 : vector<16x128xf32>
    %max3A_148 = arith.maximumf %max3A_124, %min3A_147 : vector<16x128xf32>
    %min3A_149 = arith.minimumf %max3A_124, %min3A_147 : vector<16x128xf32>
    %max3A_150 = arith.maximumf %max3A_126, %min3A_149 : vector<16x128xf32>
    %min3A_151 = arith.minimumf %max3A_126, %min3A_149 : vector<16x128xf32>
    %max3A_152 = arith.maximumf %max3A_128, %min3A_151 : vector<16x128xf32>
    %min3A_153 = arith.minimumf %max3A_128, %min3A_151 : vector<16x128xf32>
    %max3A_154 = arith.maximumf %max3A_130, %min3A_153 : vector<16x128xf32>
    %exp3A_155 = math.exp %slice3A_145 : vector<16x128xf32>
    %add3A_156 = arith.addf %add3A_132, %exp3A_155 : vector<16x128xf32>
    %slice3A_157 = vector.extract_strided_slice %get3A_3 {offsets = [0, 2176], sizes = [16, 128], strides = [1, 1]} : vector<16x32768xf32> to vector<16x128xf32>
    %max3A_158 = arith.maximumf %max3A_134, %slice3A_157 : vector<16x128xf32>
    %min3A_159 = arith.minimumf %max3A_134, %slice3A_157 : vector<16x128xf32>
    %max3A_160 = arith.maximumf %max3A_136, %min3A_159 : vector<16x128xf32>
    %min3A_161 = arith.minimumf %max3A_136, %min3A_159 : vector<16x128xf32>
    %max3A_162 = arith.maximumf %max3A_138, %min3A_161 : vector<16x128xf32>
    %min3A_163 = arith.minimumf %max3A_138, %min3A_161 : vector<16x128xf32>
    %max3A_164 = arith.maximumf %max3A_140, %min3A_163 : vector<16x128xf32>
    %min3A_165 = arith.minimumf %max3A_140, %min3A_163 : vector<16x128xf32>
    %max3A_166 = arith.maximumf %max3A_142, %min3A_165 : vector<16x128xf32>
    %exp3A_167 = math.exp %slice3A_157 : vector<16x128xf32>
    %add3A_168 = arith.addf %add3A_144, %exp3A_167 : vector<16x128xf32>
    %slice3A_169 = vector.extract_strided_slice %get3A_3 {offsets = [0, 2304], sizes = [16, 128], strides = [1, 1]} : vector<16x32768xf32> to vector<16x128xf32>
    %max3A_170 = arith.maximumf %max3A_146, %slice3A_169 : vector<16x128xf32>
    %min3A_171 = arith.minimumf %max3A_146, %slice3A_169 : vector<16x128xf32>
    %max3A_172 = arith.maximumf %max3A_148, %min3A_171 : vector<16x128xf32>
    %min3A_173 = arith.minimumf %max3A_148, %min3A_171 : vector<16x128xf32>
    %max3A_174 = arith.maximumf %max3A_150, %min3A_173 : vector<16x128xf32>
    %min3A_175 = arith.minimumf %max3A_150, %min3A_173 : vector<16x128xf32>
    %max3A_176 = arith.maximumf %max3A_152, %min3A_175 : vector<16x128xf32>
    %min3A_177 = arith.minimumf %max3A_152, %min3A_175 : vector<16x128xf32>
    %max3A_178 = arith.maximumf %max3A_154, %min3A_177 : vector<16x128xf32>
    %exp3A_179 = math.exp %slice3A_169 : vector<16x128xf32>
    %add3A_180 = arith.addf %add3A_156, %exp3A_179 : vector<16x128xf32>
    %slice3A_181 = vector.extract_strided_slice %get3A_3 {offsets = [0, 2432], sizes = [16, 128], strides = [1, 1]} : vector<16x32768xf32> to vector<16x128xf32>
    %max3A_182 = arith.maximumf %max3A_158, %slice3A_181 : vector<16x128xf32>
    %min3A_183 = arith.minimumf %max3A_158, %slice3A_181 : vector<16x128xf32>
    %max3A_184 = arith.maximumf %max3A_160, %min3A_183 : vector<16x128xf32>
    %min3A_185 = arith.minimumf %max3A_160, %min3A_183 : vector<16x128xf32>
    %max3A_186 = arith.maximumf %max3A_162, %min3A_185 : vector<16x128xf32>
    %min3A_187 = arith.minimumf %max3A_162, %min3A_185 : vector<16x128xf32>
    %max3A_188 = arith.maximumf %max3A_164, %min3A_187 : vector<16x128xf32>
    %min3A_189 = arith.minimumf %max3A_164, %min3A_187 : vector<16x128xf32>
    %max3A_190 = arith.maximumf %max3A_166, %min3A_189 : vector<16x128xf32>
    %exp3A_191 = math.exp %slice3A_181 : vector<16x128xf32>
    %add3A_192 = arith.addf %add3A_168, %exp3A_191 : vector<16x128xf32>
    %slice3A_193 = vector.extract_strided_slice %get3A_3 {offsets = [0, 2560], sizes = [16, 128], strides = [1, 1]} : vector<16x32768xf32> to vector<16x128xf32>
    %max3A_194 = arith.maximumf %max3A_170, %slice3A_193 : vector<16x128xf32>
    %min3A_195 = arith.minimumf %max3A_170, %slice3A_193 : vector<16x128xf32>
    %max3A_196 = arith.maximumf %max3A_172, %min3A_195 : vector<16x128xf32>
    %min3A_197 = arith.minimumf %max3A_172, %min3A_195 : vector<16x128xf32>
    %max3A_198 = arith.maximumf %max3A_174, %min3A_197 : vector<16x128xf32>
    %min3A_199 = arith.minimumf %max3A_174, %min3A_197 : vector<16x128xf32>
    %max3A_200 = arith.maximumf %max3A_176, %min3A_199 : vector<16x128xf32>
    %min3A_201 = arith.minimumf %max3A_176, %min3A_199 : vector<16x128xf32>
    %max3A_202 = arith.maximumf %max3A_178, %min3A_201 : vector<16x128xf32>
    %exp3A_203 = math.exp %slice3A_193 : vector<16x128xf32>
    %add3A_204 = arith.addf %add3A_180, %exp3A_203 : vector<16x128xf32>
    %slice3A_205 = vector.extract_strided_slice %get3A_3 {offsets = [0, 2688], sizes = [16, 128], strides = [1, 1]} : vector<16x32768xf32> to vector<16x128xf32>
    %max3A_206 = arith.maximumf %max3A_182, %slice3A_205 : vector<16x128xf32>
    %min3A_207 = arith.minimumf %max3A_182, %slice3A_205 : vector<16x128xf32>
    %max3A_208 = arith.maximumf %max3A_184, %min3A_207 : vector<16x128xf32>
    %min3A_209 = arith.minimumf %max3A_184, %min3A_207 : vector<16x128xf32>
    %max3A_210 = arith.maximumf %max3A_186, %min3A_209 : vector<16x128xf32>
    %min3A_211 = arith.minimumf %max3A_186, %min3A_209 : vector<16x128xf32>
    %max3A_212 = arith.maximumf %max3A_188, %min3A_211 : vector<16x128xf32>
    %min3A_213 = arith.minimumf %max3A_188, %min3A_211 : vector<16x128xf32>
    %max3A_214 = arith.maximumf %max3A_190, %min3A_213 : vector<16x128xf32>
    %exp3A_215 = math.exp %slice3A_205 : vector<16x128xf32>
    %add3A_216 = arith.addf %add3A_192, %exp3A_215 : vector<16x128xf32>
    %slice3A_217 = vector.extract_strided_slice %get3A_3 {offsets = [0, 2816], sizes = [16, 128], strides = [1, 1]} : vector<16x32768xf32> to vector<16x128xf32>
    %max3A_218 = arith.maximumf %max3A_194, %slice3A_217 : vector<16x128xf32>
    %min3A_219 = arith.minimumf %max3A_194, %slice3A_217 : vector<16x128xf32>
    %max3A_220 = arith.maximumf %max3A_196, %min3A_219 : vector<16x128xf32>
    %min3A_221 = arith.minimumf %max3A_196, %min3A_219 : vector<16x128xf32>
    %max3A_222 = arith.maximumf %max3A_198, %min3A_221 : vector<16x128xf32>
    %min3A_223 = arith.minimumf %max3A_198, %min3A_221 : vector<16x128xf32>
    %max3A_224 = arith.maximumf %max3A_200, %min3A_223 : vector<16x128xf32>
    %min3A_225 = arith.minimumf %max3A_200, %min3A_223 : vector<16x128xf32>
    %max3A_226 = arith.maximumf %max3A_202, %min3A_225 : vector<16x128xf32>
    %exp3A_227 = math.exp %slice3A_217 : vector<16x128xf32>
    %add3A_228 = arith.addf %add3A_204, %exp3A_227 : vector<16x128xf32>
    %slice3A_229 = vector.extract_strided_slice %get3A_3 {offsets = [0, 2944], sizes = [16, 128], strides = [1, 1]} : vector<16x32768xf32> to vector<16x128xf32>
    %max3A_230 = arith.maximumf %max3A_206, %slice3A_229 : vector<16x128xf32>
    %min3A_231 = arith.minimumf %max3A_206, %slice3A_229 : vector<16x128xf32>
    %max3A_232 = arith.maximumf %max3A_208, %min3A_231 : vector<16x128xf32>
    %min3A_233 = arith.minimumf %max3A_208, %min3A_231 : vector<16x128xf32>
    %max3A_234 = arith.maximumf %max3A_210, %min3A_233 : vector<16x128xf32>
    %min3A_235 = arith.minimumf %max3A_210, %min3A_233 : vector<16x128xf32>
    %max3A_236 = arith.maximumf %max3A_212, %min3A_235 : vector<16x128xf32>
    %min3A_237 = arith.minimumf %max3A_212, %min3A_235 : vector<16x128xf32>
    %max3A_238 = arith.maximumf %max3A_214, %min3A_237 : vector<16x128xf32>
    %exp3A_239 = math.exp %slice3A_229 : vector<16x128xf32>
    %add3A_240 = arith.addf %add3A_216, %exp3A_239 : vector<16x128xf32>
    %slice3A_241 = vector.extract_strided_slice %get3A_3 {offsets = [0, 3072], sizes = [16, 128], strides = [1, 1]} : vector<16x32768xf32> to vector<16x128xf32>
    %max3A_242 = arith.maximumf %max3A_218, %slice3A_241 : vector<16x128xf32>
    %min3A_243 = arith.minimumf %max3A_218, %slice3A_241 : vector<16x128xf32>
    %max3A_244 = arith.maximumf %max3A_220, %min3A_243 : vector<16x128xf32>
    %min3A_245 = arith.minimumf %max3A_220, %min3A_243 : vector<16x128xf32>
    %max3A_246 = arith.maximumf %max3A_222, %min3A_245 : vector<16x128xf32>
    %min3A_247 = arith.minimumf %max3A_222, %min3A_245 : vector<16x128xf32>
    %max3A_248 = arith.maximumf %max3A_224, %min3A_247 : vector<16x128xf32>
    %min3A_249 = arith.minimumf %max3A_224, %min3A_247 : vector<16x128xf32>
    %max3A_250 = arith.maximumf %max3A_226, %min3A_249 : vector<16x128xf32>
    %exp3A_251 = math.exp %slice3A_241 : vector<16x128xf32>
    %add3A_252 = arith.addf %add3A_228, %exp3A_251 : vector<16x128xf32>
    %slice3A_253 = vector.extract_strided_slice %get3A_3 {offsets = [0, 3200], sizes = [16, 128], strides = [1, 1]} : vector<16x32768xf32> to vector<16x128xf32>
    %max3A_254 = arith.maximumf %max3A_230, %slice3A_253 : vector<16x128xf32>
    %min3A_255 = arith.minimumf %max3A_230, %slice3A_253 : vector<16x128xf32>
    %max3A_256 = arith.maximumf %max3A_232, %min3A_255 : vector<16x128xf32>
    %min3A_257 = arith.minimumf %max3A_232, %min3A_255 : vector<16x128xf32>
    %max3A_258 = arith.maximumf %max3A_234, %min3A_257 : vector<16x128xf32>
    %min3A_259 = arith.minimumf %max3A_234, %min3A_257 : vector<16x128xf32>
    %max3A_260 = arith.maximumf %max3A_236, %min3A_259 : vector<16x128xf32>
    %min3A_261 = arith.minimumf %max3A_236, %min3A_259 : vector<16x128xf32>
    %max3A_262 = arith.maximumf %max3A_238, %min3A_261 : vector<16x128xf32>
    %exp3A_263 = math.exp %slice3A_253 : vector<16x128xf32>
    %add3A_264 = arith.addf %add3A_240, %exp3A_263 : vector<16x128xf32>
    %slice3A_265 = vector.extract_strided_slice %get3A_3 {offsets = [0, 3328], sizes = [16, 128], strides = [1, 1]} : vector<16x32768xf32> to vector<16x128xf32>
    %max3A_266 = arith.maximumf %max3A_242, %slice3A_265 : vector<16x128xf32>
    %min3A_267 = arith.minimumf %max3A_242, %slice3A_265 : vector<16x128xf32>
    %max3A_268 = arith.maximumf %max3A_244, %min3A_267 : vector<16x128xf32>
    %min3A_269 = arith.minimumf %max3A_244, %min3A_267 : vector<16x128xf32>
    %max3A_270 = arith.maximumf %max3A_246, %min3A_269 : vector<16x128xf32>
    %min3A_271 = arith.minimumf %max3A_246, %min3A_269 : vector<16x128xf32>
    %max3A_272 = arith.maximumf %max3A_248, %min3A_271 : vector<16x128xf32>
    %min3A_273 = arith.minimumf %max3A_248, %min3A_271 : vector<16x128xf32>
    %max3A_274 = arith.maximumf %max3A_250, %min3A_273 : vector<16x128xf32>
    %exp3A_275 = math.exp %slice3A_265 : vector<16x128xf32>
    %add3A_276 = arith.addf %add3A_252, %exp3A_275 : vector<16x128xf32>
    %slice3A_277 = vector.extract_strided_slice %get3A_3 {offsets = [0, 3456], sizes = [16, 128], strides = [1, 1]} : vector<16x32768xf32> to vector<16x128xf32>
    %max3A_278 = arith.maximumf %max3A_254, %slice3A_277 : vector<16x128xf32>
    %min3A_279 = arith.minimumf %max3A_254, %slice3A_277 : vector<16x128xf32>
    %max3A_280 = arith.maximumf %max3A_256, %min3A_279 : vector<16x128xf32>
    %min3A_281 = arith.minimumf %max3A_256, %min3A_279 : vector<16x128xf32>
    %max3A_282 = arith.maximumf %max3A_258, %min3A_281 : vector<16x128xf32>
    %min3A_283 = arith.minimumf %max3A_258, %min3A_281 : vector<16x128xf32>
    %max3A_284 = arith.maximumf %max3A_260, %min3A_283 : vector<16x128xf32>
    %min3A_285 = arith.minimumf %max3A_260, %min3A_283 : vector<16x128xf32>
    %max3A_286 = arith.maximumf %max3A_262, %min3A_285 : vector<16x128xf32>
    %exp3A_287 = math.exp %slice3A_277 : vector<16x128xf32>
    %add3A_288 = arith.addf %add3A_264, %exp3A_287 : vector<16x128xf32>
    %slice3A_289 = vector.extract_strided_slice %get3A_3 {offsets = [0, 3584], sizes = [16, 128], strides = [1, 1]} : vector<16x32768xf32> to vector<16x128xf32>
    %max3A_290 = arith.maximumf %max3A_266, %slice3A_289 : vector<16x128xf32>
    %min3A_291 = arith.minimumf %max3A_266, %slice3A_289 : vector<16x128xf32>
    %max3A_292 = arith.maximumf %max3A_268, %min3A_291 : vector<16x128xf32>
    %min3A_293 = arith.minimumf %max3A_268, %min3A_291 : vector<16x128xf32>
    %max3A_294 = arith.maximumf %max3A_270, %min3A_293 : vector<16x128xf32>
    %min3A_295 = arith.minimumf %max3A_270, %min3A_293 : vector<16x128xf32>
    %max3A_296 = arith.maximumf %max3A_272, %min3A_295 : vector<16x128xf32>
    %min3A_297 = arith.minimumf %max3A_272, %min3A_295 : vector<16x128xf32>
    %max3A_298 = arith.maximumf %max3A_274, %min3A_297 : vector<16x128xf32>
    %exp3A_299 = math.exp %slice3A_289 : vector<16x128xf32>
    %add3A_300 = arith.addf %add3A_276, %exp3A_299 : vector<16x128xf32>
    %slice3A_301 = vector.extract_strided_slice %get3A_3 {offsets = [0, 3712], sizes = [16, 128], strides = [1, 1]} : vector<16x32768xf32> to vector<16x128xf32>
    %max3A_302 = arith.maximumf %max3A_278, %slice3A_301 : vector<16x128xf32>
    %min3A_303 = arith.minimumf %max3A_278, %slice3A_301 : vector<16x128xf32>
    %max3A_304 = arith.maximumf %max3A_280, %min3A_303 : vector<16x128xf32>
    %min3A_305 = arith.minimumf %max3A_280, %min3A_303 : vector<16x128xf32>
    %max3A_306 = arith.maximumf %max3A_282, %min3A_305 : vector<16x128xf32>
    %min3A_307 = arith.minimumf %max3A_282, %min3A_305 : vector<16x128xf32>
    %max3A_308 = arith.maximumf %max3A_284, %min3A_307 : vector<16x128xf32>
    %min3A_309 = arith.minimumf %max3A_284, %min3A_307 : vector<16x128xf32>
    %max3A_310 = arith.maximumf %max3A_286, %min3A_309 : vector<16x128xf32>
    %exp3A_311 = math.exp %slice3A_301 : vector<16x128xf32>
    %add3A_312 = arith.addf %add3A_288, %exp3A_311 : vector<16x128xf32>
    %slice3A_313 = vector.extract_strided_slice %get3A_3 {offsets = [0, 3840], sizes = [16, 128], strides = [1, 1]} : vector<16x32768xf32> to vector<16x128xf32>
    %max3A_314 = arith.maximumf %max3A_290, %slice3A_313 : vector<16x128xf32>
    %min3A_315 = arith.minimumf %max3A_290, %slice3A_313 : vector<16x128xf32>
    %max3A_316 = arith.maximumf %max3A_292, %min3A_315 : vector<16x128xf32>
    %min3A_317 = arith.minimumf %max3A_292, %min3A_315 : vector<16x128xf32>
    %max3A_318 = arith.maximumf %max3A_294, %min3A_317 : vector<16x128xf32>
    %min3A_319 = arith.minimumf %max3A_294, %min3A_317 : vector<16x128xf32>
    %max3A_320 = arith.maximumf %max3A_296, %min3A_319 : vector<16x128xf32>
    %min3A_321 = arith.minimumf %max3A_296, %min3A_319 : vector<16x128xf32>
    %max3A_322 = arith.maximumf %max3A_298, %min3A_321 : vector<16x128xf32>
    %exp3A_323 = math.exp %slice3A_313 : vector<16x128xf32>
    %add3A_324 = arith.addf %add3A_300, %exp3A_323 : vector<16x128xf32>
    %slice3A_325 = vector.extract_strided_slice %get3A_3 {offsets = [0, 3968], sizes = [16, 128], strides = [1, 1]} : vector<16x32768xf32> to vector<16x128xf32>
    %max3A_326 = arith.maximumf %max3A_302, %slice3A_325 : vector<16x128xf32>
    %min3A_327 = arith.minimumf %max3A_302, %slice3A_325 : vector<16x128xf32>
    %max3A_328 = arith.maximumf %max3A_304, %min3A_327 : vector<16x128xf32>
    %min3A_329 = arith.minimumf %max3A_304, %min3A_327 : vector<16x128xf32>
    %max3A_330 = arith.maximumf %max3A_306, %min3A_329 : vector<16x128xf32>
    %min3A_331 = arith.minimumf %max3A_306, %min3A_329 : vector<16x128xf32>
    %max3A_332 = arith.maximumf %max3A_308, %min3A_331 : vector<16x128xf32>
    %min3A_333 = arith.minimumf %max3A_308, %min3A_331 : vector<16x128xf32>
    %max3A_334 = arith.maximumf %max3A_310, %min3A_333 : vector<16x128xf32>
    %exp3A_335 = math.exp %slice3A_325 : vector<16x128xf32>
    %add3A_336 = arith.addf %add3A_312, %exp3A_335 : vector<16x128xf32>
    %slice3A_337 = vector.extract_strided_slice %get3A_3 {offsets = [0, 4096], sizes = [16, 128], strides = [1, 1]} : vector<16x32768xf32> to vector<16x128xf32>
    %max3A_338 = arith.maximumf %max3A_314, %slice3A_337 : vector<16x128xf32>
    %min3A_339 = arith.minimumf %max3A_314, %slice3A_337 : vector<16x128xf32>
    %max3A_340 = arith.maximumf %max3A_316, %min3A_339 : vector<16x128xf32>
    %min3A_341 = arith.minimumf %max3A_316, %min3A_339 : vector<16x128xf32>
    %max3A_342 = arith.maximumf %max3A_318, %min3A_341 : vector<16x128xf32>
    %min3A_343 = arith.minimumf %max3A_318, %min3A_341 : vector<16x128xf32>
    %max3A_344 = arith.maximumf %max3A_320, %min3A_343 : vector<16x128xf32>
    %min3A_345 = arith.minimumf %max3A_320, %min3A_343 : vector<16x128xf32>
    %max3A_346 = arith.maximumf %max3A_322, %min3A_345 : vector<16x128xf32>
    %exp3A_347 = math.exp %slice3A_337 : vector<16x128xf32>
    %add3A_348 = arith.addf %add3A_324, %exp3A_347 : vector<16x128xf32>
    %slice3A_349 = vector.extract_strided_slice %get3A_3 {offsets = [0, 4224], sizes = [16, 128], strides = [1, 1]} : vector<16x32768xf32> to vector<16x128xf32>
    %max3A_350 = arith.maximumf %max3A_326, %slice3A_349 : vector<16x128xf32>
    %min3A_351 = arith.minimumf %max3A_326, %slice3A_349 : vector<16x128xf32>
    %max3A_352 = arith.maximumf %max3A_328, %min3A_351 : vector<16x128xf32>
    %min3A_353 = arith.minimumf %max3A_328, %min3A_351 : vector<16x128xf32>
    %max3A_354 = arith.maximumf %max3A_330, %min3A_353 : vector<16x128xf32>
    %min3A_355 = arith.minimumf %max3A_330, %min3A_353 : vector<16x128xf32>
    %max3A_356 = arith.maximumf %max3A_332, %min3A_355 : vector<16x128xf32>
    %min3A_357 = arith.minimumf %max3A_332, %min3A_355 : vector<16x128xf32>
    %max3A_358 = arith.maximumf %max3A_334, %min3A_357 : vector<16x128xf32>
    %exp3A_359 = math.exp %slice3A_349 : vector<16x128xf32>
    %add3A_360 = arith.addf %add3A_336, %exp3A_359 : vector<16x128xf32>
    %slice3A_361 = vector.extract_strided_slice %get3A_3 {offsets = [0, 4352], sizes = [16, 128], strides = [1, 1]} : vector<16x32768xf32> to vector<16x128xf32>
    %max3A_362 = arith.maximumf %max3A_338, %slice3A_361 : vector<16x128xf32>
    %min3A_363 = arith.minimumf %max3A_338, %slice3A_361 : vector<16x128xf32>
    %max3A_364 = arith.maximumf %max3A_340, %min3A_363 : vector<16x128xf32>
    %min3A_365 = arith.minimumf %max3A_340, %min3A_363 : vector<16x128xf32>
    %max3A_366 = arith.maximumf %max3A_342, %min3A_365 : vector<16x128xf32>
    %min3A_367 = arith.minimumf %max3A_342, %min3A_365 : vector<16x128xf32>
    %max3A_368 = arith.maximumf %max3A_344, %min3A_367 : vector<16x128xf32>
    %min3A_369 = arith.minimumf %max3A_344, %min3A_367 : vector<16x128xf32>
    %max3A_370 = arith.maximumf %max3A_346, %min3A_369 : vector<16x128xf32>
    %exp3A_371 = math.exp %slice3A_361 : vector<16x128xf32>
    %add3A_372 = arith.addf %add3A_348, %exp3A_371 : vector<16x128xf32>
    %slice3A_373 = vector.extract_strided_slice %get3A_3 {offsets = [0, 4480], sizes = [16, 128], strides = [1, 1]} : vector<16x32768xf32> to vector<16x128xf32>
    %max3A_374 = arith.maximumf %max3A_350, %slice3A_373 : vector<16x128xf32>
    %min3A_375 = arith.minimumf %max3A_350, %slice3A_373 : vector<16x128xf32>
    %max3A_376 = arith.maximumf %max3A_352, %min3A_375 : vector<16x128xf32>
    %min3A_377 = arith.minimumf %max3A_352, %min3A_375 : vector<16x128xf32>
    %max3A_378 = arith.maximumf %max3A_354, %min3A_377 : vector<16x128xf32>
    %min3A_379 = arith.minimumf %max3A_354, %min3A_377 : vector<16x128xf32>
    %max3A_380 = arith.maximumf %max3A_356, %min3A_379 : vector<16x128xf32>
    %min3A_381 = arith.minimumf %max3A_356, %min3A_379 : vector<16x128xf32>
    %max3A_382 = arith.maximumf %max3A_358, %min3A_381 : vector<16x128xf32>
    %exp3A_383 = math.exp %slice3A_373 : vector<16x128xf32>
    %add3A_384 = arith.addf %add3A_360, %exp3A_383 : vector<16x128xf32>
    %slice3A_385 = vector.extract_strided_slice %get3A_3 {offsets = [0, 4608], sizes = [16, 128], strides = [1, 1]} : vector<16x32768xf32> to vector<16x128xf32>
    %max3A_386 = arith.maximumf %max3A_362, %slice3A_385 : vector<16x128xf32>
    %min3A_387 = arith.minimumf %max3A_362, %slice3A_385 : vector<16x128xf32>
    %max3A_388 = arith.maximumf %max3A_364, %min3A_387 : vector<16x128xf32>
    %min3A_389 = arith.minimumf %max3A_364, %min3A_387 : vector<16x128xf32>
    %max3A_390 = arith.maximumf %max3A_366, %min3A_389 : vector<16x128xf32>
    %min3A_391 = arith.minimumf %max3A_366, %min3A_389 : vector<16x128xf32>
    %max3A_392 = arith.maximumf %max3A_368, %min3A_391 : vector<16x128xf32>
    %min3A_393 = arith.minimumf %max3A_368, %min3A_391 : vector<16x128xf32>
    %max3A_394 = arith.maximumf %max3A_370, %min3A_393 : vector<16x128xf32>
    %exp3A_395 = math.exp %slice3A_385 : vector<16x128xf32>
    %add3A_396 = arith.addf %add3A_372, %exp3A_395 : vector<16x128xf32>
    %slice3A_397 = vector.extract_strided_slice %get3A_3 {offsets = [0, 4736], sizes = [16, 128], strides = [1, 1]} : vector<16x32768xf32> to vector<16x128xf32>
    %max3A_398 = arith.maximumf %max3A_374, %slice3A_397 : vector<16x128xf32>
    %min3A_399 = arith.minimumf %max3A_374, %slice3A_397 : vector<16x128xf32>
    %max3A_400 = arith.maximumf %max3A_376, %min3A_399 : vector<16x128xf32>
    %min3A_401 = arith.minimumf %max3A_376, %min3A_399 : vector<16x128xf32>
    %max3A_402 = arith.maximumf %max3A_378, %min3A_401 : vector<16x128xf32>
    %min3A_403 = arith.minimumf %max3A_378, %min3A_401 : vector<16x128xf32>
    %max3A_404 = arith.maximumf %max3A_380, %min3A_403 : vector<16x128xf32>
    %min3A_405 = arith.minimumf %max3A_380, %min3A_403 : vector<16x128xf32>
    %max3A_406 = arith.maximumf %max3A_382, %min3A_405 : vector<16x128xf32>
    %exp3A_407 = math.exp %slice3A_397 : vector<16x128xf32>
    %add3A_408 = arith.addf %add3A_384, %exp3A_407 : vector<16x128xf32>
    %slice3A_409 = vector.extract_strided_slice %get3A_3 {offsets = [0, 4864], sizes = [16, 128], strides = [1, 1]} : vector<16x32768xf32> to vector<16x128xf32>
    %max3A_410 = arith.maximumf %max3A_386, %slice3A_409 : vector<16x128xf32>
    %min3A_411 = arith.minimumf %max3A_386, %slice3A_409 : vector<16x128xf32>
    %max3A_412 = arith.maximumf %max3A_388, %min3A_411 : vector<16x128xf32>
    %min3A_413 = arith.minimumf %max3A_388, %min3A_411 : vector<16x128xf32>
    %max3A_414 = arith.maximumf %max3A_390, %min3A_413 : vector<16x128xf32>
    %min3A_415 = arith.minimumf %max3A_390, %min3A_413 : vector<16x128xf32>
    %max3A_416 = arith.maximumf %max3A_392, %min3A_415 : vector<16x128xf32>
    %min3A_417 = arith.minimumf %max3A_392, %min3A_415 : vector<16x128xf32>
    %max3A_418 = arith.maximumf %max3A_394, %min3A_417 : vector<16x128xf32>
    %exp3A_419 = math.exp %slice3A_409 : vector<16x128xf32>
    %add3A_420 = arith.addf %add3A_396, %exp3A_419 : vector<16x128xf32>
    %slice3A_421 = vector.extract_strided_slice %get3A_3 {offsets = [0, 4992], sizes = [16, 128], strides = [1, 1]} : vector<16x32768xf32> to vector<16x128xf32>
    %max3A_422 = arith.maximumf %max3A_398, %slice3A_421 : vector<16x128xf32>
    %min3A_423 = arith.minimumf %max3A_398, %slice3A_421 : vector<16x128xf32>
    %max3A_424 = arith.maximumf %max3A_400, %min3A_423 : vector<16x128xf32>
    %min3A_425 = arith.minimumf %max3A_400, %min3A_423 : vector<16x128xf32>
    %max3A_426 = arith.maximumf %max3A_402, %min3A_425 : vector<16x128xf32>
    %min3A_427 = arith.minimumf %max3A_402, %min3A_425 : vector<16x128xf32>
    %max3A_428 = arith.maximumf %max3A_404, %min3A_427 : vector<16x128xf32>
    %min3A_429 = arith.minimumf %max3A_404, %min3A_427 : vector<16x128xf32>
    %max3A_430 = arith.maximumf %max3A_406, %min3A_429 : vector<16x128xf32>
    %exp3A_431 = math.exp %slice3A_421 : vector<16x128xf32>
    %add3A_432 = arith.addf %add3A_408, %exp3A_431 : vector<16x128xf32>
    %slice3A_433 = vector.extract_strided_slice %get3A_3 {offsets = [0, 5120], sizes = [16, 128], strides = [1, 1]} : vector<16x32768xf32> to vector<16x128xf32>
    %max3A_434 = arith.maximumf %max3A_410, %slice3A_433 : vector<16x128xf32>
    %min3A_435 = arith.minimumf %max3A_410, %slice3A_433 : vector<16x128xf32>
    %max3A_436 = arith.maximumf %max3A_412, %min3A_435 : vector<16x128xf32>
    %min3A_437 = arith.minimumf %max3A_412, %min3A_435 : vector<16x128xf32>
    %max3A_438 = arith.maximumf %max3A_414, %min3A_437 : vector<16x128xf32>
    %min3A_439 = arith.minimumf %max3A_414, %min3A_437 : vector<16x128xf32>
    %max3A_440 = arith.maximumf %max3A_416, %min3A_439 : vector<16x128xf32>
    %min3A_441 = arith.minimumf %max3A_416, %min3A_439 : vector<16x128xf32>
    %max3A_442 = arith.maximumf %max3A_418, %min3A_441 : vector<16x128xf32>
    %exp3A_443 = math.exp %slice3A_433 : vector<16x128xf32>
    %add3A_444 = arith.addf %add3A_420, %exp3A_443 : vector<16x128xf32>
    %slice3A_445 = vector.extract_strided_slice %get3A_3 {offsets = [0, 5248], sizes = [16, 128], strides = [1, 1]} : vector<16x32768xf32> to vector<16x128xf32>
    %max3A_446 = arith.maximumf %max3A_422, %slice3A_445 : vector<16x128xf32>
    %min3A_447 = arith.minimumf %max3A_422, %slice3A_445 : vector<16x128xf32>
    %max3A_448 = arith.maximumf %max3A_424, %min3A_447 : vector<16x128xf32>
    %min3A_449 = arith.minimumf %max3A_424, %min3A_447 : vector<16x128xf32>
    %max3A_450 = arith.maximumf %max3A_426, %min3A_449 : vector<16x128xf32>
    %min3A_451 = arith.minimumf %max3A_426, %min3A_449 : vector<16x128xf32>
    %max3A_452 = arith.maximumf %max3A_428, %min3A_451 : vector<16x128xf32>
    %min3A_453 = arith.minimumf %max3A_428, %min3A_451 : vector<16x128xf32>
    %max3A_454 = arith.maximumf %max3A_430, %min3A_453 : vector<16x128xf32>
    %exp3A_455 = math.exp %slice3A_445 : vector<16x128xf32>
    %add3A_456 = arith.addf %add3A_432, %exp3A_455 : vector<16x128xf32>
    %slice3A_457 = vector.extract_strided_slice %get3A_3 {offsets = [0, 5376], sizes = [16, 128], strides = [1, 1]} : vector<16x32768xf32> to vector<16x128xf32>
    %max3A_458 = arith.maximumf %max3A_434, %slice3A_457 : vector<16x128xf32>
    %min3A_459 = arith.minimumf %max3A_434, %slice3A_457 : vector<16x128xf32>
    %max3A_460 = arith.maximumf %max3A_436, %min3A_459 : vector<16x128xf32>
    %min3A_461 = arith.minimumf %max3A_436, %min3A_459 : vector<16x128xf32>
    %max3A_462 = arith.maximumf %max3A_438, %min3A_461 : vector<16x128xf32>
    %min3A_463 = arith.minimumf %max3A_438, %min3A_461 : vector<16x128xf32>
    %max3A_464 = arith.maximumf %max3A_440, %min3A_463 : vector<16x128xf32>
    %min3A_465 = arith.minimumf %max3A_440, %min3A_463 : vector<16x128xf32>
    %max3A_466 = arith.maximumf %max3A_442, %min3A_465 : vector<16x128xf32>
    %exp3A_467 = math.exp %slice3A_457 : vector<16x128xf32>
    %add3A_468 = arith.addf %add3A_444, %exp3A_467 : vector<16x128xf32>
    %slice3A_469 = vector.extract_strided_slice %get3A_3 {offsets = [0, 5504], sizes = [16, 128], strides = [1, 1]} : vector<16x32768xf32> to vector<16x128xf32>
    %max3A_470 = arith.maximumf %max3A_446, %slice3A_469 : vector<16x128xf32>
    %min3A_471 = arith.minimumf %max3A_446, %slice3A_469 : vector<16x128xf32>
    %max3A_472 = arith.maximumf %max3A_448, %min3A_471 : vector<16x128xf32>
    %min3A_473 = arith.minimumf %max3A_448, %min3A_471 : vector<16x128xf32>
    %max3A_474 = arith.maximumf %max3A_450, %min3A_473 : vector<16x128xf32>
    %min3A_475 = arith.minimumf %max3A_450, %min3A_473 : vector<16x128xf32>
    %max3A_476 = arith.maximumf %max3A_452, %min3A_475 : vector<16x128xf32>
    %min3A_477 = arith.minimumf %max3A_452, %min3A_475 : vector<16x128xf32>
    %max3A_478 = arith.maximumf %max3A_454, %min3A_477 : vector<16x128xf32>
    %exp3A_479 = math.exp %slice3A_469 : vector<16x128xf32>
    %add3A_480 = arith.addf %add3A_456, %exp3A_479 : vector<16x128xf32>
    %slice3A_481 = vector.extract_strided_slice %get3A_3 {offsets = [0, 5632], sizes = [16, 128], strides = [1, 1]} : vector<16x32768xf32> to vector<16x128xf32>
    %max3A_482 = arith.maximumf %max3A_458, %slice3A_481 : vector<16x128xf32>
    %min3A_483 = arith.minimumf %max3A_458, %slice3A_481 : vector<16x128xf32>
    %max3A_484 = arith.maximumf %max3A_460, %min3A_483 : vector<16x128xf32>
    %min3A_485 = arith.minimumf %max3A_460, %min3A_483 : vector<16x128xf32>
    %max3A_486 = arith.maximumf %max3A_462, %min3A_485 : vector<16x128xf32>
    %min3A_487 = arith.minimumf %max3A_462, %min3A_485 : vector<16x128xf32>
    %max3A_488 = arith.maximumf %max3A_464, %min3A_487 : vector<16x128xf32>
    %min3A_489 = arith.minimumf %max3A_464, %min3A_487 : vector<16x128xf32>
    %max3A_490 = arith.maximumf %max3A_466, %min3A_489 : vector<16x128xf32>
    %exp3A_491 = math.exp %slice3A_481 : vector<16x128xf32>
    %add3A_492 = arith.addf %add3A_468, %exp3A_491 : vector<16x128xf32>
    %slice3A_493 = vector.extract_strided_slice %get3A_3 {offsets = [0, 5760], sizes = [16, 128], strides = [1, 1]} : vector<16x32768xf32> to vector<16x128xf32>
    %max3A_494 = arith.maximumf %max3A_470, %slice3A_493 : vector<16x128xf32>
    %min3A_495 = arith.minimumf %max3A_470, %slice3A_493 : vector<16x128xf32>
    %max3A_496 = arith.maximumf %max3A_472, %min3A_495 : vector<16x128xf32>
    %min3A_497 = arith.minimumf %max3A_472, %min3A_495 : vector<16x128xf32>
    %max3A_498 = arith.maximumf %max3A_474, %min3A_497 : vector<16x128xf32>
    %min3A_499 = arith.minimumf %max3A_474, %min3A_497 : vector<16x128xf32>
    %max3A_500 = arith.maximumf %max3A_476, %min3A_499 : vector<16x128xf32>
    %min3A_501 = arith.minimumf %max3A_476, %min3A_499 : vector<16x128xf32>
    %max3A_502 = arith.maximumf %max3A_478, %min3A_501 : vector<16x128xf32>
    %exp3A_503 = math.exp %slice3A_493 : vector<16x128xf32>
    %add3A_504 = arith.addf %add3A_480, %exp3A_503 : vector<16x128xf32>
    %slice3A_505 = vector.extract_strided_slice %get3A_3 {offsets = [0, 5888], sizes = [16, 128], strides = [1, 1]} : vector<16x32768xf32> to vector<16x128xf32>
    %max3A_506 = arith.maximumf %max3A_482, %slice3A_505 : vector<16x128xf32>
    %min3A_507 = arith.minimumf %max3A_482, %slice3A_505 : vector<16x128xf32>
    %max3A_508 = arith.maximumf %max3A_484, %min3A_507 : vector<16x128xf32>
    %min3A_509 = arith.minimumf %max3A_484, %min3A_507 : vector<16x128xf32>
    %max3A_510 = arith.maximumf %max3A_486, %min3A_509 : vector<16x128xf32>
    %min3A_511 = arith.minimumf %max3A_486, %min3A_509 : vector<16x128xf32>
    %max3A_512 = arith.maximumf %max3A_488, %min3A_511 : vector<16x128xf32>
    %min3A_513 = arith.minimumf %max3A_488, %min3A_511 : vector<16x128xf32>
    %max3A_514 = arith.maximumf %max3A_490, %min3A_513 : vector<16x128xf32>
    %exp3A_515 = math.exp %slice3A_505 : vector<16x128xf32>
    %add3A_516 = arith.addf %add3A_492, %exp3A_515 : vector<16x128xf32>
    %slice3A_517 = vector.extract_strided_slice %get3A_3 {offsets = [0, 6016], sizes = [16, 128], strides = [1, 1]} : vector<16x32768xf32> to vector<16x128xf32>
    %max3A_518 = arith.maximumf %max3A_494, %slice3A_517 : vector<16x128xf32>
    %min3A_519 = arith.minimumf %max3A_494, %slice3A_517 : vector<16x128xf32>
    %max3A_520 = arith.maximumf %max3A_496, %min3A_519 : vector<16x128xf32>
    %min3A_521 = arith.minimumf %max3A_496, %min3A_519 : vector<16x128xf32>
    %max3A_522 = arith.maximumf %max3A_498, %min3A_521 : vector<16x128xf32>
    %min3A_523 = arith.minimumf %max3A_498, %min3A_521 : vector<16x128xf32>
    %max3A_524 = arith.maximumf %max3A_500, %min3A_523 : vector<16x128xf32>
    %min3A_525 = arith.minimumf %max3A_500, %min3A_523 : vector<16x128xf32>
    %max3A_526 = arith.maximumf %max3A_502, %min3A_525 : vector<16x128xf32>
    %exp3A_527 = math.exp %slice3A_517 : vector<16x128xf32>
    %add3A_528 = arith.addf %add3A_504, %exp3A_527 : vector<16x128xf32>
    %slice3A_529 = vector.extract_strided_slice %get3A_3 {offsets = [0, 6144], sizes = [16, 128], strides = [1, 1]} : vector<16x32768xf32> to vector<16x128xf32>
    %max3A_530 = arith.maximumf %max3A_506, %slice3A_529 : vector<16x128xf32>
    %min3A_531 = arith.minimumf %max3A_506, %slice3A_529 : vector<16x128xf32>
    %max3A_532 = arith.maximumf %max3A_508, %min3A_531 : vector<16x128xf32>
    %min3A_533 = arith.minimumf %max3A_508, %min3A_531 : vector<16x128xf32>
    %max3A_534 = arith.maximumf %max3A_510, %min3A_533 : vector<16x128xf32>
    %min3A_535 = arith.minimumf %max3A_510, %min3A_533 : vector<16x128xf32>
    %max3A_536 = arith.maximumf %max3A_512, %min3A_535 : vector<16x128xf32>
    %min3A_537 = arith.minimumf %max3A_512, %min3A_535 : vector<16x128xf32>
    %max3A_538 = arith.maximumf %max3A_514, %min3A_537 : vector<16x128xf32>
    %exp3A_539 = math.exp %slice3A_529 : vector<16x128xf32>
    %add3A_540 = arith.addf %add3A_516, %exp3A_539 : vector<16x128xf32>
    %slice3A_541 = vector.extract_strided_slice %get3A_3 {offsets = [0, 6272], sizes = [16, 128], strides = [1, 1]} : vector<16x32768xf32> to vector<16x128xf32>
    %max3A_542 = arith.maximumf %max3A_518, %slice3A_541 : vector<16x128xf32>
    %min3A_543 = arith.minimumf %max3A_518, %slice3A_541 : vector<16x128xf32>
    %max3A_544 = arith.maximumf %max3A_520, %min3A_543 : vector<16x128xf32>
    %min3A_545 = arith.minimumf %max3A_520, %min3A_543 : vector<16x128xf32>
    %max3A_546 = arith.maximumf %max3A_522, %min3A_545 : vector<16x128xf32>
    %min3A_547 = arith.minimumf %max3A_522, %min3A_545 : vector<16x128xf32>
    %max3A_548 = arith.maximumf %max3A_524, %min3A_547 : vector<16x128xf32>
    %min3A_549 = arith.minimumf %max3A_524, %min3A_547 : vector<16x128xf32>
    %max3A_550 = arith.maximumf %max3A_526, %min3A_549 : vector<16x128xf32>
    %exp3A_551 = math.exp %slice3A_541 : vector<16x128xf32>
    %add3A_552 = arith.addf %add3A_528, %exp3A_551 : vector<16x128xf32>
    %slice3A_553 = vector.extract_strided_slice %get3A_3 {offsets = [0, 6400], sizes = [16, 128], strides = [1, 1]} : vector<16x32768xf32> to vector<16x128xf32>
    %max3A_554 = arith.maximumf %max3A_530, %slice3A_553 : vector<16x128xf32>
    %min3A_555 = arith.minimumf %max3A_530, %slice3A_553 : vector<16x128xf32>
    %max3A_556 = arith.maximumf %max3A_532, %min3A_555 : vector<16x128xf32>
    %min3A_557 = arith.minimumf %max3A_532, %min3A_555 : vector<16x128xf32>
    %max3A_558 = arith.maximumf %max3A_534, %min3A_557 : vector<16x128xf32>
    %min3A_559 = arith.minimumf %max3A_534, %min3A_557 : vector<16x128xf32>
    %max3A_560 = arith.maximumf %max3A_536, %min3A_559 : vector<16x128xf32>
    %min3A_561 = arith.minimumf %max3A_536, %min3A_559 : vector<16x128xf32>
    %max3A_562 = arith.maximumf %max3A_538, %min3A_561 : vector<16x128xf32>
    %exp3A_563 = math.exp %slice3A_553 : vector<16x128xf32>
    %add3A_564 = arith.addf %add3A_540, %exp3A_563 : vector<16x128xf32>
    %slice3A_565 = vector.extract_strided_slice %get3A_3 {offsets = [0, 6528], sizes = [16, 128], strides = [1, 1]} : vector<16x32768xf32> to vector<16x128xf32>
    %max3A_566 = arith.maximumf %max3A_542, %slice3A_565 : vector<16x128xf32>
    %min3A_567 = arith.minimumf %max3A_542, %slice3A_565 : vector<16x128xf32>
    %max3A_568 = arith.maximumf %max3A_544, %min3A_567 : vector<16x128xf32>
    %min3A_569 = arith.minimumf %max3A_544, %min3A_567 : vector<16x128xf32>
    %max3A_570 = arith.maximumf %max3A_546, %min3A_569 : vector<16x128xf32>
    %min3A_571 = arith.minimumf %max3A_546, %min3A_569 : vector<16x128xf32>
    %max3A_572 = arith.maximumf %max3A_548, %min3A_571 : vector<16x128xf32>
    %min3A_573 = arith.minimumf %max3A_548, %min3A_571 : vector<16x128xf32>
    %max3A_574 = arith.maximumf %max3A_550, %min3A_573 : vector<16x128xf32>
    %exp3A_575 = math.exp %slice3A_565 : vector<16x128xf32>
    %add3A_576 = arith.addf %add3A_552, %exp3A_575 : vector<16x128xf32>
    %slice3A_577 = vector.extract_strided_slice %get3A_3 {offsets = [0, 6656], sizes = [16, 128], strides = [1, 1]} : vector<16x32768xf32> to vector<16x128xf32>
    %max3A_578 = arith.maximumf %max3A_554, %slice3A_577 : vector<16x128xf32>
    %min3A_579 = arith.minimumf %max3A_554, %slice3A_577 : vector<16x128xf32>
    %max3A_580 = arith.maximumf %max3A_556, %min3A_579 : vector<16x128xf32>
    %min3A_581 = arith.minimumf %max3A_556, %min3A_579 : vector<16x128xf32>
    %max3A_582 = arith.maximumf %max3A_558, %min3A_581 : vector<16x128xf32>
    %min3A_583 = arith.minimumf %max3A_558, %min3A_581 : vector<16x128xf32>
    %max3A_584 = arith.maximumf %max3A_560, %min3A_583 : vector<16x128xf32>
    %min3A_585 = arith.minimumf %max3A_560, %min3A_583 : vector<16x128xf32>
    %max3A_586 = arith.maximumf %max3A_562, %min3A_585 : vector<16x128xf32>
    %exp3A_587 = math.exp %slice3A_577 : vector<16x128xf32>
    %add3A_588 = arith.addf %add3A_564, %exp3A_587 : vector<16x128xf32>
    %slice3A_589 = vector.extract_strided_slice %get3A_3 {offsets = [0, 6784], sizes = [16, 128], strides = [1, 1]} : vector<16x32768xf32> to vector<16x128xf32>
    %max3A_590 = arith.maximumf %max3A_566, %slice3A_589 : vector<16x128xf32>
    %min3A_591 = arith.minimumf %max3A_566, %slice3A_589 : vector<16x128xf32>
    %max3A_592 = arith.maximumf %max3A_568, %min3A_591 : vector<16x128xf32>
    %min3A_593 = arith.minimumf %max3A_568, %min3A_591 : vector<16x128xf32>
    %max3A_594 = arith.maximumf %max3A_570, %min3A_593 : vector<16x128xf32>
    %min3A_595 = arith.minimumf %max3A_570, %min3A_593 : vector<16x128xf32>
    %max3A_596 = arith.maximumf %max3A_572, %min3A_595 : vector<16x128xf32>
    %min3A_597 = arith.minimumf %max3A_572, %min3A_595 : vector<16x128xf32>
    %max3A_598 = arith.maximumf %max3A_574, %min3A_597 : vector<16x128xf32>
    %exp3A_599 = math.exp %slice3A_589 : vector<16x128xf32>
    %add3A_600 = arith.addf %add3A_576, %exp3A_599 : vector<16x128xf32>
    %slice3A_601 = vector.extract_strided_slice %get3A_3 {offsets = [0, 6912], sizes = [16, 128], strides = [1, 1]} : vector<16x32768xf32> to vector<16x128xf32>
    %max3A_602 = arith.maximumf %max3A_578, %slice3A_601 : vector<16x128xf32>
    %min3A_603 = arith.minimumf %max3A_578, %slice3A_601 : vector<16x128xf32>
    %max3A_604 = arith.maximumf %max3A_580, %min3A_603 : vector<16x128xf32>
    %min3A_605 = arith.minimumf %max3A_580, %min3A_603 : vector<16x128xf32>
    %max3A_606 = arith.maximumf %max3A_582, %min3A_605 : vector<16x128xf32>
    %min3A_607 = arith.minimumf %max3A_582, %min3A_605 : vector<16x128xf32>
    %max3A_608 = arith.maximumf %max3A_584, %min3A_607 : vector<16x128xf32>
    %min3A_609 = arith.minimumf %max3A_584, %min3A_607 : vector<16x128xf32>
    %max3A_610 = arith.maximumf %max3A_586, %min3A_609 : vector<16x128xf32>
    %exp3A_611 = math.exp %slice3A_601 : vector<16x128xf32>
    %add3A_612 = arith.addf %add3A_588, %exp3A_611 : vector<16x128xf32>
    %slice3A_613 = vector.extract_strided_slice %get3A_3 {offsets = [0, 7040], sizes = [16, 128], strides = [1, 1]} : vector<16x32768xf32> to vector<16x128xf32>
    %max3A_614 = arith.maximumf %max3A_590, %slice3A_613 : vector<16x128xf32>
    %min3A_615 = arith.minimumf %max3A_590, %slice3A_613 : vector<16x128xf32>
    %max3A_616 = arith.maximumf %max3A_592, %min3A_615 : vector<16x128xf32>
    %min3A_617 = arith.minimumf %max3A_592, %min3A_615 : vector<16x128xf32>
    %max3A_618 = arith.maximumf %max3A_594, %min3A_617 : vector<16x128xf32>
    %min3A_619 = arith.minimumf %max3A_594, %min3A_617 : vector<16x128xf32>
    %max3A_620 = arith.maximumf %max3A_596, %min3A_619 : vector<16x128xf32>
    %min3A_621 = arith.minimumf %max3A_596, %min3A_619 : vector<16x128xf32>
    %max3A_622 = arith.maximumf %max3A_598, %min3A_621 : vector<16x128xf32>
    %exp3A_623 = math.exp %slice3A_613 : vector<16x128xf32>
    %add3A_624 = arith.addf %add3A_600, %exp3A_623 : vector<16x128xf32>
    %slice3A_625 = vector.extract_strided_slice %get3A_3 {offsets = [0, 7168], sizes = [16, 128], strides = [1, 1]} : vector<16x32768xf32> to vector<16x128xf32>
    %max3A_626 = arith.maximumf %max3A_602, %slice3A_625 : vector<16x128xf32>
    %min3A_627 = arith.minimumf %max3A_602, %slice3A_625 : vector<16x128xf32>
    %max3A_628 = arith.maximumf %max3A_604, %min3A_627 : vector<16x128xf32>
    %min3A_629 = arith.minimumf %max3A_604, %min3A_627 : vector<16x128xf32>
    %max3A_630 = arith.maximumf %max3A_606, %min3A_629 : vector<16x128xf32>
    %min3A_631 = arith.minimumf %max3A_606, %min3A_629 : vector<16x128xf32>
    %max3A_632 = arith.maximumf %max3A_608, %min3A_631 : vector<16x128xf32>
    %min3A_633 = arith.minimumf %max3A_608, %min3A_631 : vector<16x128xf32>
    %max3A_634 = arith.maximumf %max3A_610, %min3A_633 : vector<16x128xf32>
    %exp3A_635 = math.exp %slice3A_625 : vector<16x128xf32>
    %add3A_636 = arith.addf %add3A_612, %exp3A_635 : vector<16x128xf32>
    %slice3A_637 = vector.extract_strided_slice %get3A_3 {offsets = [0, 7296], sizes = [16, 128], strides = [1, 1]} : vector<16x32768xf32> to vector<16x128xf32>
    %max3A_638 = arith.maximumf %max3A_614, %slice3A_637 : vector<16x128xf32>
    %min3A_639 = arith.minimumf %max3A_614, %slice3A_637 : vector<16x128xf32>
    %max3A_640 = arith.maximumf %max3A_616, %min3A_639 : vector<16x128xf32>
    %min3A_641 = arith.minimumf %max3A_616, %min3A_639 : vector<16x128xf32>
    %max3A_642 = arith.maximumf %max3A_618, %min3A_641 : vector<16x128xf32>
    %min3A_643 = arith.minimumf %max3A_618, %min3A_641 : vector<16x128xf32>
    %max3A_644 = arith.maximumf %max3A_620, %min3A_643 : vector<16x128xf32>
    %min3A_645 = arith.minimumf %max3A_620, %min3A_643 : vector<16x128xf32>
    %max3A_646 = arith.maximumf %max3A_622, %min3A_645 : vector<16x128xf32>
    %exp3A_647 = math.exp %slice3A_637 : vector<16x128xf32>
    %add3A_648 = arith.addf %add3A_624, %exp3A_647 : vector<16x128xf32>
    %slice3A_649 = vector.extract_strided_slice %get3A_3 {offsets = [0, 7424], sizes = [16, 128], strides = [1, 1]} : vector<16x32768xf32> to vector<16x128xf32>
    %max3A_650 = arith.maximumf %max3A_626, %slice3A_649 : vector<16x128xf32>
    %min3A_651 = arith.minimumf %max3A_626, %slice3A_649 : vector<16x128xf32>
    %max3A_652 = arith.maximumf %max3A_628, %min3A_651 : vector<16x128xf32>
    %min3A_653 = arith.minimumf %max3A_628, %min3A_651 : vector<16x128xf32>
    %max3A_654 = arith.maximumf %max3A_630, %min3A_653 : vector<16x128xf32>
    %min3A_655 = arith.minimumf %max3A_630, %min3A_653 : vector<16x128xf32>
    %max3A_656 = arith.maximumf %max3A_632, %min3A_655 : vector<16x128xf32>
    %min3A_657 = arith.minimumf %max3A_632, %min3A_655 : vector<16x128xf32>
    %max3A_658 = arith.maximumf %max3A_634, %min3A_657 : vector<16x128xf32>
    %exp3A_659 = math.exp %slice3A_649 : vector<16x128xf32>
    %add3A_660 = arith.addf %add3A_636, %exp3A_659 : vector<16x128xf32>
    %slice3A_661 = vector.extract_strided_slice %get3A_3 {offsets = [0, 7552], sizes = [16, 128], strides = [1, 1]} : vector<16x32768xf32> to vector<16x128xf32>
    %max3A_662 = arith.maximumf %max3A_638, %slice3A_661 : vector<16x128xf32>
    %min3A_663 = arith.minimumf %max3A_638, %slice3A_661 : vector<16x128xf32>
    %max3A_664 = arith.maximumf %max3A_640, %min3A_663 : vector<16x128xf32>
    %min3A_665 = arith.minimumf %max3A_640, %min3A_663 : vector<16x128xf32>
    %max3A_666 = arith.maximumf %max3A_642, %min3A_665 : vector<16x128xf32>
    %min3A_667 = arith.minimumf %max3A_642, %min3A_665 : vector<16x128xf32>
    %max3A_668 = arith.maximumf %max3A_644, %min3A_667 : vector<16x128xf32>
    %min3A_669 = arith.minimumf %max3A_644, %min3A_667 : vector<16x128xf32>
    %max3A_670 = arith.maximumf %max3A_646, %min3A_669 : vector<16x128xf32>
    %exp3A_671 = math.exp %slice3A_661 : vector<16x128xf32>
    %add3A_672 = arith.addf %add3A_648, %exp3A_671 : vector<16x128xf32>
    %slice3A_673 = vector.extract_strided_slice %get3A_3 {offsets = [0, 7680], sizes = [16, 128], strides = [1, 1]} : vector<16x32768xf32> to vector<16x128xf32>
    %max3A_674 = arith.maximumf %max3A_650, %slice3A_673 : vector<16x128xf32>
    %min3A_675 = arith.minimumf %max3A_650, %slice3A_673 : vector<16x128xf32>
    %max3A_676 = arith.maximumf %max3A_652, %min3A_675 : vector<16x128xf32>
    %min3A_677 = arith.minimumf %max3A_652, %min3A_675 : vector<16x128xf32>
    %max3A_678 = arith.maximumf %max3A_654, %min3A_677 : vector<16x128xf32>
    %min3A_679 = arith.minimumf %max3A_654, %min3A_677 : vector<16x128xf32>
    %max3A_680 = arith.maximumf %max3A_656, %min3A_679 : vector<16x128xf32>
    %min3A_681 = arith.minimumf %max3A_656, %min3A_679 : vector<16x128xf32>
    %max3A_682 = arith.maximumf %max3A_658, %min3A_681 : vector<16x128xf32>
    %exp3A_683 = math.exp %slice3A_673 : vector<16x128xf32>
    %add3A_684 = arith.addf %add3A_660, %exp3A_683 : vector<16x128xf32>
    %slice3A_685 = vector.extract_strided_slice %get3A_3 {offsets = [0, 7808], sizes = [16, 128], strides = [1, 1]} : vector<16x32768xf32> to vector<16x128xf32>
    %max3A_686 = arith.maximumf %max3A_662, %slice3A_685 : vector<16x128xf32>
    %min3A_687 = arith.minimumf %max3A_662, %slice3A_685 : vector<16x128xf32>
    %max3A_688 = arith.maximumf %max3A_664, %min3A_687 : vector<16x128xf32>
    %min3A_689 = arith.minimumf %max3A_664, %min3A_687 : vector<16x128xf32>
    %max3A_690 = arith.maximumf %max3A_666, %min3A_689 : vector<16x128xf32>
    %min3A_691 = arith.minimumf %max3A_666, %min3A_689 : vector<16x128xf32>
    %max3A_692 = arith.maximumf %max3A_668, %min3A_691 : vector<16x128xf32>
    %min3A_693 = arith.minimumf %max3A_668, %min3A_691 : vector<16x128xf32>
    %max3A_694 = arith.maximumf %max3A_670, %min3A_693 : vector<16x128xf32>
    %exp3A_695 = math.exp %slice3A_685 : vector<16x128xf32>
    %add3A_696 = arith.addf %add3A_672, %exp3A_695 : vector<16x128xf32>
    %slice3A_697 = vector.extract_strided_slice %get3A_3 {offsets = [0, 7936], sizes = [16, 128], strides = [1, 1]} : vector<16x32768xf32> to vector<16x128xf32>
    %max3A_698 = arith.maximumf %max3A_674, %slice3A_697 : vector<16x128xf32>
    %min3A_699 = arith.minimumf %max3A_674, %slice3A_697 : vector<16x128xf32>
    %max3A_700 = arith.maximumf %max3A_676, %min3A_699 : vector<16x128xf32>
    %min3A_701 = arith.minimumf %max3A_676, %min3A_699 : vector<16x128xf32>
    %max3A_702 = arith.maximumf %max3A_678, %min3A_701 : vector<16x128xf32>
    %min3A_703 = arith.minimumf %max3A_678, %min3A_701 : vector<16x128xf32>
    %max3A_704 = arith.maximumf %max3A_680, %min3A_703 : vector<16x128xf32>
    %min3A_705 = arith.minimumf %max3A_680, %min3A_703 : vector<16x128xf32>
    %max3A_706 = arith.maximumf %max3A_682, %min3A_705 : vector<16x128xf32>
    %exp3A_707 = math.exp %slice3A_697 : vector<16x128xf32>
    %add3A_708 = arith.addf %add3A_684, %exp3A_707 : vector<16x128xf32>
    %slice3A_709 = vector.extract_strided_slice %get3A_3 {offsets = [0, 8064], sizes = [16, 128], strides = [1, 1]} : vector<16x32768xf32> to vector<16x128xf32>
    %max3A_710 = arith.maximumf %max3A_686, %slice3A_709 : vector<16x128xf32>
    %min3A_711 = arith.minimumf %max3A_686, %slice3A_709 : vector<16x128xf32>
    %max3A_712 = arith.maximumf %max3A_688, %min3A_711 : vector<16x128xf32>
    %min3A_713 = arith.minimumf %max3A_688, %min3A_711 : vector<16x128xf32>
    %max3A_714 = arith.maximumf %max3A_690, %min3A_713 : vector<16x128xf32>
    %min3A_715 = arith.minimumf %max3A_690, %min3A_713 : vector<16x128xf32>
    %max3A_716 = arith.maximumf %max3A_692, %min3A_715 : vector<16x128xf32>
    %min3A_717 = arith.minimumf %max3A_692, %min3A_715 : vector<16x128xf32>
    %max3A_718 = arith.maximumf %max3A_694, %min3A_717 : vector<16x128xf32>
    %exp3A_719 = math.exp %slice3A_709 : vector<16x128xf32>
    %add3A_720 = arith.addf %add3A_696, %exp3A_719 : vector<16x128xf32>
    %slice3A_721 = vector.extract_strided_slice %get3A_3 {offsets = [0, 8192], sizes = [16, 128], strides = [1, 1]} : vector<16x32768xf32> to vector<16x128xf32>
    %max3A_722 = arith.maximumf %max3A_698, %slice3A_721 : vector<16x128xf32>
    %min3A_723 = arith.minimumf %max3A_698, %slice3A_721 : vector<16x128xf32>
    %max3A_724 = arith.maximumf %max3A_700, %min3A_723 : vector<16x128xf32>
    %min3A_725 = arith.minimumf %max3A_700, %min3A_723 : vector<16x128xf32>
    %max3A_726 = arith.maximumf %max3A_702, %min3A_725 : vector<16x128xf32>
    %min3A_727 = arith.minimumf %max3A_702, %min3A_725 : vector<16x128xf32>
    %max3A_728 = arith.maximumf %max3A_704, %min3A_727 : vector<16x128xf32>
    %min3A_729 = arith.minimumf %max3A_704, %min3A_727 : vector<16x128xf32>
    %max3A_730 = arith.maximumf %max3A_706, %min3A_729 : vector<16x128xf32>
    %exp3A_731 = math.exp %slice3A_721 : vector<16x128xf32>
    %add3A_732 = arith.addf %add3A_708, %exp3A_731 : vector<16x128xf32>
    %slice3A_733 = vector.extract_strided_slice %get3A_3 {offsets = [0, 8320], sizes = [16, 128], strides = [1, 1]} : vector<16x32768xf32> to vector<16x128xf32>
    %max3A_734 = arith.maximumf %max3A_710, %slice3A_733 : vector<16x128xf32>
    %min3A_735 = arith.minimumf %max3A_710, %slice3A_733 : vector<16x128xf32>
    %max3A_736 = arith.maximumf %max3A_712, %min3A_735 : vector<16x128xf32>
    %min3A_737 = arith.minimumf %max3A_712, %min3A_735 : vector<16x128xf32>
    %max3A_738 = arith.maximumf %max3A_714, %min3A_737 : vector<16x128xf32>
    %min3A_739 = arith.minimumf %max3A_714, %min3A_737 : vector<16x128xf32>
    %max3A_740 = arith.maximumf %max3A_716, %min3A_739 : vector<16x128xf32>
    %min3A_741 = arith.minimumf %max3A_716, %min3A_739 : vector<16x128xf32>
    %max3A_742 = arith.maximumf %max3A_718, %min3A_741 : vector<16x128xf32>
    %exp3A_743 = math.exp %slice3A_733 : vector<16x128xf32>
    %add3A_744 = arith.addf %add3A_720, %exp3A_743 : vector<16x128xf32>
    %slice3A_745 = vector.extract_strided_slice %get3A_3 {offsets = [0, 8448], sizes = [16, 128], strides = [1, 1]} : vector<16x32768xf32> to vector<16x128xf32>
    %max3A_746 = arith.maximumf %max3A_722, %slice3A_745 : vector<16x128xf32>
    %min3A_747 = arith.minimumf %max3A_722, %slice3A_745 : vector<16x128xf32>
    %max3A_748 = arith.maximumf %max3A_724, %min3A_747 : vector<16x128xf32>
    %min3A_749 = arith.minimumf %max3A_724, %min3A_747 : vector<16x128xf32>
    %max3A_750 = arith.maximumf %max3A_726, %min3A_749 : vector<16x128xf32>
    %min3A_751 = arith.minimumf %max3A_726, %min3A_749 : vector<16x128xf32>
    %max3A_752 = arith.maximumf %max3A_728, %min3A_751 : vector<16x128xf32>
    %min3A_753 = arith.minimumf %max3A_728, %min3A_751 : vector<16x128xf32>
    %max3A_754 = arith.maximumf %max3A_730, %min3A_753 : vector<16x128xf32>
    %exp3A_755 = math.exp %slice3A_745 : vector<16x128xf32>
    %add3A_756 = arith.addf %add3A_732, %exp3A_755 : vector<16x128xf32>
    %slice3A_757 = vector.extract_strided_slice %get3A_3 {offsets = [0, 8576], sizes = [16, 128], strides = [1, 1]} : vector<16x32768xf32> to vector<16x128xf32>
    %max3A_758 = arith.maximumf %max3A_734, %slice3A_757 : vector<16x128xf32>
    %min3A_759 = arith.minimumf %max3A_734, %slice3A_757 : vector<16x128xf32>
    %max3A_760 = arith.maximumf %max3A_736, %min3A_759 : vector<16x128xf32>
    %min3A_761 = arith.minimumf %max3A_736, %min3A_759 : vector<16x128xf32>
    %max3A_762 = arith.maximumf %max3A_738, %min3A_761 : vector<16x128xf32>
    %min3A_763 = arith.minimumf %max3A_738, %min3A_761 : vector<16x128xf32>
    %max3A_764 = arith.maximumf %max3A_740, %min3A_763 : vector<16x128xf32>
    %min3A_765 = arith.minimumf %max3A_740, %min3A_763 : vector<16x128xf32>
    %max3A_766 = arith.maximumf %max3A_742, %min3A_765 : vector<16x128xf32>
    %exp3A_767 = math.exp %slice3A_757 : vector<16x128xf32>
    %add3A_768 = arith.addf %add3A_744, %exp3A_767 : vector<16x128xf32>
    %slice3A_769 = vector.extract_strided_slice %get3A_3 {offsets = [0, 8704], sizes = [16, 128], strides = [1, 1]} : vector<16x32768xf32> to vector<16x128xf32>
    %max3A_770 = arith.maximumf %max3A_746, %slice3A_769 : vector<16x128xf32>
    %min3A_771 = arith.minimumf %max3A_746, %slice3A_769 : vector<16x128xf32>
    %max3A_772 = arith.maximumf %max3A_748, %min3A_771 : vector<16x128xf32>
    %min3A_773 = arith.minimumf %max3A_748, %min3A_771 : vector<16x128xf32>
    %max3A_774 = arith.maximumf %max3A_750, %min3A_773 : vector<16x128xf32>
    %min3A_775 = arith.minimumf %max3A_750, %min3A_773 : vector<16x128xf32>
    %max3A_776 = arith.maximumf %max3A_752, %min3A_775 : vector<16x128xf32>
    %min3A_777 = arith.minimumf %max3A_752, %min3A_775 : vector<16x128xf32>
    %max3A_778 = arith.maximumf %max3A_754, %min3A_777 : vector<16x128xf32>
    %exp3A_779 = math.exp %slice3A_769 : vector<16x128xf32>
    %add3A_780 = arith.addf %add3A_756, %exp3A_779 : vector<16x128xf32>
    %slice3A_781 = vector.extract_strided_slice %get3A_3 {offsets = [0, 8832], sizes = [16, 128], strides = [1, 1]} : vector<16x32768xf32> to vector<16x128xf32>
    %max3A_782 = arith.maximumf %max3A_758, %slice3A_781 : vector<16x128xf32>
    %min3A_783 = arith.minimumf %max3A_758, %slice3A_781 : vector<16x128xf32>
    %max3A_784 = arith.maximumf %max3A_760, %min3A_783 : vector<16x128xf32>
    %min3A_785 = arith.minimumf %max3A_760, %min3A_783 : vector<16x128xf32>
    %max3A_786 = arith.maximumf %max3A_762, %min3A_785 : vector<16x128xf32>
    %min3A_787 = arith.minimumf %max3A_762, %min3A_785 : vector<16x128xf32>
    %max3A_788 = arith.maximumf %max3A_764, %min3A_787 : vector<16x128xf32>
    %min3A_789 = arith.minimumf %max3A_764, %min3A_787 : vector<16x128xf32>
    %max3A_790 = arith.maximumf %max3A_766, %min3A_789 : vector<16x128xf32>
    %exp3A_791 = math.exp %slice3A_781 : vector<16x128xf32>
    %add3A_792 = arith.addf %add3A_768, %exp3A_791 : vector<16x128xf32>
    %slice3A_793 = vector.extract_strided_slice %get3A_3 {offsets = [0, 8960], sizes = [16, 128], strides = [1, 1]} : vector<16x32768xf32> to vector<16x128xf32>
    %max3A_794 = arith.maximumf %max3A_770, %slice3A_793 : vector<16x128xf32>
    %min3A_795 = arith.minimumf %max3A_770, %slice3A_793 : vector<16x128xf32>
    %max3A_796 = arith.maximumf %max3A_772, %min3A_795 : vector<16x128xf32>
    %min3A_797 = arith.minimumf %max3A_772, %min3A_795 : vector<16x128xf32>
    %max3A_798 = arith.maximumf %max3A_774, %min3A_797 : vector<16x128xf32>
    %min3A_799 = arith.minimumf %max3A_774, %min3A_797 : vector<16x128xf32>
    %max3A_800 = arith.maximumf %max3A_776, %min3A_799 : vector<16x128xf32>
    %min3A_801 = arith.minimumf %max3A_776, %min3A_799 : vector<16x128xf32>
    %max3A_802 = arith.maximumf %max3A_778, %min3A_801 : vector<16x128xf32>
    %exp3A_803 = math.exp %slice3A_793 : vector<16x128xf32>
    %add3A_804 = arith.addf %add3A_780, %exp3A_803 : vector<16x128xf32>
    %slice3A_805 = vector.extract_strided_slice %get3A_3 {offsets = [0, 9088], sizes = [16, 128], strides = [1, 1]} : vector<16x32768xf32> to vector<16x128xf32>
    %max3A_806 = arith.maximumf %max3A_782, %slice3A_805 : vector<16x128xf32>
    %min3A_807 = arith.minimumf %max3A_782, %slice3A_805 : vector<16x128xf32>
    %max3A_808 = arith.maximumf %max3A_784, %min3A_807 : vector<16x128xf32>
    %min3A_809 = arith.minimumf %max3A_784, %min3A_807 : vector<16x128xf32>
    %max3A_810 = arith.maximumf %max3A_786, %min3A_809 : vector<16x128xf32>
    %min3A_811 = arith.minimumf %max3A_786, %min3A_809 : vector<16x128xf32>
    %max3A_812 = arith.maximumf %max3A_788, %min3A_811 : vector<16x128xf32>
    %min3A_813 = arith.minimumf %max3A_788, %min3A_811 : vector<16x128xf32>
    %max3A_814 = arith.maximumf %max3A_790, %min3A_813 : vector<16x128xf32>
    %exp3A_815 = math.exp %slice3A_805 : vector<16x128xf32>
    %add3A_816 = arith.addf %add3A_792, %exp3A_815 : vector<16x128xf32>
    %slice3A_817 = vector.extract_strided_slice %get3A_3 {offsets = [0, 9216], sizes = [16, 128], strides = [1, 1]} : vector<16x32768xf32> to vector<16x128xf32>
    %max3A_818 = arith.maximumf %max3A_794, %slice3A_817 : vector<16x128xf32>
    %min3A_819 = arith.minimumf %max3A_794, %slice3A_817 : vector<16x128xf32>
    %max3A_820 = arith.maximumf %max3A_796, %min3A_819 : vector<16x128xf32>
    %min3A_821 = arith.minimumf %max3A_796, %min3A_819 : vector<16x128xf32>
    %max3A_822 = arith.maximumf %max3A_798, %min3A_821 : vector<16x128xf32>
    %min3A_823 = arith.minimumf %max3A_798, %min3A_821 : vector<16x128xf32>
    %max3A_824 = arith.maximumf %max3A_800, %min3A_823 : vector<16x128xf32>
    %min3A_825 = arith.minimumf %max3A_800, %min3A_823 : vector<16x128xf32>
    %max3A_826 = arith.maximumf %max3A_802, %min3A_825 : vector<16x128xf32>
    %exp3A_827 = math.exp %slice3A_817 : vector<16x128xf32>
    %add3A_828 = arith.addf %add3A_804, %exp3A_827 : vector<16x128xf32>
    %slice3A_829 = vector.extract_strided_slice %get3A_3 {offsets = [0, 9344], sizes = [16, 128], strides = [1, 1]} : vector<16x32768xf32> to vector<16x128xf32>
    %max3A_830 = arith.maximumf %max3A_806, %slice3A_829 : vector<16x128xf32>
    %min3A_831 = arith.minimumf %max3A_806, %slice3A_829 : vector<16x128xf32>
    %max3A_832 = arith.maximumf %max3A_808, %min3A_831 : vector<16x128xf32>
    %min3A_833 = arith.minimumf %max3A_808, %min3A_831 : vector<16x128xf32>
    %max3A_834 = arith.maximumf %max3A_810, %min3A_833 : vector<16x128xf32>
    %min3A_835 = arith.minimumf %max3A_810, %min3A_833 : vector<16x128xf32>
    %max3A_836 = arith.maximumf %max3A_812, %min3A_835 : vector<16x128xf32>
    %min3A_837 = arith.minimumf %max3A_812, %min3A_835 : vector<16x128xf32>
    %max3A_838 = arith.maximumf %max3A_814, %min3A_837 : vector<16x128xf32>
    %exp3A_839 = math.exp %slice3A_829 : vector<16x128xf32>
    %add3A_840 = arith.addf %add3A_816, %exp3A_839 : vector<16x128xf32>
    %slice3A_841 = vector.extract_strided_slice %get3A_3 {offsets = [0, 9472], sizes = [16, 128], strides = [1, 1]} : vector<16x32768xf32> to vector<16x128xf32>
    %max3A_842 = arith.maximumf %max3A_818, %slice3A_841 : vector<16x128xf32>
    %min3A_843 = arith.minimumf %max3A_818, %slice3A_841 : vector<16x128xf32>
    %max3A_844 = arith.maximumf %max3A_820, %min3A_843 : vector<16x128xf32>
    %min3A_845 = arith.minimumf %max3A_820, %min3A_843 : vector<16x128xf32>
    %max3A_846 = arith.maximumf %max3A_822, %min3A_845 : vector<16x128xf32>
    %min3A_847 = arith.minimumf %max3A_822, %min3A_845 : vector<16x128xf32>
    %max3A_848 = arith.maximumf %max3A_824, %min3A_847 : vector<16x128xf32>
    %min3A_849 = arith.minimumf %max3A_824, %min3A_847 : vector<16x128xf32>
    %max3A_850 = arith.maximumf %max3A_826, %min3A_849 : vector<16x128xf32>
    %exp3A_851 = math.exp %slice3A_841 : vector<16x128xf32>
    %add3A_852 = arith.addf %add3A_828, %exp3A_851 : vector<16x128xf32>
    %slice3A_853 = vector.extract_strided_slice %get3A_3 {offsets = [0, 9600], sizes = [16, 128], strides = [1, 1]} : vector<16x32768xf32> to vector<16x128xf32>
    %max3A_854 = arith.maximumf %max3A_830, %slice3A_853 : vector<16x128xf32>
    %min3A_855 = arith.minimumf %max3A_830, %slice3A_853 : vector<16x128xf32>
    %max3A_856 = arith.maximumf %max3A_832, %min3A_855 : vector<16x128xf32>
    %min3A_857 = arith.minimumf %max3A_832, %min3A_855 : vector<16x128xf32>
    %max3A_858 = arith.maximumf %max3A_834, %min3A_857 : vector<16x128xf32>
    %min3A_859 = arith.minimumf %max3A_834, %min3A_857 : vector<16x128xf32>
    %max3A_860 = arith.maximumf %max3A_836, %min3A_859 : vector<16x128xf32>
    %min3A_861 = arith.minimumf %max3A_836, %min3A_859 : vector<16x128xf32>
    %max3A_862 = arith.maximumf %max3A_838, %min3A_861 : vector<16x128xf32>
    %exp3A_863 = math.exp %slice3A_853 : vector<16x128xf32>
    %add3A_864 = arith.addf %add3A_840, %exp3A_863 : vector<16x128xf32>
    %slice3A_865 = vector.extract_strided_slice %get3A_3 {offsets = [0, 9728], sizes = [16, 128], strides = [1, 1]} : vector<16x32768xf32> to vector<16x128xf32>
    %max3A_866 = arith.maximumf %max3A_842, %slice3A_865 : vector<16x128xf32>
    %min3A_867 = arith.minimumf %max3A_842, %slice3A_865 : vector<16x128xf32>
    %max3A_868 = arith.maximumf %max3A_844, %min3A_867 : vector<16x128xf32>
    %min3A_869 = arith.minimumf %max3A_844, %min3A_867 : vector<16x128xf32>
    %max3A_870 = arith.maximumf %max3A_846, %min3A_869 : vector<16x128xf32>
    %min3A_871 = arith.minimumf %max3A_846, %min3A_869 : vector<16x128xf32>
    %max3A_872 = arith.maximumf %max3A_848, %min3A_871 : vector<16x128xf32>
    %min3A_873 = arith.minimumf %max3A_848, %min3A_871 : vector<16x128xf32>
    %max3A_874 = arith.maximumf %max3A_850, %min3A_873 : vector<16x128xf32>
    %exp3A_875 = math.exp %slice3A_865 : vector<16x128xf32>
    %add3A_876 = arith.addf %add3A_852, %exp3A_875 : vector<16x128xf32>
    %slice3A_877 = vector.extract_strided_slice %get3A_3 {offsets = [0, 9856], sizes = [16, 128], strides = [1, 1]} : vector<16x32768xf32> to vector<16x128xf32>
    %max3A_878 = arith.maximumf %max3A_854, %slice3A_877 : vector<16x128xf32>
    %min3A_879 = arith.minimumf %max3A_854, %slice3A_877 : vector<16x128xf32>
    %max3A_880 = arith.maximumf %max3A_856, %min3A_879 : vector<16x128xf32>
    %min3A_881 = arith.minimumf %max3A_856, %min3A_879 : vector<16x128xf32>
    %max3A_882 = arith.maximumf %max3A_858, %min3A_881 : vector<16x128xf32>
    %min3A_883 = arith.minimumf %max3A_858, %min3A_881 : vector<16x128xf32>
    %max3A_884 = arith.maximumf %max3A_860, %min3A_883 : vector<16x128xf32>
    %min3A_885 = arith.minimumf %max3A_860, %min3A_883 : vector<16x128xf32>
    %max3A_886 = arith.maximumf %max3A_862, %min3A_885 : vector<16x128xf32>
    %exp3A_887 = math.exp %slice3A_877 : vector<16x128xf32>
    %add3A_888 = arith.addf %add3A_864, %exp3A_887 : vector<16x128xf32>
    %slice3A_889 = vector.extract_strided_slice %get3A_3 {offsets = [0, 9984], sizes = [16, 128], strides = [1, 1]} : vector<16x32768xf32> to vector<16x128xf32>
    %max3A_890 = arith.maximumf %max3A_866, %slice3A_889 : vector<16x128xf32>
    %min3A_891 = arith.minimumf %max3A_866, %slice3A_889 : vector<16x128xf32>
    %max3A_892 = arith.maximumf %max3A_868, %min3A_891 : vector<16x128xf32>
    %min3A_893 = arith.minimumf %max3A_868, %min3A_891 : vector<16x128xf32>
    %max3A_894 = arith.maximumf %max3A_870, %min3A_893 : vector<16x128xf32>
    %min3A_895 = arith.minimumf %max3A_870, %min3A_893 : vector<16x128xf32>
    %max3A_896 = arith.maximumf %max3A_872, %min3A_895 : vector<16x128xf32>
    %min3A_897 = arith.minimumf %max3A_872, %min3A_895 : vector<16x128xf32>
    %max3A_898 = arith.maximumf %max3A_874, %min3A_897 : vector<16x128xf32>
    %exp3A_899 = math.exp %slice3A_889 : vector<16x128xf32>
    %add3A_900 = arith.addf %add3A_876, %exp3A_899 : vector<16x128xf32>
    %slice3A_901 = vector.extract_strided_slice %get3A_3 {offsets = [0, 10112], sizes = [16, 128], strides = [1, 1]} : vector<16x32768xf32> to vector<16x128xf32>
    %max3A_902 = arith.maximumf %max3A_878, %slice3A_901 : vector<16x128xf32>
    %min3A_903 = arith.minimumf %max3A_878, %slice3A_901 : vector<16x128xf32>
    %max3A_904 = arith.maximumf %max3A_880, %min3A_903 : vector<16x128xf32>
    %min3A_905 = arith.minimumf %max3A_880, %min3A_903 : vector<16x128xf32>
    %max3A_906 = arith.maximumf %max3A_882, %min3A_905 : vector<16x128xf32>
    %min3A_907 = arith.minimumf %max3A_882, %min3A_905 : vector<16x128xf32>
    %max3A_908 = arith.maximumf %max3A_884, %min3A_907 : vector<16x128xf32>
    %min3A_909 = arith.minimumf %max3A_884, %min3A_907 : vector<16x128xf32>
    %max3A_910 = arith.maximumf %max3A_886, %min3A_909 : vector<16x128xf32>
    %exp3A_911 = math.exp %slice3A_901 : vector<16x128xf32>
    %add3A_912 = arith.addf %add3A_888, %exp3A_911 : vector<16x128xf32>
    %slice3A_913 = vector.extract_strided_slice %get3A_3 {offsets = [0, 10240], sizes = [16, 128], strides = [1, 1]} : vector<16x32768xf32> to vector<16x128xf32>
    %max3A_914 = arith.maximumf %max3A_890, %slice3A_913 : vector<16x128xf32>
    %min3A_915 = arith.minimumf %max3A_890, %slice3A_913 : vector<16x128xf32>
    %max3A_916 = arith.maximumf %max3A_892, %min3A_915 : vector<16x128xf32>
    %min3A_917 = arith.minimumf %max3A_892, %min3A_915 : vector<16x128xf32>
    %max3A_918 = arith.maximumf %max3A_894, %min3A_917 : vector<16x128xf32>
    %min3A_919 = arith.minimumf %max3A_894, %min3A_917 : vector<16x128xf32>
    %max3A_920 = arith.maximumf %max3A_896, %min3A_919 : vector<16x128xf32>
    %min3A_921 = arith.minimumf %max3A_896, %min3A_919 : vector<16x128xf32>
    %max3A_922 = arith.maximumf %max3A_898, %min3A_921 : vector<16x128xf32>
    %exp3A_923 = math.exp %slice3A_913 : vector<16x128xf32>
    %add3A_924 = arith.addf %add3A_900, %exp3A_923 : vector<16x128xf32>
    %slice3A_925 = vector.extract_strided_slice %get3A_3 {offsets = [0, 10368], sizes = [16, 128], strides = [1, 1]} : vector<16x32768xf32> to vector<16x128xf32>
    %max3A_926 = arith.maximumf %max3A_902, %slice3A_925 : vector<16x128xf32>
    %min3A_927 = arith.minimumf %max3A_902, %slice3A_925 : vector<16x128xf32>
    %max3A_928 = arith.maximumf %max3A_904, %min3A_927 : vector<16x128xf32>
    %min3A_929 = arith.minimumf %max3A_904, %min3A_927 : vector<16x128xf32>
    %max3A_930 = arith.maximumf %max3A_906, %min3A_929 : vector<16x128xf32>
    %min3A_931 = arith.minimumf %max3A_906, %min3A_929 : vector<16x128xf32>
    %max3A_932 = arith.maximumf %max3A_908, %min3A_931 : vector<16x128xf32>
    %min3A_933 = arith.minimumf %max3A_908, %min3A_931 : vector<16x128xf32>
    %max3A_934 = arith.maximumf %max3A_910, %min3A_933 : vector<16x128xf32>
    %exp3A_935 = math.exp %slice3A_925 : vector<16x128xf32>
    %add3A_936 = arith.addf %add3A_912, %exp3A_935 : vector<16x128xf32>
    %slice3A_937 = vector.extract_strided_slice %get3A_3 {offsets = [0, 10496], sizes = [16, 128], strides = [1, 1]} : vector<16x32768xf32> to vector<16x128xf32>
    %max3A_938 = arith.maximumf %max3A_914, %slice3A_937 : vector<16x128xf32>
    %min3A_939 = arith.minimumf %max3A_914, %slice3A_937 : vector<16x128xf32>
    %max3A_940 = arith.maximumf %max3A_916, %min3A_939 : vector<16x128xf32>
    %min3A_941 = arith.minimumf %max3A_916, %min3A_939 : vector<16x128xf32>
    %max3A_942 = arith.maximumf %max3A_918, %min3A_941 : vector<16x128xf32>
    %min3A_943 = arith.minimumf %max3A_918, %min3A_941 : vector<16x128xf32>
    %max3A_944 = arith.maximumf %max3A_920, %min3A_943 : vector<16x128xf32>
    %min3A_945 = arith.minimumf %max3A_920, %min3A_943 : vector<16x128xf32>
    %max3A_946 = arith.maximumf %max3A_922, %min3A_945 : vector<16x128xf32>
    %exp3A_947 = math.exp %slice3A_937 : vector<16x128xf32>
    %add3A_948 = arith.addf %add3A_924, %exp3A_947 : vector<16x128xf32>
    %slice3A_949 = vector.extract_strided_slice %get3A_3 {offsets = [0, 10624], sizes = [16, 128], strides = [1, 1]} : vector<16x32768xf32> to vector<16x128xf32>
    %max3A_950 = arith.maximumf %max3A_926, %slice3A_949 : vector<16x128xf32>
    %min3A_951 = arith.minimumf %max3A_926, %slice3A_949 : vector<16x128xf32>
    %max3A_952 = arith.maximumf %max3A_928, %min3A_951 : vector<16x128xf32>
    %min3A_953 = arith.minimumf %max3A_928, %min3A_951 : vector<16x128xf32>
    %max3A_954 = arith.maximumf %max3A_930, %min3A_953 : vector<16x128xf32>
    %min3A_955 = arith.minimumf %max3A_930, %min3A_953 : vector<16x128xf32>
    %max3A_956 = arith.maximumf %max3A_932, %min3A_955 : vector<16x128xf32>
    %min3A_957 = arith.minimumf %max3A_932, %min3A_955 : vector<16x128xf32>
    %max3A_958 = arith.maximumf %max3A_934, %min3A_957 : vector<16x128xf32>
    %exp3A_959 = math.exp %slice3A_949 : vector<16x128xf32>
    %add3A_960 = arith.addf %add3A_936, %exp3A_959 : vector<16x128xf32>
    %slice3A_961 = vector.extract_strided_slice %get3A_3 {offsets = [0, 10752], sizes = [16, 128], strides = [1, 1]} : vector<16x32768xf32> to vector<16x128xf32>
    %max3A_962 = arith.maximumf %max3A_938, %slice3A_961 : vector<16x128xf32>
    %min3A_963 = arith.minimumf %max3A_938, %slice3A_961 : vector<16x128xf32>
    %max3A_964 = arith.maximumf %max3A_940, %min3A_963 : vector<16x128xf32>
    %min3A_965 = arith.minimumf %max3A_940, %min3A_963 : vector<16x128xf32>
    %max3A_966 = arith.maximumf %max3A_942, %min3A_965 : vector<16x128xf32>
    %min3A_967 = arith.minimumf %max3A_942, %min3A_965 : vector<16x128xf32>
    %max3A_968 = arith.maximumf %max3A_944, %min3A_967 : vector<16x128xf32>
    %min3A_969 = arith.minimumf %max3A_944, %min3A_967 : vector<16x128xf32>
    %max3A_970 = arith.maximumf %max3A_946, %min3A_969 : vector<16x128xf32>
    %exp3A_971 = math.exp %slice3A_961 : vector<16x128xf32>
    %add3A_972 = arith.addf %add3A_948, %exp3A_971 : vector<16x128xf32>
    %slice3A_973 = vector.extract_strided_slice %get3A_3 {offsets = [0, 10880], sizes = [16, 128], strides = [1, 1]} : vector<16x32768xf32> to vector<16x128xf32>
    %max3A_974 = arith.maximumf %max3A_950, %slice3A_973 : vector<16x128xf32>
    %min3A_975 = arith.minimumf %max3A_950, %slice3A_973 : vector<16x128xf32>
    %max3A_976 = arith.maximumf %max3A_952, %min3A_975 : vector<16x128xf32>
    %min3A_977 = arith.minimumf %max3A_952, %min3A_975 : vector<16x128xf32>
    %max3A_978 = arith.maximumf %max3A_954, %min3A_977 : vector<16x128xf32>
    %min3A_979 = arith.minimumf %max3A_954, %min3A_977 : vector<16x128xf32>
    %max3A_980 = arith.maximumf %max3A_956, %min3A_979 : vector<16x128xf32>
    %min3A_981 = arith.minimumf %max3A_956, %min3A_979 : vector<16x128xf32>
    %max3A_982 = arith.maximumf %max3A_958, %min3A_981 : vector<16x128xf32>
    %exp3A_983 = math.exp %slice3A_973 : vector<16x128xf32>
    %add3A_984 = arith.addf %add3A_960, %exp3A_983 : vector<16x128xf32>
    %slice3A_985 = vector.extract_strided_slice %get3A_3 {offsets = [0, 11008], sizes = [16, 128], strides = [1, 1]} : vector<16x32768xf32> to vector<16x128xf32>
    %max3A_986 = arith.maximumf %max3A_962, %slice3A_985 : vector<16x128xf32>
    %min3A_987 = arith.minimumf %max3A_962, %slice3A_985 : vector<16x128xf32>
    %max3A_988 = arith.maximumf %max3A_964, %min3A_987 : vector<16x128xf32>
    %min3A_989 = arith.minimumf %max3A_964, %min3A_987 : vector<16x128xf32>
    %max3A_990 = arith.maximumf %max3A_966, %min3A_989 : vector<16x128xf32>
    %min3A_991 = arith.minimumf %max3A_966, %min3A_989 : vector<16x128xf32>
    %max3A_992 = arith.maximumf %max3A_968, %min3A_991 : vector<16x128xf32>
    %min3A_993 = arith.minimumf %max3A_968, %min3A_991 : vector<16x128xf32>
    %max3A_994 = arith.maximumf %max3A_970, %min3A_993 : vector<16x128xf32>
    %exp3A_995 = math.exp %slice3A_985 : vector<16x128xf32>
    %add3A_996 = arith.addf %add3A_972, %exp3A_995 : vector<16x128xf32>
    %slice3A_997 = vector.extract_strided_slice %get3A_3 {offsets = [0, 11136], sizes = [16, 128], strides = [1, 1]} : vector<16x32768xf32> to vector<16x128xf32>
    %max3A_998 = arith.maximumf %max3A_974, %slice3A_997 : vector<16x128xf32>
    %min3A_999 = arith.minimumf %max3A_974, %slice3A_997 : vector<16x128xf32>
    %max3A_1000 = arith.maximumf %max3A_976, %min3A_999 : vector<16x128xf32>
    %min3A_1001 = arith.minimumf %max3A_976, %min3A_999 : vector<16x128xf32>
    %max3A_1002 = arith.maximumf %max3A_978, %min3A_1001 : vector<16x128xf32>
    %min3A_1003 = arith.minimumf %max3A_978, %min3A_1001 : vector<16x128xf32>
    %max3A_1004 = arith.maximumf %max3A_980, %min3A_1003 : vector<16x128xf32>
    %min3A_1005 = arith.minimumf %max3A_980, %min3A_1003 : vector<16x128xf32>
    %max3A_1006 = arith.maximumf %max3A_982, %min3A_1005 : vector<16x128xf32>
    %exp3A_1007 = math.exp %slice3A_997 : vector<16x128xf32>
    %add3A_1008 = arith.addf %add3A_984, %exp3A_1007 : vector<16x128xf32>
    %slice3A_1009 = vector.extract_strided_slice %get3A_3 {offsets = [0, 11264], sizes = [16, 128], strides = [1, 1]} : vector<16x32768xf32> to vector<16x128xf32>
    %max3A_1010 = arith.maximumf %max3A_986, %slice3A_1009 : vector<16x128xf32>
    %min3A_1011 = arith.minimumf %max3A_986, %slice3A_1009 : vector<16x128xf32>
    %max3A_1012 = arith.maximumf %max3A_988, %min3A_1011 : vector<16x128xf32>
    %min3A_1013 = arith.minimumf %max3A_988, %min3A_1011 : vector<16x128xf32>
    %max3A_1014 = arith.maximumf %max3A_990, %min3A_1013 : vector<16x128xf32>
    %min3A_1015 = arith.minimumf %max3A_990, %min3A_1013 : vector<16x128xf32>
    %max3A_1016 = arith.maximumf %max3A_992, %min3A_1015 : vector<16x128xf32>
    %min3A_1017 = arith.minimumf %max3A_992, %min3A_1015 : vector<16x128xf32>
    %max3A_1018 = arith.maximumf %max3A_994, %min3A_1017 : vector<16x128xf32>
    %exp3A_1019 = math.exp %slice3A_1009 : vector<16x128xf32>
    %add3A_1020 = arith.addf %add3A_996, %exp3A_1019 : vector<16x128xf32>
    %slice3A_1021 = vector.extract_strided_slice %get3A_3 {offsets = [0, 11392], sizes = [16, 128], strides = [1, 1]} : vector<16x32768xf32> to vector<16x128xf32>
    %max3A_1022 = arith.maximumf %max3A_998, %slice3A_1021 : vector<16x128xf32>
    %min3A_1023 = arith.minimumf %max3A_998, %slice3A_1021 : vector<16x128xf32>
    %max3A_1024 = arith.maximumf %max3A_1000, %min3A_1023 : vector<16x128xf32>
    %min3A_1025 = arith.minimumf %max3A_1000, %min3A_1023 : vector<16x128xf32>
    %max3A_1026 = arith.maximumf %max3A_1002, %min3A_1025 : vector<16x128xf32>
    %min3A_1027 = arith.minimumf %max3A_1002, %min3A_1025 : vector<16x128xf32>
    %max3A_1028 = arith.maximumf %max3A_1004, %min3A_1027 : vector<16x128xf32>
    %min3A_1029 = arith.minimumf %max3A_1004, %min3A_1027 : vector<16x128xf32>
    %max3A_1030 = arith.maximumf %max3A_1006, %min3A_1029 : vector<16x128xf32>
    %exp3A_1031 = math.exp %slice3A_1021 : vector<16x128xf32>
    %add3A_1032 = arith.addf %add3A_1008, %exp3A_1031 : vector<16x128xf32>
    %slice3A_1033 = vector.extract_strided_slice %get3A_3 {offsets = [0, 11520], sizes = [16, 128], strides = [1, 1]} : vector<16x32768xf32> to vector<16x128xf32>
    %max3A_1034 = arith.maximumf %max3A_1010, %slice3A_1033 : vector<16x128xf32>
    %min3A_1035 = arith.minimumf %max3A_1010, %slice3A_1033 : vector<16x128xf32>
    %max3A_1036 = arith.maximumf %max3A_1012, %min3A_1035 : vector<16x128xf32>
    %min3A_1037 = arith.minimumf %max3A_1012, %min3A_1035 : vector<16x128xf32>
    %max3A_1038 = arith.maximumf %max3A_1014, %min3A_1037 : vector<16x128xf32>
    %min3A_1039 = arith.minimumf %max3A_1014, %min3A_1037 : vector<16x128xf32>
    %max3A_1040 = arith.maximumf %max3A_1016, %min3A_1039 : vector<16x128xf32>
    %min3A_1041 = arith.minimumf %max3A_1016, %min3A_1039 : vector<16x128xf32>
    %max3A_1042 = arith.maximumf %max3A_1018, %min3A_1041 : vector<16x128xf32>
    %exp3A_1043 = math.exp %slice3A_1033 : vector<16x128xf32>
    %add3A_1044 = arith.addf %add3A_1020, %exp3A_1043 : vector<16x128xf32>
    %slice3A_1045 = vector.extract_strided_slice %get3A_3 {offsets = [0, 11648], sizes = [16, 128], strides = [1, 1]} : vector<16x32768xf32> to vector<16x128xf32>
    %max3A_1046 = arith.maximumf %max3A_1022, %slice3A_1045 : vector<16x128xf32>
    %min3A_1047 = arith.minimumf %max3A_1022, %slice3A_1045 : vector<16x128xf32>
    %max3A_1048 = arith.maximumf %max3A_1024, %min3A_1047 : vector<16x128xf32>
    %min3A_1049 = arith.minimumf %max3A_1024, %min3A_1047 : vector<16x128xf32>
    %max3A_1050 = arith.maximumf %max3A_1026, %min3A_1049 : vector<16x128xf32>
    %min3A_1051 = arith.minimumf %max3A_1026, %min3A_1049 : vector<16x128xf32>
    %max3A_1052 = arith.maximumf %max3A_1028, %min3A_1051 : vector<16x128xf32>
    %min3A_1053 = arith.minimumf %max3A_1028, %min3A_1051 : vector<16x128xf32>
    %max3A_1054 = arith.maximumf %max3A_1030, %min3A_1053 : vector<16x128xf32>
    %exp3A_1055 = math.exp %slice3A_1045 : vector<16x128xf32>
    %add3A_1056 = arith.addf %add3A_1032, %exp3A_1055 : vector<16x128xf32>
    %slice3A_1057 = vector.extract_strided_slice %get3A_3 {offsets = [0, 11776], sizes = [16, 128], strides = [1, 1]} : vector<16x32768xf32> to vector<16x128xf32>
    %max3A_1058 = arith.maximumf %max3A_1034, %slice3A_1057 : vector<16x128xf32>
    %min3A_1059 = arith.minimumf %max3A_1034, %slice3A_1057 : vector<16x128xf32>
    %max3A_1060 = arith.maximumf %max3A_1036, %min3A_1059 : vector<16x128xf32>
    %min3A_1061 = arith.minimumf %max3A_1036, %min3A_1059 : vector<16x128xf32>
    %max3A_1062 = arith.maximumf %max3A_1038, %min3A_1061 : vector<16x128xf32>
    %min3A_1063 = arith.minimumf %max3A_1038, %min3A_1061 : vector<16x128xf32>
    %max3A_1064 = arith.maximumf %max3A_1040, %min3A_1063 : vector<16x128xf32>
    %min3A_1065 = arith.minimumf %max3A_1040, %min3A_1063 : vector<16x128xf32>
    %max3A_1066 = arith.maximumf %max3A_1042, %min3A_1065 : vector<16x128xf32>
    %exp3A_1067 = math.exp %slice3A_1057 : vector<16x128xf32>
    %add3A_1068 = arith.addf %add3A_1044, %exp3A_1067 : vector<16x128xf32>
    %slice3A_1069 = vector.extract_strided_slice %get3A_3 {offsets = [0, 11904], sizes = [16, 128], strides = [1, 1]} : vector<16x32768xf32> to vector<16x128xf32>
    %max3A_1070 = arith.maximumf %max3A_1046, %slice3A_1069 : vector<16x128xf32>
    %min3A_1071 = arith.minimumf %max3A_1046, %slice3A_1069 : vector<16x128xf32>
    %max3A_1072 = arith.maximumf %max3A_1048, %min3A_1071 : vector<16x128xf32>
    %min3A_1073 = arith.minimumf %max3A_1048, %min3A_1071 : vector<16x128xf32>
    %max3A_1074 = arith.maximumf %max3A_1050, %min3A_1073 : vector<16x128xf32>
    %min3A_1075 = arith.minimumf %max3A_1050, %min3A_1073 : vector<16x128xf32>
    %max3A_1076 = arith.maximumf %max3A_1052, %min3A_1075 : vector<16x128xf32>
    %min3A_1077 = arith.minimumf %max3A_1052, %min3A_1075 : vector<16x128xf32>
    %max3A_1078 = arith.maximumf %max3A_1054, %min3A_1077 : vector<16x128xf32>
    %exp3A_1079 = math.exp %slice3A_1069 : vector<16x128xf32>
    %add3A_1080 = arith.addf %add3A_1056, %exp3A_1079 : vector<16x128xf32>
    %slice3A_1081 = vector.extract_strided_slice %get3A_3 {offsets = [0, 12032], sizes = [16, 128], strides = [1, 1]} : vector<16x32768xf32> to vector<16x128xf32>
    %max3A_1082 = arith.maximumf %max3A_1058, %slice3A_1081 : vector<16x128xf32>
    %min3A_1083 = arith.minimumf %max3A_1058, %slice3A_1081 : vector<16x128xf32>
    %max3A_1084 = arith.maximumf %max3A_1060, %min3A_1083 : vector<16x128xf32>
    %min3A_1085 = arith.minimumf %max3A_1060, %min3A_1083 : vector<16x128xf32>
    %max3A_1086 = arith.maximumf %max3A_1062, %min3A_1085 : vector<16x128xf32>
    %min3A_1087 = arith.minimumf %max3A_1062, %min3A_1085 : vector<16x128xf32>
    %max3A_1088 = arith.maximumf %max3A_1064, %min3A_1087 : vector<16x128xf32>
    %min3A_1089 = arith.minimumf %max3A_1064, %min3A_1087 : vector<16x128xf32>
    %max3A_1090 = arith.maximumf %max3A_1066, %min3A_1089 : vector<16x128xf32>
    %exp3A_1091 = math.exp %slice3A_1081 : vector<16x128xf32>
    %add3A_1092 = arith.addf %add3A_1068, %exp3A_1091 : vector<16x128xf32>
    %slice3A_1093 = vector.extract_strided_slice %get3A_3 {offsets = [0, 12160], sizes = [16, 128], strides = [1, 1]} : vector<16x32768xf32> to vector<16x128xf32>
    %max3A_1094 = arith.maximumf %max3A_1070, %slice3A_1093 : vector<16x128xf32>
    %min3A_1095 = arith.minimumf %max3A_1070, %slice3A_1093 : vector<16x128xf32>
    %max3A_1096 = arith.maximumf %max3A_1072, %min3A_1095 : vector<16x128xf32>
    %min3A_1097 = arith.minimumf %max3A_1072, %min3A_1095 : vector<16x128xf32>
    %max3A_1098 = arith.maximumf %max3A_1074, %min3A_1097 : vector<16x128xf32>
    %min3A_1099 = arith.minimumf %max3A_1074, %min3A_1097 : vector<16x128xf32>
    %max3A_1100 = arith.maximumf %max3A_1076, %min3A_1099 : vector<16x128xf32>
    %min3A_1101 = arith.minimumf %max3A_1076, %min3A_1099 : vector<16x128xf32>
    %max3A_1102 = arith.maximumf %max3A_1078, %min3A_1101 : vector<16x128xf32>
    %exp3A_1103 = math.exp %slice3A_1093 : vector<16x128xf32>
    %add3A_1104 = arith.addf %add3A_1080, %exp3A_1103 : vector<16x128xf32>
    %slice3A_1105 = vector.extract_strided_slice %get3A_3 {offsets = [0, 12288], sizes = [16, 128], strides = [1, 1]} : vector<16x32768xf32> to vector<16x128xf32>
    %max3A_1106 = arith.maximumf %max3A_1082, %slice3A_1105 : vector<16x128xf32>
    %min3A_1107 = arith.minimumf %max3A_1082, %slice3A_1105 : vector<16x128xf32>
    %max3A_1108 = arith.maximumf %max3A_1084, %min3A_1107 : vector<16x128xf32>
    %min3A_1109 = arith.minimumf %max3A_1084, %min3A_1107 : vector<16x128xf32>
    %max3A_1110 = arith.maximumf %max3A_1086, %min3A_1109 : vector<16x128xf32>
    %min3A_1111 = arith.minimumf %max3A_1086, %min3A_1109 : vector<16x128xf32>
    %max3A_1112 = arith.maximumf %max3A_1088, %min3A_1111 : vector<16x128xf32>
    %min3A_1113 = arith.minimumf %max3A_1088, %min3A_1111 : vector<16x128xf32>
    %max3A_1114 = arith.maximumf %max3A_1090, %min3A_1113 : vector<16x128xf32>
    %exp3A_1115 = math.exp %slice3A_1105 : vector<16x128xf32>
    %add3A_1116 = arith.addf %add3A_1092, %exp3A_1115 : vector<16x128xf32>
    %slice3A_1117 = vector.extract_strided_slice %get3A_3 {offsets = [0, 12416], sizes = [16, 128], strides = [1, 1]} : vector<16x32768xf32> to vector<16x128xf32>
    %max3A_1118 = arith.maximumf %max3A_1094, %slice3A_1117 : vector<16x128xf32>
    %min3A_1119 = arith.minimumf %max3A_1094, %slice3A_1117 : vector<16x128xf32>
    %max3A_1120 = arith.maximumf %max3A_1096, %min3A_1119 : vector<16x128xf32>
    %min3A_1121 = arith.minimumf %max3A_1096, %min3A_1119 : vector<16x128xf32>
    %max3A_1122 = arith.maximumf %max3A_1098, %min3A_1121 : vector<16x128xf32>
    %min3A_1123 = arith.minimumf %max3A_1098, %min3A_1121 : vector<16x128xf32>
    %max3A_1124 = arith.maximumf %max3A_1100, %min3A_1123 : vector<16x128xf32>
    %min3A_1125 = arith.minimumf %max3A_1100, %min3A_1123 : vector<16x128xf32>
    %max3A_1126 = arith.maximumf %max3A_1102, %min3A_1125 : vector<16x128xf32>
    %exp3A_1127 = math.exp %slice3A_1117 : vector<16x128xf32>
    %add3A_1128 = arith.addf %add3A_1104, %exp3A_1127 : vector<16x128xf32>
    %slice3A_1129 = vector.extract_strided_slice %get3A_3 {offsets = [0, 12544], sizes = [16, 128], strides = [1, 1]} : vector<16x32768xf32> to vector<16x128xf32>
    %max3A_1130 = arith.maximumf %max3A_1106, %slice3A_1129 : vector<16x128xf32>
    %min3A_1131 = arith.minimumf %max3A_1106, %slice3A_1129 : vector<16x128xf32>
    %max3A_1132 = arith.maximumf %max3A_1108, %min3A_1131 : vector<16x128xf32>
    %min3A_1133 = arith.minimumf %max3A_1108, %min3A_1131 : vector<16x128xf32>
    %max3A_1134 = arith.maximumf %max3A_1110, %min3A_1133 : vector<16x128xf32>
    %min3A_1135 = arith.minimumf %max3A_1110, %min3A_1133 : vector<16x128xf32>
    %max3A_1136 = arith.maximumf %max3A_1112, %min3A_1135 : vector<16x128xf32>
    %min3A_1137 = arith.minimumf %max3A_1112, %min3A_1135 : vector<16x128xf32>
    %max3A_1138 = arith.maximumf %max3A_1114, %min3A_1137 : vector<16x128xf32>
    %exp3A_1139 = math.exp %slice3A_1129 : vector<16x128xf32>
    %add3A_1140 = arith.addf %add3A_1116, %exp3A_1139 : vector<16x128xf32>
    %slice3A_1141 = vector.extract_strided_slice %get3A_3 {offsets = [0, 12672], sizes = [16, 128], strides = [1, 1]} : vector<16x32768xf32> to vector<16x128xf32>
    %max3A_1142 = arith.maximumf %max3A_1118, %slice3A_1141 : vector<16x128xf32>
    %min3A_1143 = arith.minimumf %max3A_1118, %slice3A_1141 : vector<16x128xf32>
    %max3A_1144 = arith.maximumf %max3A_1120, %min3A_1143 : vector<16x128xf32>
    %min3A_1145 = arith.minimumf %max3A_1120, %min3A_1143 : vector<16x128xf32>
    %max3A_1146 = arith.maximumf %max3A_1122, %min3A_1145 : vector<16x128xf32>
    %min3A_1147 = arith.minimumf %max3A_1122, %min3A_1145 : vector<16x128xf32>
    %max3A_1148 = arith.maximumf %max3A_1124, %min3A_1147 : vector<16x128xf32>
    %min3A_1149 = arith.minimumf %max3A_1124, %min3A_1147 : vector<16x128xf32>
    %max3A_1150 = arith.maximumf %max3A_1126, %min3A_1149 : vector<16x128xf32>
    %exp3A_1151 = math.exp %slice3A_1141 : vector<16x128xf32>
    %add3A_1152 = arith.addf %add3A_1128, %exp3A_1151 : vector<16x128xf32>
    %slice3A_1153 = vector.extract_strided_slice %get3A_3 {offsets = [0, 12800], sizes = [16, 128], strides = [1, 1]} : vector<16x32768xf32> to vector<16x128xf32>
    %max3A_1154 = arith.maximumf %max3A_1130, %slice3A_1153 : vector<16x128xf32>
    %min3A_1155 = arith.minimumf %max3A_1130, %slice3A_1153 : vector<16x128xf32>
    %max3A_1156 = arith.maximumf %max3A_1132, %min3A_1155 : vector<16x128xf32>
    %min3A_1157 = arith.minimumf %max3A_1132, %min3A_1155 : vector<16x128xf32>
    %max3A_1158 = arith.maximumf %max3A_1134, %min3A_1157 : vector<16x128xf32>
    %min3A_1159 = arith.minimumf %max3A_1134, %min3A_1157 : vector<16x128xf32>
    %max3A_1160 = arith.maximumf %max3A_1136, %min3A_1159 : vector<16x128xf32>
    %min3A_1161 = arith.minimumf %max3A_1136, %min3A_1159 : vector<16x128xf32>
    %max3A_1162 = arith.maximumf %max3A_1138, %min3A_1161 : vector<16x128xf32>
    %exp3A_1163 = math.exp %slice3A_1153 : vector<16x128xf32>
    %add3A_1164 = arith.addf %add3A_1140, %exp3A_1163 : vector<16x128xf32>
    %slice3A_1165 = vector.extract_strided_slice %get3A_3 {offsets = [0, 12928], sizes = [16, 128], strides = [1, 1]} : vector<16x32768xf32> to vector<16x128xf32>
    %max3A_1166 = arith.maximumf %max3A_1142, %slice3A_1165 : vector<16x128xf32>
    %min3A_1167 = arith.minimumf %max3A_1142, %slice3A_1165 : vector<16x128xf32>
    %max3A_1168 = arith.maximumf %max3A_1144, %min3A_1167 : vector<16x128xf32>
    %min3A_1169 = arith.minimumf %max3A_1144, %min3A_1167 : vector<16x128xf32>
    %max3A_1170 = arith.maximumf %max3A_1146, %min3A_1169 : vector<16x128xf32>
    %min3A_1171 = arith.minimumf %max3A_1146, %min3A_1169 : vector<16x128xf32>
    %max3A_1172 = arith.maximumf %max3A_1148, %min3A_1171 : vector<16x128xf32>
    %min3A_1173 = arith.minimumf %max3A_1148, %min3A_1171 : vector<16x128xf32>
    %max3A_1174 = arith.maximumf %max3A_1150, %min3A_1173 : vector<16x128xf32>
    %exp3A_1175 = math.exp %slice3A_1165 : vector<16x128xf32>
    %add3A_1176 = arith.addf %add3A_1152, %exp3A_1175 : vector<16x128xf32>
    %slice3A_1177 = vector.extract_strided_slice %get3A_3 {offsets = [0, 13056], sizes = [16, 128], strides = [1, 1]} : vector<16x32768xf32> to vector<16x128xf32>
    %max3A_1178 = arith.maximumf %max3A_1154, %slice3A_1177 : vector<16x128xf32>
    %min3A_1179 = arith.minimumf %max3A_1154, %slice3A_1177 : vector<16x128xf32>
    %max3A_1180 = arith.maximumf %max3A_1156, %min3A_1179 : vector<16x128xf32>
    %min3A_1181 = arith.minimumf %max3A_1156, %min3A_1179 : vector<16x128xf32>
    %max3A_1182 = arith.maximumf %max3A_1158, %min3A_1181 : vector<16x128xf32>
    %min3A_1183 = arith.minimumf %max3A_1158, %min3A_1181 : vector<16x128xf32>
    %max3A_1184 = arith.maximumf %max3A_1160, %min3A_1183 : vector<16x128xf32>
    %min3A_1185 = arith.minimumf %max3A_1160, %min3A_1183 : vector<16x128xf32>
    %max3A_1186 = arith.maximumf %max3A_1162, %min3A_1185 : vector<16x128xf32>
    %exp3A_1187 = math.exp %slice3A_1177 : vector<16x128xf32>
    %add3A_1188 = arith.addf %add3A_1164, %exp3A_1187 : vector<16x128xf32>
    %slice3A_1189 = vector.extract_strided_slice %get3A_3 {offsets = [0, 13184], sizes = [16, 128], strides = [1, 1]} : vector<16x32768xf32> to vector<16x128xf32>
    %max3A_1190 = arith.maximumf %max3A_1166, %slice3A_1189 : vector<16x128xf32>
    %min3A_1191 = arith.minimumf %max3A_1166, %slice3A_1189 : vector<16x128xf32>
    %max3A_1192 = arith.maximumf %max3A_1168, %min3A_1191 : vector<16x128xf32>
    %min3A_1193 = arith.minimumf %max3A_1168, %min3A_1191 : vector<16x128xf32>
    %max3A_1194 = arith.maximumf %max3A_1170, %min3A_1193 : vector<16x128xf32>
    %min3A_1195 = arith.minimumf %max3A_1170, %min3A_1193 : vector<16x128xf32>
    %max3A_1196 = arith.maximumf %max3A_1172, %min3A_1195 : vector<16x128xf32>
    %min3A_1197 = arith.minimumf %max3A_1172, %min3A_1195 : vector<16x128xf32>
    %max3A_1198 = arith.maximumf %max3A_1174, %min3A_1197 : vector<16x128xf32>
    %exp3A_1199 = math.exp %slice3A_1189 : vector<16x128xf32>
    %add3A_1200 = arith.addf %add3A_1176, %exp3A_1199 : vector<16x128xf32>
    %slice3A_1201 = vector.extract_strided_slice %get3A_3 {offsets = [0, 13312], sizes = [16, 128], strides = [1, 1]} : vector<16x32768xf32> to vector<16x128xf32>
    %max3A_1202 = arith.maximumf %max3A_1178, %slice3A_1201 : vector<16x128xf32>
    %min3A_1203 = arith.minimumf %max3A_1178, %slice3A_1201 : vector<16x128xf32>
    %max3A_1204 = arith.maximumf %max3A_1180, %min3A_1203 : vector<16x128xf32>
    %min3A_1205 = arith.minimumf %max3A_1180, %min3A_1203 : vector<16x128xf32>
    %max3A_1206 = arith.maximumf %max3A_1182, %min3A_1205 : vector<16x128xf32>
    %min3A_1207 = arith.minimumf %max3A_1182, %min3A_1205 : vector<16x128xf32>
    %max3A_1208 = arith.maximumf %max3A_1184, %min3A_1207 : vector<16x128xf32>
    %min3A_1209 = arith.minimumf %max3A_1184, %min3A_1207 : vector<16x128xf32>
    %max3A_1210 = arith.maximumf %max3A_1186, %min3A_1209 : vector<16x128xf32>
    %exp3A_1211 = math.exp %slice3A_1201 : vector<16x128xf32>
    %add3A_1212 = arith.addf %add3A_1188, %exp3A_1211 : vector<16x128xf32>
    %slice3A_1213 = vector.extract_strided_slice %get3A_3 {offsets = [0, 13440], sizes = [16, 128], strides = [1, 1]} : vector<16x32768xf32> to vector<16x128xf32>
    %max3A_1214 = arith.maximumf %max3A_1190, %slice3A_1213 : vector<16x128xf32>
    %min3A_1215 = arith.minimumf %max3A_1190, %slice3A_1213 : vector<16x128xf32>
    %max3A_1216 = arith.maximumf %max3A_1192, %min3A_1215 : vector<16x128xf32>
    %min3A_1217 = arith.minimumf %max3A_1192, %min3A_1215 : vector<16x128xf32>
    %max3A_1218 = arith.maximumf %max3A_1194, %min3A_1217 : vector<16x128xf32>
    %min3A_1219 = arith.minimumf %max3A_1194, %min3A_1217 : vector<16x128xf32>
    %max3A_1220 = arith.maximumf %max3A_1196, %min3A_1219 : vector<16x128xf32>
    %min3A_1221 = arith.minimumf %max3A_1196, %min3A_1219 : vector<16x128xf32>
    %max3A_1222 = arith.maximumf %max3A_1198, %min3A_1221 : vector<16x128xf32>
    %exp3A_1223 = math.exp %slice3A_1213 : vector<16x128xf32>
    %add3A_1224 = arith.addf %add3A_1200, %exp3A_1223 : vector<16x128xf32>
    %slice3A_1225 = vector.extract_strided_slice %get3A_3 {offsets = [0, 13568], sizes = [16, 128], strides = [1, 1]} : vector<16x32768xf32> to vector<16x128xf32>
    %max3A_1226 = arith.maximumf %max3A_1202, %slice3A_1225 : vector<16x128xf32>
    %min3A_1227 = arith.minimumf %max3A_1202, %slice3A_1225 : vector<16x128xf32>
    %max3A_1228 = arith.maximumf %max3A_1204, %min3A_1227 : vector<16x128xf32>
    %min3A_1229 = arith.minimumf %max3A_1204, %min3A_1227 : vector<16x128xf32>
    %max3A_1230 = arith.maximumf %max3A_1206, %min3A_1229 : vector<16x128xf32>
    %min3A_1231 = arith.minimumf %max3A_1206, %min3A_1229 : vector<16x128xf32>
    %max3A_1232 = arith.maximumf %max3A_1208, %min3A_1231 : vector<16x128xf32>
    %min3A_1233 = arith.minimumf %max3A_1208, %min3A_1231 : vector<16x128xf32>
    %max3A_1234 = arith.maximumf %max3A_1210, %min3A_1233 : vector<16x128xf32>
    %exp3A_1235 = math.exp %slice3A_1225 : vector<16x128xf32>
    %add3A_1236 = arith.addf %add3A_1212, %exp3A_1235 : vector<16x128xf32>
    %slice3A_1237 = vector.extract_strided_slice %get3A_3 {offsets = [0, 13696], sizes = [16, 128], strides = [1, 1]} : vector<16x32768xf32> to vector<16x128xf32>
    %max3A_1238 = arith.maximumf %max3A_1214, %slice3A_1237 : vector<16x128xf32>
    %min3A_1239 = arith.minimumf %max3A_1214, %slice3A_1237 : vector<16x128xf32>
    %max3A_1240 = arith.maximumf %max3A_1216, %min3A_1239 : vector<16x128xf32>
    %min3A_1241 = arith.minimumf %max3A_1216, %min3A_1239 : vector<16x128xf32>
    %max3A_1242 = arith.maximumf %max3A_1218, %min3A_1241 : vector<16x128xf32>
    %min3A_1243 = arith.minimumf %max3A_1218, %min3A_1241 : vector<16x128xf32>
    %max3A_1244 = arith.maximumf %max3A_1220, %min3A_1243 : vector<16x128xf32>
    %min3A_1245 = arith.minimumf %max3A_1220, %min3A_1243 : vector<16x128xf32>
    %max3A_1246 = arith.maximumf %max3A_1222, %min3A_1245 : vector<16x128xf32>
    %exp3A_1247 = math.exp %slice3A_1237 : vector<16x128xf32>
    %add3A_1248 = arith.addf %add3A_1224, %exp3A_1247 : vector<16x128xf32>
    %slice3A_1249 = vector.extract_strided_slice %get3A_3 {offsets = [0, 13824], sizes = [16, 128], strides = [1, 1]} : vector<16x32768xf32> to vector<16x128xf32>
    %max3A_1250 = arith.maximumf %max3A_1226, %slice3A_1249 : vector<16x128xf32>
    %min3A_1251 = arith.minimumf %max3A_1226, %slice3A_1249 : vector<16x128xf32>
    %max3A_1252 = arith.maximumf %max3A_1228, %min3A_1251 : vector<16x128xf32>
    %min3A_1253 = arith.minimumf %max3A_1228, %min3A_1251 : vector<16x128xf32>
    %max3A_1254 = arith.maximumf %max3A_1230, %min3A_1253 : vector<16x128xf32>
    %min3A_1255 = arith.minimumf %max3A_1230, %min3A_1253 : vector<16x128xf32>
    %max3A_1256 = arith.maximumf %max3A_1232, %min3A_1255 : vector<16x128xf32>
    %min3A_1257 = arith.minimumf %max3A_1232, %min3A_1255 : vector<16x128xf32>
    %max3A_1258 = arith.maximumf %max3A_1234, %min3A_1257 : vector<16x128xf32>
    %exp3A_1259 = math.exp %slice3A_1249 : vector<16x128xf32>
    %add3A_1260 = arith.addf %add3A_1236, %exp3A_1259 : vector<16x128xf32>
    %slice3A_1261 = vector.extract_strided_slice %get3A_3 {offsets = [0, 13952], sizes = [16, 128], strides = [1, 1]} : vector<16x32768xf32> to vector<16x128xf32>
    %max3A_1262 = arith.maximumf %max3A_1238, %slice3A_1261 : vector<16x128xf32>
    %min3A_1263 = arith.minimumf %max3A_1238, %slice3A_1261 : vector<16x128xf32>
    %max3A_1264 = arith.maximumf %max3A_1240, %min3A_1263 : vector<16x128xf32>
    %min3A_1265 = arith.minimumf %max3A_1240, %min3A_1263 : vector<16x128xf32>
    %max3A_1266 = arith.maximumf %max3A_1242, %min3A_1265 : vector<16x128xf32>
    %min3A_1267 = arith.minimumf %max3A_1242, %min3A_1265 : vector<16x128xf32>
    %max3A_1268 = arith.maximumf %max3A_1244, %min3A_1267 : vector<16x128xf32>
    %min3A_1269 = arith.minimumf %max3A_1244, %min3A_1267 : vector<16x128xf32>
    %max3A_1270 = arith.maximumf %max3A_1246, %min3A_1269 : vector<16x128xf32>
    %exp3A_1271 = math.exp %slice3A_1261 : vector<16x128xf32>
    %add3A_1272 = arith.addf %add3A_1248, %exp3A_1271 : vector<16x128xf32>
    %slice3A_1273 = vector.extract_strided_slice %get3A_3 {offsets = [0, 14080], sizes = [16, 128], strides = [1, 1]} : vector<16x32768xf32> to vector<16x128xf32>
    %max3A_1274 = arith.maximumf %max3A_1250, %slice3A_1273 : vector<16x128xf32>
    %min3A_1275 = arith.minimumf %max3A_1250, %slice3A_1273 : vector<16x128xf32>
    %max3A_1276 = arith.maximumf %max3A_1252, %min3A_1275 : vector<16x128xf32>
    %min3A_1277 = arith.minimumf %max3A_1252, %min3A_1275 : vector<16x128xf32>
    %max3A_1278 = arith.maximumf %max3A_1254, %min3A_1277 : vector<16x128xf32>
    %min3A_1279 = arith.minimumf %max3A_1254, %min3A_1277 : vector<16x128xf32>
    %max3A_1280 = arith.maximumf %max3A_1256, %min3A_1279 : vector<16x128xf32>
    %min3A_1281 = arith.minimumf %max3A_1256, %min3A_1279 : vector<16x128xf32>
    %max3A_1282 = arith.maximumf %max3A_1258, %min3A_1281 : vector<16x128xf32>
    %exp3A_1283 = math.exp %slice3A_1273 : vector<16x128xf32>
    %add3A_1284 = arith.addf %add3A_1260, %exp3A_1283 : vector<16x128xf32>
    %slice3A_1285 = vector.extract_strided_slice %get3A_3 {offsets = [0, 14208], sizes = [16, 128], strides = [1, 1]} : vector<16x32768xf32> to vector<16x128xf32>
    %max3A_1286 = arith.maximumf %max3A_1262, %slice3A_1285 : vector<16x128xf32>
    %min3A_1287 = arith.minimumf %max3A_1262, %slice3A_1285 : vector<16x128xf32>
    %max3A_1288 = arith.maximumf %max3A_1264, %min3A_1287 : vector<16x128xf32>
    %min3A_1289 = arith.minimumf %max3A_1264, %min3A_1287 : vector<16x128xf32>
    %max3A_1290 = arith.maximumf %max3A_1266, %min3A_1289 : vector<16x128xf32>
    %min3A_1291 = arith.minimumf %max3A_1266, %min3A_1289 : vector<16x128xf32>
    %max3A_1292 = arith.maximumf %max3A_1268, %min3A_1291 : vector<16x128xf32>
    %min3A_1293 = arith.minimumf %max3A_1268, %min3A_1291 : vector<16x128xf32>
    %max3A_1294 = arith.maximumf %max3A_1270, %min3A_1293 : vector<16x128xf32>
    %exp3A_1295 = math.exp %slice3A_1285 : vector<16x128xf32>
    %add3A_1296 = arith.addf %add3A_1272, %exp3A_1295 : vector<16x128xf32>
    %slice3A_1297 = vector.extract_strided_slice %get3A_3 {offsets = [0, 14336], sizes = [16, 128], strides = [1, 1]} : vector<16x32768xf32> to vector<16x128xf32>
    %max3A_1298 = arith.maximumf %max3A_1274, %slice3A_1297 : vector<16x128xf32>
    %min3A_1299 = arith.minimumf %max3A_1274, %slice3A_1297 : vector<16x128xf32>
    %max3A_1300 = arith.maximumf %max3A_1276, %min3A_1299 : vector<16x128xf32>
    %min3A_1301 = arith.minimumf %max3A_1276, %min3A_1299 : vector<16x128xf32>
    %max3A_1302 = arith.maximumf %max3A_1278, %min3A_1301 : vector<16x128xf32>
    %min3A_1303 = arith.minimumf %max3A_1278, %min3A_1301 : vector<16x128xf32>
    %max3A_1304 = arith.maximumf %max3A_1280, %min3A_1303 : vector<16x128xf32>
    %min3A_1305 = arith.minimumf %max3A_1280, %min3A_1303 : vector<16x128xf32>
    %max3A_1306 = arith.maximumf %max3A_1282, %min3A_1305 : vector<16x128xf32>
    %exp3A_1307 = math.exp %slice3A_1297 : vector<16x128xf32>
    %add3A_1308 = arith.addf %add3A_1284, %exp3A_1307 : vector<16x128xf32>
    %slice3A_1309 = vector.extract_strided_slice %get3A_3 {offsets = [0, 14464], sizes = [16, 128], strides = [1, 1]} : vector<16x32768xf32> to vector<16x128xf32>
    %max3A_1310 = arith.maximumf %max3A_1286, %slice3A_1309 : vector<16x128xf32>
    %min3A_1311 = arith.minimumf %max3A_1286, %slice3A_1309 : vector<16x128xf32>
    %max3A_1312 = arith.maximumf %max3A_1288, %min3A_1311 : vector<16x128xf32>
    %min3A_1313 = arith.minimumf %max3A_1288, %min3A_1311 : vector<16x128xf32>
    %max3A_1314 = arith.maximumf %max3A_1290, %min3A_1313 : vector<16x128xf32>
    %min3A_1315 = arith.minimumf %max3A_1290, %min3A_1313 : vector<16x128xf32>
    %max3A_1316 = arith.maximumf %max3A_1292, %min3A_1315 : vector<16x128xf32>
    %min3A_1317 = arith.minimumf %max3A_1292, %min3A_1315 : vector<16x128xf32>
    %max3A_1318 = arith.maximumf %max3A_1294, %min3A_1317 : vector<16x128xf32>
    %exp3A_1319 = math.exp %slice3A_1309 : vector<16x128xf32>
    %add3A_1320 = arith.addf %add3A_1296, %exp3A_1319 : vector<16x128xf32>
    %slice3A_1321 = vector.extract_strided_slice %get3A_3 {offsets = [0, 14592], sizes = [16, 128], strides = [1, 1]} : vector<16x32768xf32> to vector<16x128xf32>
    %max3A_1322 = arith.maximumf %max3A_1298, %slice3A_1321 : vector<16x128xf32>
    %min3A_1323 = arith.minimumf %max3A_1298, %slice3A_1321 : vector<16x128xf32>
    %max3A_1324 = arith.maximumf %max3A_1300, %min3A_1323 : vector<16x128xf32>
    %min3A_1325 = arith.minimumf %max3A_1300, %min3A_1323 : vector<16x128xf32>
    %max3A_1326 = arith.maximumf %max3A_1302, %min3A_1325 : vector<16x128xf32>
    %min3A_1327 = arith.minimumf %max3A_1302, %min3A_1325 : vector<16x128xf32>
    %max3A_1328 = arith.maximumf %max3A_1304, %min3A_1327 : vector<16x128xf32>
    %min3A_1329 = arith.minimumf %max3A_1304, %min3A_1327 : vector<16x128xf32>
    %max3A_1330 = arith.maximumf %max3A_1306, %min3A_1329 : vector<16x128xf32>
    %exp3A_1331 = math.exp %slice3A_1321 : vector<16x128xf32>
    %add3A_1332 = arith.addf %add3A_1308, %exp3A_1331 : vector<16x128xf32>
    %slice3A_1333 = vector.extract_strided_slice %get3A_3 {offsets = [0, 14720], sizes = [16, 128], strides = [1, 1]} : vector<16x32768xf32> to vector<16x128xf32>
    %max3A_1334 = arith.maximumf %max3A_1310, %slice3A_1333 : vector<16x128xf32>
    %min3A_1335 = arith.minimumf %max3A_1310, %slice3A_1333 : vector<16x128xf32>
    %max3A_1336 = arith.maximumf %max3A_1312, %min3A_1335 : vector<16x128xf32>
    %min3A_1337 = arith.minimumf %max3A_1312, %min3A_1335 : vector<16x128xf32>
    %max3A_1338 = arith.maximumf %max3A_1314, %min3A_1337 : vector<16x128xf32>
    %min3A_1339 = arith.minimumf %max3A_1314, %min3A_1337 : vector<16x128xf32>
    %max3A_1340 = arith.maximumf %max3A_1316, %min3A_1339 : vector<16x128xf32>
    %min3A_1341 = arith.minimumf %max3A_1316, %min3A_1339 : vector<16x128xf32>
    %max3A_1342 = arith.maximumf %max3A_1318, %min3A_1341 : vector<16x128xf32>
    %exp3A_1343 = math.exp %slice3A_1333 : vector<16x128xf32>
    %add3A_1344 = arith.addf %add3A_1320, %exp3A_1343 : vector<16x128xf32>
    %slice3A_1345 = vector.extract_strided_slice %get3A_3 {offsets = [0, 14848], sizes = [16, 128], strides = [1, 1]} : vector<16x32768xf32> to vector<16x128xf32>
    %max3A_1346 = arith.maximumf %max3A_1322, %slice3A_1345 : vector<16x128xf32>
    %min3A_1347 = arith.minimumf %max3A_1322, %slice3A_1345 : vector<16x128xf32>
    %max3A_1348 = arith.maximumf %max3A_1324, %min3A_1347 : vector<16x128xf32>
    %min3A_1349 = arith.minimumf %max3A_1324, %min3A_1347 : vector<16x128xf32>
    %max3A_1350 = arith.maximumf %max3A_1326, %min3A_1349 : vector<16x128xf32>
    %min3A_1351 = arith.minimumf %max3A_1326, %min3A_1349 : vector<16x128xf32>
    %max3A_1352 = arith.maximumf %max3A_1328, %min3A_1351 : vector<16x128xf32>
    %min3A_1353 = arith.minimumf %max3A_1328, %min3A_1351 : vector<16x128xf32>
    %max3A_1354 = arith.maximumf %max3A_1330, %min3A_1353 : vector<16x128xf32>
    %exp3A_1355 = math.exp %slice3A_1345 : vector<16x128xf32>
    %add3A_1356 = arith.addf %add3A_1332, %exp3A_1355 : vector<16x128xf32>
    %slice3A_1357 = vector.extract_strided_slice %get3A_3 {offsets = [0, 14976], sizes = [16, 128], strides = [1, 1]} : vector<16x32768xf32> to vector<16x128xf32>
    %max3A_1358 = arith.maximumf %max3A_1334, %slice3A_1357 : vector<16x128xf32>
    %min3A_1359 = arith.minimumf %max3A_1334, %slice3A_1357 : vector<16x128xf32>
    %max3A_1360 = arith.maximumf %max3A_1336, %min3A_1359 : vector<16x128xf32>
    %min3A_1361 = arith.minimumf %max3A_1336, %min3A_1359 : vector<16x128xf32>
    %max3A_1362 = arith.maximumf %max3A_1338, %min3A_1361 : vector<16x128xf32>
    %min3A_1363 = arith.minimumf %max3A_1338, %min3A_1361 : vector<16x128xf32>
    %max3A_1364 = arith.maximumf %max3A_1340, %min3A_1363 : vector<16x128xf32>
    %min3A_1365 = arith.minimumf %max3A_1340, %min3A_1363 : vector<16x128xf32>
    %max3A_1366 = arith.maximumf %max3A_1342, %min3A_1365 : vector<16x128xf32>
    %exp3A_1367 = math.exp %slice3A_1357 : vector<16x128xf32>
    %add3A_1368 = arith.addf %add3A_1344, %exp3A_1367 : vector<16x128xf32>
    %slice3A_1369 = vector.extract_strided_slice %get3A_3 {offsets = [0, 15104], sizes = [16, 128], strides = [1, 1]} : vector<16x32768xf32> to vector<16x128xf32>
    %max3A_1370 = arith.maximumf %max3A_1346, %slice3A_1369 : vector<16x128xf32>
    %min3A_1371 = arith.minimumf %max3A_1346, %slice3A_1369 : vector<16x128xf32>
    %max3A_1372 = arith.maximumf %max3A_1348, %min3A_1371 : vector<16x128xf32>
    %min3A_1373 = arith.minimumf %max3A_1348, %min3A_1371 : vector<16x128xf32>
    %max3A_1374 = arith.maximumf %max3A_1350, %min3A_1373 : vector<16x128xf32>
    %min3A_1375 = arith.minimumf %max3A_1350, %min3A_1373 : vector<16x128xf32>
    %max3A_1376 = arith.maximumf %max3A_1352, %min3A_1375 : vector<16x128xf32>
    %min3A_1377 = arith.minimumf %max3A_1352, %min3A_1375 : vector<16x128xf32>
    %max3A_1378 = arith.maximumf %max3A_1354, %min3A_1377 : vector<16x128xf32>
    %exp3A_1379 = math.exp %slice3A_1369 : vector<16x128xf32>
    %add3A_1380 = arith.addf %add3A_1356, %exp3A_1379 : vector<16x128xf32>
    %slice3A_1381 = vector.extract_strided_slice %get3A_3 {offsets = [0, 15232], sizes = [16, 128], strides = [1, 1]} : vector<16x32768xf32> to vector<16x128xf32>
    %max3A_1382 = arith.maximumf %max3A_1358, %slice3A_1381 : vector<16x128xf32>
    %min3A_1383 = arith.minimumf %max3A_1358, %slice3A_1381 : vector<16x128xf32>
    %max3A_1384 = arith.maximumf %max3A_1360, %min3A_1383 : vector<16x128xf32>
    %min3A_1385 = arith.minimumf %max3A_1360, %min3A_1383 : vector<16x128xf32>
    %max3A_1386 = arith.maximumf %max3A_1362, %min3A_1385 : vector<16x128xf32>
    %min3A_1387 = arith.minimumf %max3A_1362, %min3A_1385 : vector<16x128xf32>
    %max3A_1388 = arith.maximumf %max3A_1364, %min3A_1387 : vector<16x128xf32>
    %min3A_1389 = arith.minimumf %max3A_1364, %min3A_1387 : vector<16x128xf32>
    %max3A_1390 = arith.maximumf %max3A_1366, %min3A_1389 : vector<16x128xf32>
    %exp3A_1391 = math.exp %slice3A_1381 : vector<16x128xf32>
    %add3A_1392 = arith.addf %add3A_1368, %exp3A_1391 : vector<16x128xf32>
    %slice3A_1393 = vector.extract_strided_slice %get3A_3 {offsets = [0, 15360], sizes = [16, 128], strides = [1, 1]} : vector<16x32768xf32> to vector<16x128xf32>
    %max3A_1394 = arith.maximumf %max3A_1370, %slice3A_1393 : vector<16x128xf32>
    %min3A_1395 = arith.minimumf %max3A_1370, %slice3A_1393 : vector<16x128xf32>
    %max3A_1396 = arith.maximumf %max3A_1372, %min3A_1395 : vector<16x128xf32>
    %min3A_1397 = arith.minimumf %max3A_1372, %min3A_1395 : vector<16x128xf32>
    %max3A_1398 = arith.maximumf %max3A_1374, %min3A_1397 : vector<16x128xf32>
    %min3A_1399 = arith.minimumf %max3A_1374, %min3A_1397 : vector<16x128xf32>
    %max3A_1400 = arith.maximumf %max3A_1376, %min3A_1399 : vector<16x128xf32>
    %min3A_1401 = arith.minimumf %max3A_1376, %min3A_1399 : vector<16x128xf32>
    %max3A_1402 = arith.maximumf %max3A_1378, %min3A_1401 : vector<16x128xf32>
    %exp3A_1403 = math.exp %slice3A_1393 : vector<16x128xf32>
    %add3A_1404 = arith.addf %add3A_1380, %exp3A_1403 : vector<16x128xf32>
    %slice3A_1405 = vector.extract_strided_slice %get3A_3 {offsets = [0, 15488], sizes = [16, 128], strides = [1, 1]} : vector<16x32768xf32> to vector<16x128xf32>
    %max3A_1406 = arith.maximumf %max3A_1382, %slice3A_1405 : vector<16x128xf32>
    %min3A_1407 = arith.minimumf %max3A_1382, %slice3A_1405 : vector<16x128xf32>
    %max3A_1408 = arith.maximumf %max3A_1384, %min3A_1407 : vector<16x128xf32>
    %min3A_1409 = arith.minimumf %max3A_1384, %min3A_1407 : vector<16x128xf32>
    %max3A_1410 = arith.maximumf %max3A_1386, %min3A_1409 : vector<16x128xf32>
    %min3A_1411 = arith.minimumf %max3A_1386, %min3A_1409 : vector<16x128xf32>
    %max3A_1412 = arith.maximumf %max3A_1388, %min3A_1411 : vector<16x128xf32>
    %min3A_1413 = arith.minimumf %max3A_1388, %min3A_1411 : vector<16x128xf32>
    %max3A_1414 = arith.maximumf %max3A_1390, %min3A_1413 : vector<16x128xf32>
    %exp3A_1415 = math.exp %slice3A_1405 : vector<16x128xf32>
    %add3A_1416 = arith.addf %add3A_1392, %exp3A_1415 : vector<16x128xf32>
    %slice3A_1417 = vector.extract_strided_slice %get3A_3 {offsets = [0, 15616], sizes = [16, 128], strides = [1, 1]} : vector<16x32768xf32> to vector<16x128xf32>
    %max3A_1418 = arith.maximumf %max3A_1394, %slice3A_1417 : vector<16x128xf32>
    %min3A_1419 = arith.minimumf %max3A_1394, %slice3A_1417 : vector<16x128xf32>
    %max3A_1420 = arith.maximumf %max3A_1396, %min3A_1419 : vector<16x128xf32>
    %min3A_1421 = arith.minimumf %max3A_1396, %min3A_1419 : vector<16x128xf32>
    %max3A_1422 = arith.maximumf %max3A_1398, %min3A_1421 : vector<16x128xf32>
    %min3A_1423 = arith.minimumf %max3A_1398, %min3A_1421 : vector<16x128xf32>
    %max3A_1424 = arith.maximumf %max3A_1400, %min3A_1423 : vector<16x128xf32>
    %min3A_1425 = arith.minimumf %max3A_1400, %min3A_1423 : vector<16x128xf32>
    %max3A_1426 = arith.maximumf %max3A_1402, %min3A_1425 : vector<16x128xf32>
    %exp3A_1427 = math.exp %slice3A_1417 : vector<16x128xf32>
    %add3A_1428 = arith.addf %add3A_1404, %exp3A_1427 : vector<16x128xf32>
    %slice3A_1429 = vector.extract_strided_slice %get3A_3 {offsets = [0, 15744], sizes = [16, 128], strides = [1, 1]} : vector<16x32768xf32> to vector<16x128xf32>
    %max3A_1430 = arith.maximumf %max3A_1406, %slice3A_1429 : vector<16x128xf32>
    %min3A_1431 = arith.minimumf %max3A_1406, %slice3A_1429 : vector<16x128xf32>
    %max3A_1432 = arith.maximumf %max3A_1408, %min3A_1431 : vector<16x128xf32>
    %min3A_1433 = arith.minimumf %max3A_1408, %min3A_1431 : vector<16x128xf32>
    %max3A_1434 = arith.maximumf %max3A_1410, %min3A_1433 : vector<16x128xf32>
    %min3A_1435 = arith.minimumf %max3A_1410, %min3A_1433 : vector<16x128xf32>
    %max3A_1436 = arith.maximumf %max3A_1412, %min3A_1435 : vector<16x128xf32>
    %min3A_1437 = arith.minimumf %max3A_1412, %min3A_1435 : vector<16x128xf32>
    %max3A_1438 = arith.maximumf %max3A_1414, %min3A_1437 : vector<16x128xf32>
    %exp3A_1439 = math.exp %slice3A_1429 : vector<16x128xf32>
    %add3A_1440 = arith.addf %add3A_1416, %exp3A_1439 : vector<16x128xf32>
    %slice3A_1441 = vector.extract_strided_slice %get3A_3 {offsets = [0, 15872], sizes = [16, 128], strides = [1, 1]} : vector<16x32768xf32> to vector<16x128xf32>
    %max3A_1442 = arith.maximumf %max3A_1418, %slice3A_1441 : vector<16x128xf32>
    %min3A_1443 = arith.minimumf %max3A_1418, %slice3A_1441 : vector<16x128xf32>
    %max3A_1444 = arith.maximumf %max3A_1420, %min3A_1443 : vector<16x128xf32>
    %min3A_1445 = arith.minimumf %max3A_1420, %min3A_1443 : vector<16x128xf32>
    %max3A_1446 = arith.maximumf %max3A_1422, %min3A_1445 : vector<16x128xf32>
    %min3A_1447 = arith.minimumf %max3A_1422, %min3A_1445 : vector<16x128xf32>
    %max3A_1448 = arith.maximumf %max3A_1424, %min3A_1447 : vector<16x128xf32>
    %min3A_1449 = arith.minimumf %max3A_1424, %min3A_1447 : vector<16x128xf32>
    %max3A_1450 = arith.maximumf %max3A_1426, %min3A_1449 : vector<16x128xf32>
    %exp3A_1451 = math.exp %slice3A_1441 : vector<16x128xf32>
    %add3A_1452 = arith.addf %add3A_1428, %exp3A_1451 : vector<16x128xf32>
    %slice3A_1453 = vector.extract_strided_slice %get3A_3 {offsets = [0, 16000], sizes = [16, 128], strides = [1, 1]} : vector<16x32768xf32> to vector<16x128xf32>
    %max3A_1454 = arith.maximumf %max3A_1430, %slice3A_1453 : vector<16x128xf32>
    %min3A_1455 = arith.minimumf %max3A_1430, %slice3A_1453 : vector<16x128xf32>
    %max3A_1456 = arith.maximumf %max3A_1432, %min3A_1455 : vector<16x128xf32>
    %min3A_1457 = arith.minimumf %max3A_1432, %min3A_1455 : vector<16x128xf32>
    %max3A_1458 = arith.maximumf %max3A_1434, %min3A_1457 : vector<16x128xf32>
    %min3A_1459 = arith.minimumf %max3A_1434, %min3A_1457 : vector<16x128xf32>
    %max3A_1460 = arith.maximumf %max3A_1436, %min3A_1459 : vector<16x128xf32>
    %min3A_1461 = arith.minimumf %max3A_1436, %min3A_1459 : vector<16x128xf32>
    %max3A_1462 = arith.maximumf %max3A_1438, %min3A_1461 : vector<16x128xf32>
    %exp3A_1463 = math.exp %slice3A_1453 : vector<16x128xf32>
    %add3A_1464 = arith.addf %add3A_1440, %exp3A_1463 : vector<16x128xf32>
    %slice3A_1465 = vector.extract_strided_slice %get3A_3 {offsets = [0, 16128], sizes = [16, 128], strides = [1, 1]} : vector<16x32768xf32> to vector<16x128xf32>
    %max3A_1466 = arith.maximumf %max3A_1442, %slice3A_1465 : vector<16x128xf32>
    %min3A_1467 = arith.minimumf %max3A_1442, %slice3A_1465 : vector<16x128xf32>
    %max3A_1468 = arith.maximumf %max3A_1444, %min3A_1467 : vector<16x128xf32>
    %min3A_1469 = arith.minimumf %max3A_1444, %min3A_1467 : vector<16x128xf32>
    %max3A_1470 = arith.maximumf %max3A_1446, %min3A_1469 : vector<16x128xf32>
    %min3A_1471 = arith.minimumf %max3A_1446, %min3A_1469 : vector<16x128xf32>
    %max3A_1472 = arith.maximumf %max3A_1448, %min3A_1471 : vector<16x128xf32>
    %min3A_1473 = arith.minimumf %max3A_1448, %min3A_1471 : vector<16x128xf32>
    %max3A_1474 = arith.maximumf %max3A_1450, %min3A_1473 : vector<16x128xf32>
    %exp3A_1475 = math.exp %slice3A_1465 : vector<16x128xf32>
    %add3A_1476 = arith.addf %add3A_1452, %exp3A_1475 : vector<16x128xf32>
    %slice3A_1477 = vector.extract_strided_slice %get3A_3 {offsets = [0, 16256], sizes = [16, 128], strides = [1, 1]} : vector<16x32768xf32> to vector<16x128xf32>
    %max3A_1478 = arith.maximumf %max3A_1454, %slice3A_1477 : vector<16x128xf32>
    %min3A_1479 = arith.minimumf %max3A_1454, %slice3A_1477 : vector<16x128xf32>
    %max3A_1480 = arith.maximumf %max3A_1456, %min3A_1479 : vector<16x128xf32>
    %min3A_1481 = arith.minimumf %max3A_1456, %min3A_1479 : vector<16x128xf32>
    %max3A_1482 = arith.maximumf %max3A_1458, %min3A_1481 : vector<16x128xf32>
    %min3A_1483 = arith.minimumf %max3A_1458, %min3A_1481 : vector<16x128xf32>
    %max3A_1484 = arith.maximumf %max3A_1460, %min3A_1483 : vector<16x128xf32>
    %min3A_1485 = arith.minimumf %max3A_1460, %min3A_1483 : vector<16x128xf32>
    %max3A_1486 = arith.maximumf %max3A_1462, %min3A_1485 : vector<16x128xf32>
    %exp3A_1487 = math.exp %slice3A_1477 : vector<16x128xf32>
    %add3A_1488 = arith.addf %add3A_1464, %exp3A_1487 : vector<16x128xf32>
    %slice3A_1489 = vector.extract_strided_slice %get3A_3 {offsets = [0, 16384], sizes = [16, 128], strides = [1, 1]} : vector<16x32768xf32> to vector<16x128xf32>
    %max3A_1490 = arith.maximumf %max3A_1466, %slice3A_1489 : vector<16x128xf32>
    %min3A_1491 = arith.minimumf %max3A_1466, %slice3A_1489 : vector<16x128xf32>
    %max3A_1492 = arith.maximumf %max3A_1468, %min3A_1491 : vector<16x128xf32>
    %min3A_1493 = arith.minimumf %max3A_1468, %min3A_1491 : vector<16x128xf32>
    %max3A_1494 = arith.maximumf %max3A_1470, %min3A_1493 : vector<16x128xf32>
    %min3A_1495 = arith.minimumf %max3A_1470, %min3A_1493 : vector<16x128xf32>
    %max3A_1496 = arith.maximumf %max3A_1472, %min3A_1495 : vector<16x128xf32>
    %min3A_1497 = arith.minimumf %max3A_1472, %min3A_1495 : vector<16x128xf32>
    %max3A_1498 = arith.maximumf %max3A_1474, %min3A_1497 : vector<16x128xf32>
    %exp3A_1499 = math.exp %slice3A_1489 : vector<16x128xf32>
    %add3A_1500 = arith.addf %add3A_1476, %exp3A_1499 : vector<16x128xf32>
    %slice3A_1501 = vector.extract_strided_slice %get3A_3 {offsets = [0, 16512], sizes = [16, 128], strides = [1, 1]} : vector<16x32768xf32> to vector<16x128xf32>
    %max3A_1502 = arith.maximumf %max3A_1478, %slice3A_1501 : vector<16x128xf32>
    %min3A_1503 = arith.minimumf %max3A_1478, %slice3A_1501 : vector<16x128xf32>
    %max3A_1504 = arith.maximumf %max3A_1480, %min3A_1503 : vector<16x128xf32>
    %min3A_1505 = arith.minimumf %max3A_1480, %min3A_1503 : vector<16x128xf32>
    %max3A_1506 = arith.maximumf %max3A_1482, %min3A_1505 : vector<16x128xf32>
    %min3A_1507 = arith.minimumf %max3A_1482, %min3A_1505 : vector<16x128xf32>
    %max3A_1508 = arith.maximumf %max3A_1484, %min3A_1507 : vector<16x128xf32>
    %min3A_1509 = arith.minimumf %max3A_1484, %min3A_1507 : vector<16x128xf32>
    %max3A_1510 = arith.maximumf %max3A_1486, %min3A_1509 : vector<16x128xf32>
    %exp3A_1511 = math.exp %slice3A_1501 : vector<16x128xf32>
    %add3A_1512 = arith.addf %add3A_1488, %exp3A_1511 : vector<16x128xf32>
    %slice3A_1513 = vector.extract_strided_slice %get3A_3 {offsets = [0, 16640], sizes = [16, 128], strides = [1, 1]} : vector<16x32768xf32> to vector<16x128xf32>
    %max3A_1514 = arith.maximumf %max3A_1490, %slice3A_1513 : vector<16x128xf32>
    %min3A_1515 = arith.minimumf %max3A_1490, %slice3A_1513 : vector<16x128xf32>
    %max3A_1516 = arith.maximumf %max3A_1492, %min3A_1515 : vector<16x128xf32>
    %min3A_1517 = arith.minimumf %max3A_1492, %min3A_1515 : vector<16x128xf32>
    %max3A_1518 = arith.maximumf %max3A_1494, %min3A_1517 : vector<16x128xf32>
    %min3A_1519 = arith.minimumf %max3A_1494, %min3A_1517 : vector<16x128xf32>
    %max3A_1520 = arith.maximumf %max3A_1496, %min3A_1519 : vector<16x128xf32>
    %min3A_1521 = arith.minimumf %max3A_1496, %min3A_1519 : vector<16x128xf32>
    %max3A_1522 = arith.maximumf %max3A_1498, %min3A_1521 : vector<16x128xf32>
    %exp3A_1523 = math.exp %slice3A_1513 : vector<16x128xf32>
    %add3A_1524 = arith.addf %add3A_1500, %exp3A_1523 : vector<16x128xf32>
    %slice3A_1525 = vector.extract_strided_slice %get3A_3 {offsets = [0, 16768], sizes = [16, 128], strides = [1, 1]} : vector<16x32768xf32> to vector<16x128xf32>
    %max3A_1526 = arith.maximumf %max3A_1502, %slice3A_1525 : vector<16x128xf32>
    %min3A_1527 = arith.minimumf %max3A_1502, %slice3A_1525 : vector<16x128xf32>
    %max3A_1528 = arith.maximumf %max3A_1504, %min3A_1527 : vector<16x128xf32>
    %min3A_1529 = arith.minimumf %max3A_1504, %min3A_1527 : vector<16x128xf32>
    %max3A_1530 = arith.maximumf %max3A_1506, %min3A_1529 : vector<16x128xf32>
    %min3A_1531 = arith.minimumf %max3A_1506, %min3A_1529 : vector<16x128xf32>
    %max3A_1532 = arith.maximumf %max3A_1508, %min3A_1531 : vector<16x128xf32>
    %min3A_1533 = arith.minimumf %max3A_1508, %min3A_1531 : vector<16x128xf32>
    %max3A_1534 = arith.maximumf %max3A_1510, %min3A_1533 : vector<16x128xf32>
    %exp3A_1535 = math.exp %slice3A_1525 : vector<16x128xf32>
    %add3A_1536 = arith.addf %add3A_1512, %exp3A_1535 : vector<16x128xf32>
    %slice3A_1537 = vector.extract_strided_slice %get3A_3 {offsets = [0, 16896], sizes = [16, 128], strides = [1, 1]} : vector<16x32768xf32> to vector<16x128xf32>
    %max3A_1538 = arith.maximumf %max3A_1514, %slice3A_1537 : vector<16x128xf32>
    %min3A_1539 = arith.minimumf %max3A_1514, %slice3A_1537 : vector<16x128xf32>
    %max3A_1540 = arith.maximumf %max3A_1516, %min3A_1539 : vector<16x128xf32>
    %min3A_1541 = arith.minimumf %max3A_1516, %min3A_1539 : vector<16x128xf32>
    %max3A_1542 = arith.maximumf %max3A_1518, %min3A_1541 : vector<16x128xf32>
    %min3A_1543 = arith.minimumf %max3A_1518, %min3A_1541 : vector<16x128xf32>
    %max3A_1544 = arith.maximumf %max3A_1520, %min3A_1543 : vector<16x128xf32>
    %min3A_1545 = arith.minimumf %max3A_1520, %min3A_1543 : vector<16x128xf32>
    %max3A_1546 = arith.maximumf %max3A_1522, %min3A_1545 : vector<16x128xf32>
    %exp3A_1547 = math.exp %slice3A_1537 : vector<16x128xf32>
    %add3A_1548 = arith.addf %add3A_1524, %exp3A_1547 : vector<16x128xf32>
    %slice3A_1549 = vector.extract_strided_slice %get3A_3 {offsets = [0, 17024], sizes = [16, 128], strides = [1, 1]} : vector<16x32768xf32> to vector<16x128xf32>
    %max3A_1550 = arith.maximumf %max3A_1526, %slice3A_1549 : vector<16x128xf32>
    %min3A_1551 = arith.minimumf %max3A_1526, %slice3A_1549 : vector<16x128xf32>
    %max3A_1552 = arith.maximumf %max3A_1528, %min3A_1551 : vector<16x128xf32>
    %min3A_1553 = arith.minimumf %max3A_1528, %min3A_1551 : vector<16x128xf32>
    %max3A_1554 = arith.maximumf %max3A_1530, %min3A_1553 : vector<16x128xf32>
    %min3A_1555 = arith.minimumf %max3A_1530, %min3A_1553 : vector<16x128xf32>
    %max3A_1556 = arith.maximumf %max3A_1532, %min3A_1555 : vector<16x128xf32>
    %min3A_1557 = arith.minimumf %max3A_1532, %min3A_1555 : vector<16x128xf32>
    %max3A_1558 = arith.maximumf %max3A_1534, %min3A_1557 : vector<16x128xf32>
    %exp3A_1559 = math.exp %slice3A_1549 : vector<16x128xf32>
    %add3A_1560 = arith.addf %add3A_1536, %exp3A_1559 : vector<16x128xf32>
    %slice3A_1561 = vector.extract_strided_slice %get3A_3 {offsets = [0, 17152], sizes = [16, 128], strides = [1, 1]} : vector<16x32768xf32> to vector<16x128xf32>
    %max3A_1562 = arith.maximumf %max3A_1538, %slice3A_1561 : vector<16x128xf32>
    %min3A_1563 = arith.minimumf %max3A_1538, %slice3A_1561 : vector<16x128xf32>
    %max3A_1564 = arith.maximumf %max3A_1540, %min3A_1563 : vector<16x128xf32>
    %min3A_1565 = arith.minimumf %max3A_1540, %min3A_1563 : vector<16x128xf32>
    %max3A_1566 = arith.maximumf %max3A_1542, %min3A_1565 : vector<16x128xf32>
    %min3A_1567 = arith.minimumf %max3A_1542, %min3A_1565 : vector<16x128xf32>
    %max3A_1568 = arith.maximumf %max3A_1544, %min3A_1567 : vector<16x128xf32>
    %min3A_1569 = arith.minimumf %max3A_1544, %min3A_1567 : vector<16x128xf32>
    %max3A_1570 = arith.maximumf %max3A_1546, %min3A_1569 : vector<16x128xf32>
    %exp3A_1571 = math.exp %slice3A_1561 : vector<16x128xf32>
    %add3A_1572 = arith.addf %add3A_1548, %exp3A_1571 : vector<16x128xf32>
    %slice3A_1573 = vector.extract_strided_slice %get3A_3 {offsets = [0, 17280], sizes = [16, 128], strides = [1, 1]} : vector<16x32768xf32> to vector<16x128xf32>
    %max3A_1574 = arith.maximumf %max3A_1550, %slice3A_1573 : vector<16x128xf32>
    %min3A_1575 = arith.minimumf %max3A_1550, %slice3A_1573 : vector<16x128xf32>
    %max3A_1576 = arith.maximumf %max3A_1552, %min3A_1575 : vector<16x128xf32>
    %min3A_1577 = arith.minimumf %max3A_1552, %min3A_1575 : vector<16x128xf32>
    %max3A_1578 = arith.maximumf %max3A_1554, %min3A_1577 : vector<16x128xf32>
    %min3A_1579 = arith.minimumf %max3A_1554, %min3A_1577 : vector<16x128xf32>
    %max3A_1580 = arith.maximumf %max3A_1556, %min3A_1579 : vector<16x128xf32>
    %min3A_1581 = arith.minimumf %max3A_1556, %min3A_1579 : vector<16x128xf32>
    %max3A_1582 = arith.maximumf %max3A_1558, %min3A_1581 : vector<16x128xf32>
    %exp3A_1583 = math.exp %slice3A_1573 : vector<16x128xf32>
    %add3A_1584 = arith.addf %add3A_1560, %exp3A_1583 : vector<16x128xf32>
    %slice3A_1585 = vector.extract_strided_slice %get3A_3 {offsets = [0, 17408], sizes = [16, 128], strides = [1, 1]} : vector<16x32768xf32> to vector<16x128xf32>
    %max3A_1586 = arith.maximumf %max3A_1562, %slice3A_1585 : vector<16x128xf32>
    %min3A_1587 = arith.minimumf %max3A_1562, %slice3A_1585 : vector<16x128xf32>
    %max3A_1588 = arith.maximumf %max3A_1564, %min3A_1587 : vector<16x128xf32>
    %min3A_1589 = arith.minimumf %max3A_1564, %min3A_1587 : vector<16x128xf32>
    %max3A_1590 = arith.maximumf %max3A_1566, %min3A_1589 : vector<16x128xf32>
    %min3A_1591 = arith.minimumf %max3A_1566, %min3A_1589 : vector<16x128xf32>
    %max3A_1592 = arith.maximumf %max3A_1568, %min3A_1591 : vector<16x128xf32>
    %min3A_1593 = arith.minimumf %max3A_1568, %min3A_1591 : vector<16x128xf32>
    %max3A_1594 = arith.maximumf %max3A_1570, %min3A_1593 : vector<16x128xf32>
    %exp3A_1595 = math.exp %slice3A_1585 : vector<16x128xf32>
    %add3A_1596 = arith.addf %add3A_1572, %exp3A_1595 : vector<16x128xf32>
    %slice3A_1597 = vector.extract_strided_slice %get3A_3 {offsets = [0, 17536], sizes = [16, 128], strides = [1, 1]} : vector<16x32768xf32> to vector<16x128xf32>
    %max3A_1598 = arith.maximumf %max3A_1574, %slice3A_1597 : vector<16x128xf32>
    %min3A_1599 = arith.minimumf %max3A_1574, %slice3A_1597 : vector<16x128xf32>
    %max3A_1600 = arith.maximumf %max3A_1576, %min3A_1599 : vector<16x128xf32>
    %min3A_1601 = arith.minimumf %max3A_1576, %min3A_1599 : vector<16x128xf32>
    %max3A_1602 = arith.maximumf %max3A_1578, %min3A_1601 : vector<16x128xf32>
    %min3A_1603 = arith.minimumf %max3A_1578, %min3A_1601 : vector<16x128xf32>
    %max3A_1604 = arith.maximumf %max3A_1580, %min3A_1603 : vector<16x128xf32>
    %min3A_1605 = arith.minimumf %max3A_1580, %min3A_1603 : vector<16x128xf32>
    %max3A_1606 = arith.maximumf %max3A_1582, %min3A_1605 : vector<16x128xf32>
    %exp3A_1607 = math.exp %slice3A_1597 : vector<16x128xf32>
    %add3A_1608 = arith.addf %add3A_1584, %exp3A_1607 : vector<16x128xf32>
    %slice3A_1609 = vector.extract_strided_slice %get3A_3 {offsets = [0, 17664], sizes = [16, 128], strides = [1, 1]} : vector<16x32768xf32> to vector<16x128xf32>
    %max3A_1610 = arith.maximumf %max3A_1586, %slice3A_1609 : vector<16x128xf32>
    %min3A_1611 = arith.minimumf %max3A_1586, %slice3A_1609 : vector<16x128xf32>
    %max3A_1612 = arith.maximumf %max3A_1588, %min3A_1611 : vector<16x128xf32>
    %min3A_1613 = arith.minimumf %max3A_1588, %min3A_1611 : vector<16x128xf32>
    %max3A_1614 = arith.maximumf %max3A_1590, %min3A_1613 : vector<16x128xf32>
    %min3A_1615 = arith.minimumf %max3A_1590, %min3A_1613 : vector<16x128xf32>
    %max3A_1616 = arith.maximumf %max3A_1592, %min3A_1615 : vector<16x128xf32>
    %min3A_1617 = arith.minimumf %max3A_1592, %min3A_1615 : vector<16x128xf32>
    %max3A_1618 = arith.maximumf %max3A_1594, %min3A_1617 : vector<16x128xf32>
    %exp3A_1619 = math.exp %slice3A_1609 : vector<16x128xf32>
    %add3A_1620 = arith.addf %add3A_1596, %exp3A_1619 : vector<16x128xf32>
    %slice3A_1621 = vector.extract_strided_slice %get3A_3 {offsets = [0, 17792], sizes = [16, 128], strides = [1, 1]} : vector<16x32768xf32> to vector<16x128xf32>
    %max3A_1622 = arith.maximumf %max3A_1598, %slice3A_1621 : vector<16x128xf32>
    %min3A_1623 = arith.minimumf %max3A_1598, %slice3A_1621 : vector<16x128xf32>
    %max3A_1624 = arith.maximumf %max3A_1600, %min3A_1623 : vector<16x128xf32>
    %min3A_1625 = arith.minimumf %max3A_1600, %min3A_1623 : vector<16x128xf32>
    %max3A_1626 = arith.maximumf %max3A_1602, %min3A_1625 : vector<16x128xf32>
    %min3A_1627 = arith.minimumf %max3A_1602, %min3A_1625 : vector<16x128xf32>
    %max3A_1628 = arith.maximumf %max3A_1604, %min3A_1627 : vector<16x128xf32>
    %min3A_1629 = arith.minimumf %max3A_1604, %min3A_1627 : vector<16x128xf32>
    %max3A_1630 = arith.maximumf %max3A_1606, %min3A_1629 : vector<16x128xf32>
    %exp3A_1631 = math.exp %slice3A_1621 : vector<16x128xf32>
    %add3A_1632 = arith.addf %add3A_1608, %exp3A_1631 : vector<16x128xf32>
    %slice3A_1633 = vector.extract_strided_slice %get3A_3 {offsets = [0, 17920], sizes = [16, 128], strides = [1, 1]} : vector<16x32768xf32> to vector<16x128xf32>
    %max3A_1634 = arith.maximumf %max3A_1610, %slice3A_1633 : vector<16x128xf32>
    %min3A_1635 = arith.minimumf %max3A_1610, %slice3A_1633 : vector<16x128xf32>
    %max3A_1636 = arith.maximumf %max3A_1612, %min3A_1635 : vector<16x128xf32>
    %min3A_1637 = arith.minimumf %max3A_1612, %min3A_1635 : vector<16x128xf32>
    %max3A_1638 = arith.maximumf %max3A_1614, %min3A_1637 : vector<16x128xf32>
    %min3A_1639 = arith.minimumf %max3A_1614, %min3A_1637 : vector<16x128xf32>
    %max3A_1640 = arith.maximumf %max3A_1616, %min3A_1639 : vector<16x128xf32>
    %min3A_1641 = arith.minimumf %max3A_1616, %min3A_1639 : vector<16x128xf32>
    %max3A_1642 = arith.maximumf %max3A_1618, %min3A_1641 : vector<16x128xf32>
    %exp3A_1643 = math.exp %slice3A_1633 : vector<16x128xf32>
    %add3A_1644 = arith.addf %add3A_1620, %exp3A_1643 : vector<16x128xf32>
    %slice3A_1645 = vector.extract_strided_slice %get3A_3 {offsets = [0, 18048], sizes = [16, 128], strides = [1, 1]} : vector<16x32768xf32> to vector<16x128xf32>
    %max3A_1646 = arith.maximumf %max3A_1622, %slice3A_1645 : vector<16x128xf32>
    %min3A_1647 = arith.minimumf %max3A_1622, %slice3A_1645 : vector<16x128xf32>
    %max3A_1648 = arith.maximumf %max3A_1624, %min3A_1647 : vector<16x128xf32>
    %min3A_1649 = arith.minimumf %max3A_1624, %min3A_1647 : vector<16x128xf32>
    %max3A_1650 = arith.maximumf %max3A_1626, %min3A_1649 : vector<16x128xf32>
    %min3A_1651 = arith.minimumf %max3A_1626, %min3A_1649 : vector<16x128xf32>
    %max3A_1652 = arith.maximumf %max3A_1628, %min3A_1651 : vector<16x128xf32>
    %min3A_1653 = arith.minimumf %max3A_1628, %min3A_1651 : vector<16x128xf32>
    %max3A_1654 = arith.maximumf %max3A_1630, %min3A_1653 : vector<16x128xf32>
    %exp3A_1655 = math.exp %slice3A_1645 : vector<16x128xf32>
    %add3A_1656 = arith.addf %add3A_1632, %exp3A_1655 : vector<16x128xf32>
    %slice3A_1657 = vector.extract_strided_slice %get3A_3 {offsets = [0, 18176], sizes = [16, 128], strides = [1, 1]} : vector<16x32768xf32> to vector<16x128xf32>
    %max3A_1658 = arith.maximumf %max3A_1634, %slice3A_1657 : vector<16x128xf32>
    %min3A_1659 = arith.minimumf %max3A_1634, %slice3A_1657 : vector<16x128xf32>
    %max3A_1660 = arith.maximumf %max3A_1636, %min3A_1659 : vector<16x128xf32>
    %min3A_1661 = arith.minimumf %max3A_1636, %min3A_1659 : vector<16x128xf32>
    %max3A_1662 = arith.maximumf %max3A_1638, %min3A_1661 : vector<16x128xf32>
    %min3A_1663 = arith.minimumf %max3A_1638, %min3A_1661 : vector<16x128xf32>
    %max3A_1664 = arith.maximumf %max3A_1640, %min3A_1663 : vector<16x128xf32>
    %min3A_1665 = arith.minimumf %max3A_1640, %min3A_1663 : vector<16x128xf32>
    %max3A_1666 = arith.maximumf %max3A_1642, %min3A_1665 : vector<16x128xf32>
    %exp3A_1667 = math.exp %slice3A_1657 : vector<16x128xf32>
    %add3A_1668 = arith.addf %add3A_1644, %exp3A_1667 : vector<16x128xf32>
    %slice3A_1669 = vector.extract_strided_slice %get3A_3 {offsets = [0, 18304], sizes = [16, 128], strides = [1, 1]} : vector<16x32768xf32> to vector<16x128xf32>
    %max3A_1670 = arith.maximumf %max3A_1646, %slice3A_1669 : vector<16x128xf32>
    %min3A_1671 = arith.minimumf %max3A_1646, %slice3A_1669 : vector<16x128xf32>
    %max3A_1672 = arith.maximumf %max3A_1648, %min3A_1671 : vector<16x128xf32>
    %min3A_1673 = arith.minimumf %max3A_1648, %min3A_1671 : vector<16x128xf32>
    %max3A_1674 = arith.maximumf %max3A_1650, %min3A_1673 : vector<16x128xf32>
    %min3A_1675 = arith.minimumf %max3A_1650, %min3A_1673 : vector<16x128xf32>
    %max3A_1676 = arith.maximumf %max3A_1652, %min3A_1675 : vector<16x128xf32>
    %min3A_1677 = arith.minimumf %max3A_1652, %min3A_1675 : vector<16x128xf32>
    %max3A_1678 = arith.maximumf %max3A_1654, %min3A_1677 : vector<16x128xf32>
    %exp3A_1679 = math.exp %slice3A_1669 : vector<16x128xf32>
    %add3A_1680 = arith.addf %add3A_1656, %exp3A_1679 : vector<16x128xf32>
    %slice3A_1681 = vector.extract_strided_slice %get3A_3 {offsets = [0, 18432], sizes = [16, 128], strides = [1, 1]} : vector<16x32768xf32> to vector<16x128xf32>
    %max3A_1682 = arith.maximumf %max3A_1658, %slice3A_1681 : vector<16x128xf32>
    %min3A_1683 = arith.minimumf %max3A_1658, %slice3A_1681 : vector<16x128xf32>
    %max3A_1684 = arith.maximumf %max3A_1660, %min3A_1683 : vector<16x128xf32>
    %min3A_1685 = arith.minimumf %max3A_1660, %min3A_1683 : vector<16x128xf32>
    %max3A_1686 = arith.maximumf %max3A_1662, %min3A_1685 : vector<16x128xf32>
    %min3A_1687 = arith.minimumf %max3A_1662, %min3A_1685 : vector<16x128xf32>
    %max3A_1688 = arith.maximumf %max3A_1664, %min3A_1687 : vector<16x128xf32>
    %min3A_1689 = arith.minimumf %max3A_1664, %min3A_1687 : vector<16x128xf32>
    %max3A_1690 = arith.maximumf %max3A_1666, %min3A_1689 : vector<16x128xf32>
    %exp3A_1691 = math.exp %slice3A_1681 : vector<16x128xf32>
    %add3A_1692 = arith.addf %add3A_1668, %exp3A_1691 : vector<16x128xf32>
    %slice3A_1693 = vector.extract_strided_slice %get3A_3 {offsets = [0, 18560], sizes = [16, 128], strides = [1, 1]} : vector<16x32768xf32> to vector<16x128xf32>
    %max3A_1694 = arith.maximumf %max3A_1670, %slice3A_1693 : vector<16x128xf32>
    %min3A_1695 = arith.minimumf %max3A_1670, %slice3A_1693 : vector<16x128xf32>
    %max3A_1696 = arith.maximumf %max3A_1672, %min3A_1695 : vector<16x128xf32>
    %min3A_1697 = arith.minimumf %max3A_1672, %min3A_1695 : vector<16x128xf32>
    %max3A_1698 = arith.maximumf %max3A_1674, %min3A_1697 : vector<16x128xf32>
    %min3A_1699 = arith.minimumf %max3A_1674, %min3A_1697 : vector<16x128xf32>
    %max3A_1700 = arith.maximumf %max3A_1676, %min3A_1699 : vector<16x128xf32>
    %min3A_1701 = arith.minimumf %max3A_1676, %min3A_1699 : vector<16x128xf32>
    %max3A_1702 = arith.maximumf %max3A_1678, %min3A_1701 : vector<16x128xf32>
    %exp3A_1703 = math.exp %slice3A_1693 : vector<16x128xf32>
    %add3A_1704 = arith.addf %add3A_1680, %exp3A_1703 : vector<16x128xf32>
    %slice3A_1705 = vector.extract_strided_slice %get3A_3 {offsets = [0, 18688], sizes = [16, 128], strides = [1, 1]} : vector<16x32768xf32> to vector<16x128xf32>
    %max3A_1706 = arith.maximumf %max3A_1682, %slice3A_1705 : vector<16x128xf32>
    %min3A_1707 = arith.minimumf %max3A_1682, %slice3A_1705 : vector<16x128xf32>
    %max3A_1708 = arith.maximumf %max3A_1684, %min3A_1707 : vector<16x128xf32>
    %min3A_1709 = arith.minimumf %max3A_1684, %min3A_1707 : vector<16x128xf32>
    %max3A_1710 = arith.maximumf %max3A_1686, %min3A_1709 : vector<16x128xf32>
    %min3A_1711 = arith.minimumf %max3A_1686, %min3A_1709 : vector<16x128xf32>
    %max3A_1712 = arith.maximumf %max3A_1688, %min3A_1711 : vector<16x128xf32>
    %min3A_1713 = arith.minimumf %max3A_1688, %min3A_1711 : vector<16x128xf32>
    %max3A_1714 = arith.maximumf %max3A_1690, %min3A_1713 : vector<16x128xf32>
    %exp3A_1715 = math.exp %slice3A_1705 : vector<16x128xf32>
    %add3A_1716 = arith.addf %add3A_1692, %exp3A_1715 : vector<16x128xf32>
    %slice3A_1717 = vector.extract_strided_slice %get3A_3 {offsets = [0, 18816], sizes = [16, 128], strides = [1, 1]} : vector<16x32768xf32> to vector<16x128xf32>
    %max3A_1718 = arith.maximumf %max3A_1694, %slice3A_1717 : vector<16x128xf32>
    %min3A_1719 = arith.minimumf %max3A_1694, %slice3A_1717 : vector<16x128xf32>
    %max3A_1720 = arith.maximumf %max3A_1696, %min3A_1719 : vector<16x128xf32>
    %min3A_1721 = arith.minimumf %max3A_1696, %min3A_1719 : vector<16x128xf32>
    %max3A_1722 = arith.maximumf %max3A_1698, %min3A_1721 : vector<16x128xf32>
    %min3A_1723 = arith.minimumf %max3A_1698, %min3A_1721 : vector<16x128xf32>
    %max3A_1724 = arith.maximumf %max3A_1700, %min3A_1723 : vector<16x128xf32>
    %min3A_1725 = arith.minimumf %max3A_1700, %min3A_1723 : vector<16x128xf32>
    %max3A_1726 = arith.maximumf %max3A_1702, %min3A_1725 : vector<16x128xf32>
    %exp3A_1727 = math.exp %slice3A_1717 : vector<16x128xf32>
    %add3A_1728 = arith.addf %add3A_1704, %exp3A_1727 : vector<16x128xf32>
    %slice3A_1729 = vector.extract_strided_slice %get3A_3 {offsets = [0, 18944], sizes = [16, 128], strides = [1, 1]} : vector<16x32768xf32> to vector<16x128xf32>
    %max3A_1730 = arith.maximumf %max3A_1706, %slice3A_1729 : vector<16x128xf32>
    %min3A_1731 = arith.minimumf %max3A_1706, %slice3A_1729 : vector<16x128xf32>
    %max3A_1732 = arith.maximumf %max3A_1708, %min3A_1731 : vector<16x128xf32>
    %min3A_1733 = arith.minimumf %max3A_1708, %min3A_1731 : vector<16x128xf32>
    %max3A_1734 = arith.maximumf %max3A_1710, %min3A_1733 : vector<16x128xf32>
    %min3A_1735 = arith.minimumf %max3A_1710, %min3A_1733 : vector<16x128xf32>
    %max3A_1736 = arith.maximumf %max3A_1712, %min3A_1735 : vector<16x128xf32>
    %min3A_1737 = arith.minimumf %max3A_1712, %min3A_1735 : vector<16x128xf32>
    %max3A_1738 = arith.maximumf %max3A_1714, %min3A_1737 : vector<16x128xf32>
    %exp3A_1739 = math.exp %slice3A_1729 : vector<16x128xf32>
    %add3A_1740 = arith.addf %add3A_1716, %exp3A_1739 : vector<16x128xf32>
    %slice3A_1741 = vector.extract_strided_slice %get3A_3 {offsets = [0, 19072], sizes = [16, 128], strides = [1, 1]} : vector<16x32768xf32> to vector<16x128xf32>
    %max3A_1742 = arith.maximumf %max3A_1718, %slice3A_1741 : vector<16x128xf32>
    %min3A_1743 = arith.minimumf %max3A_1718, %slice3A_1741 : vector<16x128xf32>
    %max3A_1744 = arith.maximumf %max3A_1720, %min3A_1743 : vector<16x128xf32>
    %min3A_1745 = arith.minimumf %max3A_1720, %min3A_1743 : vector<16x128xf32>
    %max3A_1746 = arith.maximumf %max3A_1722, %min3A_1745 : vector<16x128xf32>
    %min3A_1747 = arith.minimumf %max3A_1722, %min3A_1745 : vector<16x128xf32>
    %max3A_1748 = arith.maximumf %max3A_1724, %min3A_1747 : vector<16x128xf32>
    %min3A_1749 = arith.minimumf %max3A_1724, %min3A_1747 : vector<16x128xf32>
    %max3A_1750 = arith.maximumf %max3A_1726, %min3A_1749 : vector<16x128xf32>
    %exp3A_1751 = math.exp %slice3A_1741 : vector<16x128xf32>
    %add3A_1752 = arith.addf %add3A_1728, %exp3A_1751 : vector<16x128xf32>
    %slice3A_1753 = vector.extract_strided_slice %get3A_3 {offsets = [0, 19200], sizes = [16, 128], strides = [1, 1]} : vector<16x32768xf32> to vector<16x128xf32>
    %max3A_1754 = arith.maximumf %max3A_1730, %slice3A_1753 : vector<16x128xf32>
    %min3A_1755 = arith.minimumf %max3A_1730, %slice3A_1753 : vector<16x128xf32>
    %max3A_1756 = arith.maximumf %max3A_1732, %min3A_1755 : vector<16x128xf32>
    %min3A_1757 = arith.minimumf %max3A_1732, %min3A_1755 : vector<16x128xf32>
    %max3A_1758 = arith.maximumf %max3A_1734, %min3A_1757 : vector<16x128xf32>
    %min3A_1759 = arith.minimumf %max3A_1734, %min3A_1757 : vector<16x128xf32>
    %max3A_1760 = arith.maximumf %max3A_1736, %min3A_1759 : vector<16x128xf32>
    %min3A_1761 = arith.minimumf %max3A_1736, %min3A_1759 : vector<16x128xf32>
    %max3A_1762 = arith.maximumf %max3A_1738, %min3A_1761 : vector<16x128xf32>
    %exp3A_1763 = math.exp %slice3A_1753 : vector<16x128xf32>
    %add3A_1764 = arith.addf %add3A_1740, %exp3A_1763 : vector<16x128xf32>
    %slice3A_1765 = vector.extract_strided_slice %get3A_3 {offsets = [0, 19328], sizes = [16, 128], strides = [1, 1]} : vector<16x32768xf32> to vector<16x128xf32>
    %max3A_1766 = arith.maximumf %max3A_1742, %slice3A_1765 : vector<16x128xf32>
    %min3A_1767 = arith.minimumf %max3A_1742, %slice3A_1765 : vector<16x128xf32>
    %max3A_1768 = arith.maximumf %max3A_1744, %min3A_1767 : vector<16x128xf32>
    %min3A_1769 = arith.minimumf %max3A_1744, %min3A_1767 : vector<16x128xf32>
    %max3A_1770 = arith.maximumf %max3A_1746, %min3A_1769 : vector<16x128xf32>
    %min3A_1771 = arith.minimumf %max3A_1746, %min3A_1769 : vector<16x128xf32>
    %max3A_1772 = arith.maximumf %max3A_1748, %min3A_1771 : vector<16x128xf32>
    %min3A_1773 = arith.minimumf %max3A_1748, %min3A_1771 : vector<16x128xf32>
    %max3A_1774 = arith.maximumf %max3A_1750, %min3A_1773 : vector<16x128xf32>
    %exp3A_1775 = math.exp %slice3A_1765 : vector<16x128xf32>
    %add3A_1776 = arith.addf %add3A_1752, %exp3A_1775 : vector<16x128xf32>
    %slice3A_1777 = vector.extract_strided_slice %get3A_3 {offsets = [0, 19456], sizes = [16, 128], strides = [1, 1]} : vector<16x32768xf32> to vector<16x128xf32>
    %max3A_1778 = arith.maximumf %max3A_1754, %slice3A_1777 : vector<16x128xf32>
    %min3A_1779 = arith.minimumf %max3A_1754, %slice3A_1777 : vector<16x128xf32>
    %max3A_1780 = arith.maximumf %max3A_1756, %min3A_1779 : vector<16x128xf32>
    %min3A_1781 = arith.minimumf %max3A_1756, %min3A_1779 : vector<16x128xf32>
    %max3A_1782 = arith.maximumf %max3A_1758, %min3A_1781 : vector<16x128xf32>
    %min3A_1783 = arith.minimumf %max3A_1758, %min3A_1781 : vector<16x128xf32>
    %max3A_1784 = arith.maximumf %max3A_1760, %min3A_1783 : vector<16x128xf32>
    %min3A_1785 = arith.minimumf %max3A_1760, %min3A_1783 : vector<16x128xf32>
    %max3A_1786 = arith.maximumf %max3A_1762, %min3A_1785 : vector<16x128xf32>
    %exp3A_1787 = math.exp %slice3A_1777 : vector<16x128xf32>
    %add3A_1788 = arith.addf %add3A_1764, %exp3A_1787 : vector<16x128xf32>
    %slice3A_1789 = vector.extract_strided_slice %get3A_3 {offsets = [0, 19584], sizes = [16, 128], strides = [1, 1]} : vector<16x32768xf32> to vector<16x128xf32>
    %max3A_1790 = arith.maximumf %max3A_1766, %slice3A_1789 : vector<16x128xf32>
    %min3A_1791 = arith.minimumf %max3A_1766, %slice3A_1789 : vector<16x128xf32>
    %max3A_1792 = arith.maximumf %max3A_1768, %min3A_1791 : vector<16x128xf32>
    %min3A_1793 = arith.minimumf %max3A_1768, %min3A_1791 : vector<16x128xf32>
    %max3A_1794 = arith.maximumf %max3A_1770, %min3A_1793 : vector<16x128xf32>
    %min3A_1795 = arith.minimumf %max3A_1770, %min3A_1793 : vector<16x128xf32>
    %max3A_1796 = arith.maximumf %max3A_1772, %min3A_1795 : vector<16x128xf32>
    %min3A_1797 = arith.minimumf %max3A_1772, %min3A_1795 : vector<16x128xf32>
    %max3A_1798 = arith.maximumf %max3A_1774, %min3A_1797 : vector<16x128xf32>
    %exp3A_1799 = math.exp %slice3A_1789 : vector<16x128xf32>
    %add3A_1800 = arith.addf %add3A_1776, %exp3A_1799 : vector<16x128xf32>
    %slice3A_1801 = vector.extract_strided_slice %get3A_3 {offsets = [0, 19712], sizes = [16, 128], strides = [1, 1]} : vector<16x32768xf32> to vector<16x128xf32>
    %max3A_1802 = arith.maximumf %max3A_1778, %slice3A_1801 : vector<16x128xf32>
    %min3A_1803 = arith.minimumf %max3A_1778, %slice3A_1801 : vector<16x128xf32>
    %max3A_1804 = arith.maximumf %max3A_1780, %min3A_1803 : vector<16x128xf32>
    %min3A_1805 = arith.minimumf %max3A_1780, %min3A_1803 : vector<16x128xf32>
    %max3A_1806 = arith.maximumf %max3A_1782, %min3A_1805 : vector<16x128xf32>
    %min3A_1807 = arith.minimumf %max3A_1782, %min3A_1805 : vector<16x128xf32>
    %max3A_1808 = arith.maximumf %max3A_1784, %min3A_1807 : vector<16x128xf32>
    %min3A_1809 = arith.minimumf %max3A_1784, %min3A_1807 : vector<16x128xf32>
    %max3A_1810 = arith.maximumf %max3A_1786, %min3A_1809 : vector<16x128xf32>
    %exp3A_1811 = math.exp %slice3A_1801 : vector<16x128xf32>
    %add3A_1812 = arith.addf %add3A_1788, %exp3A_1811 : vector<16x128xf32>
    %slice3A_1813 = vector.extract_strided_slice %get3A_3 {offsets = [0, 19840], sizes = [16, 128], strides = [1, 1]} : vector<16x32768xf32> to vector<16x128xf32>
    %max3A_1814 = arith.maximumf %max3A_1790, %slice3A_1813 : vector<16x128xf32>
    %min3A_1815 = arith.minimumf %max3A_1790, %slice3A_1813 : vector<16x128xf32>
    %max3A_1816 = arith.maximumf %max3A_1792, %min3A_1815 : vector<16x128xf32>
    %min3A_1817 = arith.minimumf %max3A_1792, %min3A_1815 : vector<16x128xf32>
    %max3A_1818 = arith.maximumf %max3A_1794, %min3A_1817 : vector<16x128xf32>
    %min3A_1819 = arith.minimumf %max3A_1794, %min3A_1817 : vector<16x128xf32>
    %max3A_1820 = arith.maximumf %max3A_1796, %min3A_1819 : vector<16x128xf32>
    %min3A_1821 = arith.minimumf %max3A_1796, %min3A_1819 : vector<16x128xf32>
    %max3A_1822 = arith.maximumf %max3A_1798, %min3A_1821 : vector<16x128xf32>
    %exp3A_1823 = math.exp %slice3A_1813 : vector<16x128xf32>
    %add3A_1824 = arith.addf %add3A_1800, %exp3A_1823 : vector<16x128xf32>
    %slice3A_1825 = vector.extract_strided_slice %get3A_3 {offsets = [0, 19968], sizes = [16, 128], strides = [1, 1]} : vector<16x32768xf32> to vector<16x128xf32>
    %max3A_1826 = arith.maximumf %max3A_1802, %slice3A_1825 : vector<16x128xf32>
    %min3A_1827 = arith.minimumf %max3A_1802, %slice3A_1825 : vector<16x128xf32>
    %max3A_1828 = arith.maximumf %max3A_1804, %min3A_1827 : vector<16x128xf32>
    %min3A_1829 = arith.minimumf %max3A_1804, %min3A_1827 : vector<16x128xf32>
    %max3A_1830 = arith.maximumf %max3A_1806, %min3A_1829 : vector<16x128xf32>
    %min3A_1831 = arith.minimumf %max3A_1806, %min3A_1829 : vector<16x128xf32>
    %max3A_1832 = arith.maximumf %max3A_1808, %min3A_1831 : vector<16x128xf32>
    %min3A_1833 = arith.minimumf %max3A_1808, %min3A_1831 : vector<16x128xf32>
    %max3A_1834 = arith.maximumf %max3A_1810, %min3A_1833 : vector<16x128xf32>
    %exp3A_1835 = math.exp %slice3A_1825 : vector<16x128xf32>
    %add3A_1836 = arith.addf %add3A_1812, %exp3A_1835 : vector<16x128xf32>
    %slice3A_1837 = vector.extract_strided_slice %get3A_3 {offsets = [0, 20096], sizes = [16, 128], strides = [1, 1]} : vector<16x32768xf32> to vector<16x128xf32>
    %max3A_1838 = arith.maximumf %max3A_1814, %slice3A_1837 : vector<16x128xf32>
    %min3A_1839 = arith.minimumf %max3A_1814, %slice3A_1837 : vector<16x128xf32>
    %max3A_1840 = arith.maximumf %max3A_1816, %min3A_1839 : vector<16x128xf32>
    %min3A_1841 = arith.minimumf %max3A_1816, %min3A_1839 : vector<16x128xf32>
    %max3A_1842 = arith.maximumf %max3A_1818, %min3A_1841 : vector<16x128xf32>
    %min3A_1843 = arith.minimumf %max3A_1818, %min3A_1841 : vector<16x128xf32>
    %max3A_1844 = arith.maximumf %max3A_1820, %min3A_1843 : vector<16x128xf32>
    %min3A_1845 = arith.minimumf %max3A_1820, %min3A_1843 : vector<16x128xf32>
    %max3A_1846 = arith.maximumf %max3A_1822, %min3A_1845 : vector<16x128xf32>
    %exp3A_1847 = math.exp %slice3A_1837 : vector<16x128xf32>
    %add3A_1848 = arith.addf %add3A_1824, %exp3A_1847 : vector<16x128xf32>
    %slice3A_1849 = vector.extract_strided_slice %get3A_3 {offsets = [0, 20224], sizes = [16, 128], strides = [1, 1]} : vector<16x32768xf32> to vector<16x128xf32>
    %max3A_1850 = arith.maximumf %max3A_1826, %slice3A_1849 : vector<16x128xf32>
    %min3A_1851 = arith.minimumf %max3A_1826, %slice3A_1849 : vector<16x128xf32>
    %max3A_1852 = arith.maximumf %max3A_1828, %min3A_1851 : vector<16x128xf32>
    %min3A_1853 = arith.minimumf %max3A_1828, %min3A_1851 : vector<16x128xf32>
    %max3A_1854 = arith.maximumf %max3A_1830, %min3A_1853 : vector<16x128xf32>
    %min3A_1855 = arith.minimumf %max3A_1830, %min3A_1853 : vector<16x128xf32>
    %max3A_1856 = arith.maximumf %max3A_1832, %min3A_1855 : vector<16x128xf32>
    %min3A_1857 = arith.minimumf %max3A_1832, %min3A_1855 : vector<16x128xf32>
    %max3A_1858 = arith.maximumf %max3A_1834, %min3A_1857 : vector<16x128xf32>
    %exp3A_1859 = math.exp %slice3A_1849 : vector<16x128xf32>
    %add3A_1860 = arith.addf %add3A_1836, %exp3A_1859 : vector<16x128xf32>
    %slice3A_1861 = vector.extract_strided_slice %get3A_3 {offsets = [0, 20352], sizes = [16, 128], strides = [1, 1]} : vector<16x32768xf32> to vector<16x128xf32>
    %max3A_1862 = arith.maximumf %max3A_1838, %slice3A_1861 : vector<16x128xf32>
    %min3A_1863 = arith.minimumf %max3A_1838, %slice3A_1861 : vector<16x128xf32>
    %max3A_1864 = arith.maximumf %max3A_1840, %min3A_1863 : vector<16x128xf32>
    %min3A_1865 = arith.minimumf %max3A_1840, %min3A_1863 : vector<16x128xf32>
    %max3A_1866 = arith.maximumf %max3A_1842, %min3A_1865 : vector<16x128xf32>
    %min3A_1867 = arith.minimumf %max3A_1842, %min3A_1865 : vector<16x128xf32>
    %max3A_1868 = arith.maximumf %max3A_1844, %min3A_1867 : vector<16x128xf32>
    %min3A_1869 = arith.minimumf %max3A_1844, %min3A_1867 : vector<16x128xf32>
    %max3A_1870 = arith.maximumf %max3A_1846, %min3A_1869 : vector<16x128xf32>
    %exp3A_1871 = math.exp %slice3A_1861 : vector<16x128xf32>
    %add3A_1872 = arith.addf %add3A_1848, %exp3A_1871 : vector<16x128xf32>
    %slice3A_1873 = vector.extract_strided_slice %get3A_3 {offsets = [0, 20480], sizes = [16, 128], strides = [1, 1]} : vector<16x32768xf32> to vector<16x128xf32>
    %max3A_1874 = arith.maximumf %max3A_1850, %slice3A_1873 : vector<16x128xf32>
    %min3A_1875 = arith.minimumf %max3A_1850, %slice3A_1873 : vector<16x128xf32>
    %max3A_1876 = arith.maximumf %max3A_1852, %min3A_1875 : vector<16x128xf32>
    %min3A_1877 = arith.minimumf %max3A_1852, %min3A_1875 : vector<16x128xf32>
    %max3A_1878 = arith.maximumf %max3A_1854, %min3A_1877 : vector<16x128xf32>
    %min3A_1879 = arith.minimumf %max3A_1854, %min3A_1877 : vector<16x128xf32>
    %max3A_1880 = arith.maximumf %max3A_1856, %min3A_1879 : vector<16x128xf32>
    %min3A_1881 = arith.minimumf %max3A_1856, %min3A_1879 : vector<16x128xf32>
    %max3A_1882 = arith.maximumf %max3A_1858, %min3A_1881 : vector<16x128xf32>
    %exp3A_1883 = math.exp %slice3A_1873 : vector<16x128xf32>
    %add3A_1884 = arith.addf %add3A_1860, %exp3A_1883 : vector<16x128xf32>
    %slice3A_1885 = vector.extract_strided_slice %get3A_3 {offsets = [0, 20608], sizes = [16, 128], strides = [1, 1]} : vector<16x32768xf32> to vector<16x128xf32>
    %max3A_1886 = arith.maximumf %max3A_1862, %slice3A_1885 : vector<16x128xf32>
    %min3A_1887 = arith.minimumf %max3A_1862, %slice3A_1885 : vector<16x128xf32>
    %max3A_1888 = arith.maximumf %max3A_1864, %min3A_1887 : vector<16x128xf32>
    %min3A_1889 = arith.minimumf %max3A_1864, %min3A_1887 : vector<16x128xf32>
    %max3A_1890 = arith.maximumf %max3A_1866, %min3A_1889 : vector<16x128xf32>
    %min3A_1891 = arith.minimumf %max3A_1866, %min3A_1889 : vector<16x128xf32>
    %max3A_1892 = arith.maximumf %max3A_1868, %min3A_1891 : vector<16x128xf32>
    %min3A_1893 = arith.minimumf %max3A_1868, %min3A_1891 : vector<16x128xf32>
    %max3A_1894 = arith.maximumf %max3A_1870, %min3A_1893 : vector<16x128xf32>
    %exp3A_1895 = math.exp %slice3A_1885 : vector<16x128xf32>
    %add3A_1896 = arith.addf %add3A_1872, %exp3A_1895 : vector<16x128xf32>
    %slice3A_1897 = vector.extract_strided_slice %get3A_3 {offsets = [0, 20736], sizes = [16, 128], strides = [1, 1]} : vector<16x32768xf32> to vector<16x128xf32>
    %max3A_1898 = arith.maximumf %max3A_1874, %slice3A_1897 : vector<16x128xf32>
    %min3A_1899 = arith.minimumf %max3A_1874, %slice3A_1897 : vector<16x128xf32>
    %max3A_1900 = arith.maximumf %max3A_1876, %min3A_1899 : vector<16x128xf32>
    %min3A_1901 = arith.minimumf %max3A_1876, %min3A_1899 : vector<16x128xf32>
    %max3A_1902 = arith.maximumf %max3A_1878, %min3A_1901 : vector<16x128xf32>
    %min3A_1903 = arith.minimumf %max3A_1878, %min3A_1901 : vector<16x128xf32>
    %max3A_1904 = arith.maximumf %max3A_1880, %min3A_1903 : vector<16x128xf32>
    %min3A_1905 = arith.minimumf %max3A_1880, %min3A_1903 : vector<16x128xf32>
    %max3A_1906 = arith.maximumf %max3A_1882, %min3A_1905 : vector<16x128xf32>
    %exp3A_1907 = math.exp %slice3A_1897 : vector<16x128xf32>
    %add3A_1908 = arith.addf %add3A_1884, %exp3A_1907 : vector<16x128xf32>
    %slice3A_1909 = vector.extract_strided_slice %get3A_3 {offsets = [0, 20864], sizes = [16, 128], strides = [1, 1]} : vector<16x32768xf32> to vector<16x128xf32>
    %max3A_1910 = arith.maximumf %max3A_1886, %slice3A_1909 : vector<16x128xf32>
    %min3A_1911 = arith.minimumf %max3A_1886, %slice3A_1909 : vector<16x128xf32>
    %max3A_1912 = arith.maximumf %max3A_1888, %min3A_1911 : vector<16x128xf32>
    %min3A_1913 = arith.minimumf %max3A_1888, %min3A_1911 : vector<16x128xf32>
    %max3A_1914 = arith.maximumf %max3A_1890, %min3A_1913 : vector<16x128xf32>
    %min3A_1915 = arith.minimumf %max3A_1890, %min3A_1913 : vector<16x128xf32>
    %max3A_1916 = arith.maximumf %max3A_1892, %min3A_1915 : vector<16x128xf32>
    %min3A_1917 = arith.minimumf %max3A_1892, %min3A_1915 : vector<16x128xf32>
    %max3A_1918 = arith.maximumf %max3A_1894, %min3A_1917 : vector<16x128xf32>
    %exp3A_1919 = math.exp %slice3A_1909 : vector<16x128xf32>
    %add3A_1920 = arith.addf %add3A_1896, %exp3A_1919 : vector<16x128xf32>
    %slice3A_1921 = vector.extract_strided_slice %get3A_3 {offsets = [0, 20992], sizes = [16, 128], strides = [1, 1]} : vector<16x32768xf32> to vector<16x128xf32>
    %max3A_1922 = arith.maximumf %max3A_1898, %slice3A_1921 : vector<16x128xf32>
    %min3A_1923 = arith.minimumf %max3A_1898, %slice3A_1921 : vector<16x128xf32>
    %max3A_1924 = arith.maximumf %max3A_1900, %min3A_1923 : vector<16x128xf32>
    %min3A_1925 = arith.minimumf %max3A_1900, %min3A_1923 : vector<16x128xf32>
    %max3A_1926 = arith.maximumf %max3A_1902, %min3A_1925 : vector<16x128xf32>
    %min3A_1927 = arith.minimumf %max3A_1902, %min3A_1925 : vector<16x128xf32>
    %max3A_1928 = arith.maximumf %max3A_1904, %min3A_1927 : vector<16x128xf32>
    %min3A_1929 = arith.minimumf %max3A_1904, %min3A_1927 : vector<16x128xf32>
    %max3A_1930 = arith.maximumf %max3A_1906, %min3A_1929 : vector<16x128xf32>
    %exp3A_1931 = math.exp %slice3A_1921 : vector<16x128xf32>
    %add3A_1932 = arith.addf %add3A_1908, %exp3A_1931 : vector<16x128xf32>
    %slice3A_1933 = vector.extract_strided_slice %get3A_3 {offsets = [0, 21120], sizes = [16, 128], strides = [1, 1]} : vector<16x32768xf32> to vector<16x128xf32>
    %max3A_1934 = arith.maximumf %max3A_1910, %slice3A_1933 : vector<16x128xf32>
    %min3A_1935 = arith.minimumf %max3A_1910, %slice3A_1933 : vector<16x128xf32>
    %max3A_1936 = arith.maximumf %max3A_1912, %min3A_1935 : vector<16x128xf32>
    %min3A_1937 = arith.minimumf %max3A_1912, %min3A_1935 : vector<16x128xf32>
    %max3A_1938 = arith.maximumf %max3A_1914, %min3A_1937 : vector<16x128xf32>
    %min3A_1939 = arith.minimumf %max3A_1914, %min3A_1937 : vector<16x128xf32>
    %max3A_1940 = arith.maximumf %max3A_1916, %min3A_1939 : vector<16x128xf32>
    %min3A_1941 = arith.minimumf %max3A_1916, %min3A_1939 : vector<16x128xf32>
    %max3A_1942 = arith.maximumf %max3A_1918, %min3A_1941 : vector<16x128xf32>
    %exp3A_1943 = math.exp %slice3A_1933 : vector<16x128xf32>
    %add3A_1944 = arith.addf %add3A_1920, %exp3A_1943 : vector<16x128xf32>
    %slice3A_1945 = vector.extract_strided_slice %get3A_3 {offsets = [0, 21248], sizes = [16, 128], strides = [1, 1]} : vector<16x32768xf32> to vector<16x128xf32>
    %max3A_1946 = arith.maximumf %max3A_1922, %slice3A_1945 : vector<16x128xf32>
    %min3A_1947 = arith.minimumf %max3A_1922, %slice3A_1945 : vector<16x128xf32>
    %max3A_1948 = arith.maximumf %max3A_1924, %min3A_1947 : vector<16x128xf32>
    %min3A_1949 = arith.minimumf %max3A_1924, %min3A_1947 : vector<16x128xf32>
    %max3A_1950 = arith.maximumf %max3A_1926, %min3A_1949 : vector<16x128xf32>
    %min3A_1951 = arith.minimumf %max3A_1926, %min3A_1949 : vector<16x128xf32>
    %max3A_1952 = arith.maximumf %max3A_1928, %min3A_1951 : vector<16x128xf32>
    %min3A_1953 = arith.minimumf %max3A_1928, %min3A_1951 : vector<16x128xf32>
    %max3A_1954 = arith.maximumf %max3A_1930, %min3A_1953 : vector<16x128xf32>
    %exp3A_1955 = math.exp %slice3A_1945 : vector<16x128xf32>
    %add3A_1956 = arith.addf %add3A_1932, %exp3A_1955 : vector<16x128xf32>
    %slice3A_1957 = vector.extract_strided_slice %get3A_3 {offsets = [0, 21376], sizes = [16, 128], strides = [1, 1]} : vector<16x32768xf32> to vector<16x128xf32>
    %max3A_1958 = arith.maximumf %max3A_1934, %slice3A_1957 : vector<16x128xf32>
    %min3A_1959 = arith.minimumf %max3A_1934, %slice3A_1957 : vector<16x128xf32>
    %max3A_1960 = arith.maximumf %max3A_1936, %min3A_1959 : vector<16x128xf32>
    %min3A_1961 = arith.minimumf %max3A_1936, %min3A_1959 : vector<16x128xf32>
    %max3A_1962 = arith.maximumf %max3A_1938, %min3A_1961 : vector<16x128xf32>
    %min3A_1963 = arith.minimumf %max3A_1938, %min3A_1961 : vector<16x128xf32>
    %max3A_1964 = arith.maximumf %max3A_1940, %min3A_1963 : vector<16x128xf32>
    %min3A_1965 = arith.minimumf %max3A_1940, %min3A_1963 : vector<16x128xf32>
    %max3A_1966 = arith.maximumf %max3A_1942, %min3A_1965 : vector<16x128xf32>
    %exp3A_1967 = math.exp %slice3A_1957 : vector<16x128xf32>
    %add3A_1968 = arith.addf %add3A_1944, %exp3A_1967 : vector<16x128xf32>
    %slice3A_1969 = vector.extract_strided_slice %get3A_3 {offsets = [0, 21504], sizes = [16, 128], strides = [1, 1]} : vector<16x32768xf32> to vector<16x128xf32>
    %max3A_1970 = arith.maximumf %max3A_1946, %slice3A_1969 : vector<16x128xf32>
    %min3A_1971 = arith.minimumf %max3A_1946, %slice3A_1969 : vector<16x128xf32>
    %max3A_1972 = arith.maximumf %max3A_1948, %min3A_1971 : vector<16x128xf32>
    %min3A_1973 = arith.minimumf %max3A_1948, %min3A_1971 : vector<16x128xf32>
    %max3A_1974 = arith.maximumf %max3A_1950, %min3A_1973 : vector<16x128xf32>
    %min3A_1975 = arith.minimumf %max3A_1950, %min3A_1973 : vector<16x128xf32>
    %max3A_1976 = arith.maximumf %max3A_1952, %min3A_1975 : vector<16x128xf32>
    %min3A_1977 = arith.minimumf %max3A_1952, %min3A_1975 : vector<16x128xf32>
    %max3A_1978 = arith.maximumf %max3A_1954, %min3A_1977 : vector<16x128xf32>
    %exp3A_1979 = math.exp %slice3A_1969 : vector<16x128xf32>
    %add3A_1980 = arith.addf %add3A_1956, %exp3A_1979 : vector<16x128xf32>
    %slice3A_1981 = vector.extract_strided_slice %get3A_3 {offsets = [0, 21632], sizes = [16, 128], strides = [1, 1]} : vector<16x32768xf32> to vector<16x128xf32>
    %max3A_1982 = arith.maximumf %max3A_1958, %slice3A_1981 : vector<16x128xf32>
    %min3A_1983 = arith.minimumf %max3A_1958, %slice3A_1981 : vector<16x128xf32>
    %max3A_1984 = arith.maximumf %max3A_1960, %min3A_1983 : vector<16x128xf32>
    %min3A_1985 = arith.minimumf %max3A_1960, %min3A_1983 : vector<16x128xf32>
    %max3A_1986 = arith.maximumf %max3A_1962, %min3A_1985 : vector<16x128xf32>
    %min3A_1987 = arith.minimumf %max3A_1962, %min3A_1985 : vector<16x128xf32>
    %max3A_1988 = arith.maximumf %max3A_1964, %min3A_1987 : vector<16x128xf32>
    %min3A_1989 = arith.minimumf %max3A_1964, %min3A_1987 : vector<16x128xf32>
    %max3A_1990 = arith.maximumf %max3A_1966, %min3A_1989 : vector<16x128xf32>
    %exp3A_1991 = math.exp %slice3A_1981 : vector<16x128xf32>
    %add3A_1992 = arith.addf %add3A_1968, %exp3A_1991 : vector<16x128xf32>
    %slice3A_1993 = vector.extract_strided_slice %get3A_3 {offsets = [0, 21760], sizes = [16, 128], strides = [1, 1]} : vector<16x32768xf32> to vector<16x128xf32>
    %max3A_1994 = arith.maximumf %max3A_1970, %slice3A_1993 : vector<16x128xf32>
    %min3A_1995 = arith.minimumf %max3A_1970, %slice3A_1993 : vector<16x128xf32>
    %max3A_1996 = arith.maximumf %max3A_1972, %min3A_1995 : vector<16x128xf32>
    %min3A_1997 = arith.minimumf %max3A_1972, %min3A_1995 : vector<16x128xf32>
    %max3A_1998 = arith.maximumf %max3A_1974, %min3A_1997 : vector<16x128xf32>
    %min3A_1999 = arith.minimumf %max3A_1974, %min3A_1997 : vector<16x128xf32>
    %max3A_2000 = arith.maximumf %max3A_1976, %min3A_1999 : vector<16x128xf32>
    %min3A_2001 = arith.minimumf %max3A_1976, %min3A_1999 : vector<16x128xf32>
    %max3A_2002 = arith.maximumf %max3A_1978, %min3A_2001 : vector<16x128xf32>
    %exp3A_2003 = math.exp %slice3A_1993 : vector<16x128xf32>
    %add3A_2004 = arith.addf %add3A_1980, %exp3A_2003 : vector<16x128xf32>
    %slice3A_2005 = vector.extract_strided_slice %get3A_3 {offsets = [0, 21888], sizes = [16, 128], strides = [1, 1]} : vector<16x32768xf32> to vector<16x128xf32>
    %max3A_2006 = arith.maximumf %max3A_1982, %slice3A_2005 : vector<16x128xf32>
    %min3A_2007 = arith.minimumf %max3A_1982, %slice3A_2005 : vector<16x128xf32>
    %max3A_2008 = arith.maximumf %max3A_1984, %min3A_2007 : vector<16x128xf32>
    %min3A_2009 = arith.minimumf %max3A_1984, %min3A_2007 : vector<16x128xf32>
    %max3A_2010 = arith.maximumf %max3A_1986, %min3A_2009 : vector<16x128xf32>
    %min3A_2011 = arith.minimumf %max3A_1986, %min3A_2009 : vector<16x128xf32>
    %max3A_2012 = arith.maximumf %max3A_1988, %min3A_2011 : vector<16x128xf32>
    %min3A_2013 = arith.minimumf %max3A_1988, %min3A_2011 : vector<16x128xf32>
    %max3A_2014 = arith.maximumf %max3A_1990, %min3A_2013 : vector<16x128xf32>
    %exp3A_2015 = math.exp %slice3A_2005 : vector<16x128xf32>
    %add3A_2016 = arith.addf %add3A_1992, %exp3A_2015 : vector<16x128xf32>
    %slice3A_2017 = vector.extract_strided_slice %get3A_3 {offsets = [0, 22016], sizes = [16, 128], strides = [1, 1]} : vector<16x32768xf32> to vector<16x128xf32>
    %max3A_2018 = arith.maximumf %max3A_1994, %slice3A_2017 : vector<16x128xf32>
    %min3A_2019 = arith.minimumf %max3A_1994, %slice3A_2017 : vector<16x128xf32>
    %max3A_2020 = arith.maximumf %max3A_1996, %min3A_2019 : vector<16x128xf32>
    %min3A_2021 = arith.minimumf %max3A_1996, %min3A_2019 : vector<16x128xf32>
    %max3A_2022 = arith.maximumf %max3A_1998, %min3A_2021 : vector<16x128xf32>
    %min3A_2023 = arith.minimumf %max3A_1998, %min3A_2021 : vector<16x128xf32>
    %max3A_2024 = arith.maximumf %max3A_2000, %min3A_2023 : vector<16x128xf32>
    %min3A_2025 = arith.minimumf %max3A_2000, %min3A_2023 : vector<16x128xf32>
    %max3A_2026 = arith.maximumf %max3A_2002, %min3A_2025 : vector<16x128xf32>
    %exp3A_2027 = math.exp %slice3A_2017 : vector<16x128xf32>
    %add3A_2028 = arith.addf %add3A_2004, %exp3A_2027 : vector<16x128xf32>
    %slice3A_2029 = vector.extract_strided_slice %get3A_3 {offsets = [0, 22144], sizes = [16, 128], strides = [1, 1]} : vector<16x32768xf32> to vector<16x128xf32>
    %max3A_2030 = arith.maximumf %max3A_2006, %slice3A_2029 : vector<16x128xf32>
    %min3A_2031 = arith.minimumf %max3A_2006, %slice3A_2029 : vector<16x128xf32>
    %max3A_2032 = arith.maximumf %max3A_2008, %min3A_2031 : vector<16x128xf32>
    %min3A_2033 = arith.minimumf %max3A_2008, %min3A_2031 : vector<16x128xf32>
    %max3A_2034 = arith.maximumf %max3A_2010, %min3A_2033 : vector<16x128xf32>
    %min3A_2035 = arith.minimumf %max3A_2010, %min3A_2033 : vector<16x128xf32>
    %max3A_2036 = arith.maximumf %max3A_2012, %min3A_2035 : vector<16x128xf32>
    %min3A_2037 = arith.minimumf %max3A_2012, %min3A_2035 : vector<16x128xf32>
    %max3A_2038 = arith.maximumf %max3A_2014, %min3A_2037 : vector<16x128xf32>
    %exp3A_2039 = math.exp %slice3A_2029 : vector<16x128xf32>
    %add3A_2040 = arith.addf %add3A_2016, %exp3A_2039 : vector<16x128xf32>
    %slice3A_2041 = vector.extract_strided_slice %get3A_3 {offsets = [0, 22272], sizes = [16, 128], strides = [1, 1]} : vector<16x32768xf32> to vector<16x128xf32>
    %max3A_2042 = arith.maximumf %max3A_2018, %slice3A_2041 : vector<16x128xf32>
    %min3A_2043 = arith.minimumf %max3A_2018, %slice3A_2041 : vector<16x128xf32>
    %max3A_2044 = arith.maximumf %max3A_2020, %min3A_2043 : vector<16x128xf32>
    %min3A_2045 = arith.minimumf %max3A_2020, %min3A_2043 : vector<16x128xf32>
    %max3A_2046 = arith.maximumf %max3A_2022, %min3A_2045 : vector<16x128xf32>
    %min3A_2047 = arith.minimumf %max3A_2022, %min3A_2045 : vector<16x128xf32>
    %max3A_2048 = arith.maximumf %max3A_2024, %min3A_2047 : vector<16x128xf32>
    %min3A_2049 = arith.minimumf %max3A_2024, %min3A_2047 : vector<16x128xf32>
    %max3A_2050 = arith.maximumf %max3A_2026, %min3A_2049 : vector<16x128xf32>
    %exp3A_2051 = math.exp %slice3A_2041 : vector<16x128xf32>
    %add3A_2052 = arith.addf %add3A_2028, %exp3A_2051 : vector<16x128xf32>
    %slice3A_2053 = vector.extract_strided_slice %get3A_3 {offsets = [0, 22400], sizes = [16, 128], strides = [1, 1]} : vector<16x32768xf32> to vector<16x128xf32>
    %max3A_2054 = arith.maximumf %max3A_2030, %slice3A_2053 : vector<16x128xf32>
    %min3A_2055 = arith.minimumf %max3A_2030, %slice3A_2053 : vector<16x128xf32>
    %max3A_2056 = arith.maximumf %max3A_2032, %min3A_2055 : vector<16x128xf32>
    %min3A_2057 = arith.minimumf %max3A_2032, %min3A_2055 : vector<16x128xf32>
    %max3A_2058 = arith.maximumf %max3A_2034, %min3A_2057 : vector<16x128xf32>
    %min3A_2059 = arith.minimumf %max3A_2034, %min3A_2057 : vector<16x128xf32>
    %max3A_2060 = arith.maximumf %max3A_2036, %min3A_2059 : vector<16x128xf32>
    %min3A_2061 = arith.minimumf %max3A_2036, %min3A_2059 : vector<16x128xf32>
    %max3A_2062 = arith.maximumf %max3A_2038, %min3A_2061 : vector<16x128xf32>
    %exp3A_2063 = math.exp %slice3A_2053 : vector<16x128xf32>
    %add3A_2064 = arith.addf %add3A_2040, %exp3A_2063 : vector<16x128xf32>
    %slice3A_2065 = vector.extract_strided_slice %get3A_3 {offsets = [0, 22528], sizes = [16, 128], strides = [1, 1]} : vector<16x32768xf32> to vector<16x128xf32>
    %max3A_2066 = arith.maximumf %max3A_2042, %slice3A_2065 : vector<16x128xf32>
    %min3A_2067 = arith.minimumf %max3A_2042, %slice3A_2065 : vector<16x128xf32>
    %max3A_2068 = arith.maximumf %max3A_2044, %min3A_2067 : vector<16x128xf32>
    %min3A_2069 = arith.minimumf %max3A_2044, %min3A_2067 : vector<16x128xf32>
    %max3A_2070 = arith.maximumf %max3A_2046, %min3A_2069 : vector<16x128xf32>
    %min3A_2071 = arith.minimumf %max3A_2046, %min3A_2069 : vector<16x128xf32>
    %max3A_2072 = arith.maximumf %max3A_2048, %min3A_2071 : vector<16x128xf32>
    %min3A_2073 = arith.minimumf %max3A_2048, %min3A_2071 : vector<16x128xf32>
    %max3A_2074 = arith.maximumf %max3A_2050, %min3A_2073 : vector<16x128xf32>
    %exp3A_2075 = math.exp %slice3A_2065 : vector<16x128xf32>
    %add3A_2076 = arith.addf %add3A_2052, %exp3A_2075 : vector<16x128xf32>
    %slice3A_2077 = vector.extract_strided_slice %get3A_3 {offsets = [0, 22656], sizes = [16, 128], strides = [1, 1]} : vector<16x32768xf32> to vector<16x128xf32>
    %max3A_2078 = arith.maximumf %max3A_2054, %slice3A_2077 : vector<16x128xf32>
    %min3A_2079 = arith.minimumf %max3A_2054, %slice3A_2077 : vector<16x128xf32>
    %max3A_2080 = arith.maximumf %max3A_2056, %min3A_2079 : vector<16x128xf32>
    %min3A_2081 = arith.minimumf %max3A_2056, %min3A_2079 : vector<16x128xf32>
    %max3A_2082 = arith.maximumf %max3A_2058, %min3A_2081 : vector<16x128xf32>
    %min3A_2083 = arith.minimumf %max3A_2058, %min3A_2081 : vector<16x128xf32>
    %max3A_2084 = arith.maximumf %max3A_2060, %min3A_2083 : vector<16x128xf32>
    %min3A_2085 = arith.minimumf %max3A_2060, %min3A_2083 : vector<16x128xf32>
    %max3A_2086 = arith.maximumf %max3A_2062, %min3A_2085 : vector<16x128xf32>
    %exp3A_2087 = math.exp %slice3A_2077 : vector<16x128xf32>
    %add3A_2088 = arith.addf %add3A_2064, %exp3A_2087 : vector<16x128xf32>
    %slice3A_2089 = vector.extract_strided_slice %get3A_3 {offsets = [0, 22784], sizes = [16, 128], strides = [1, 1]} : vector<16x32768xf32> to vector<16x128xf32>
    %max3A_2090 = arith.maximumf %max3A_2066, %slice3A_2089 : vector<16x128xf32>
    %min3A_2091 = arith.minimumf %max3A_2066, %slice3A_2089 : vector<16x128xf32>
    %max3A_2092 = arith.maximumf %max3A_2068, %min3A_2091 : vector<16x128xf32>
    %min3A_2093 = arith.minimumf %max3A_2068, %min3A_2091 : vector<16x128xf32>
    %max3A_2094 = arith.maximumf %max3A_2070, %min3A_2093 : vector<16x128xf32>
    %min3A_2095 = arith.minimumf %max3A_2070, %min3A_2093 : vector<16x128xf32>
    %max3A_2096 = arith.maximumf %max3A_2072, %min3A_2095 : vector<16x128xf32>
    %min3A_2097 = arith.minimumf %max3A_2072, %min3A_2095 : vector<16x128xf32>
    %max3A_2098 = arith.maximumf %max3A_2074, %min3A_2097 : vector<16x128xf32>
    %exp3A_2099 = math.exp %slice3A_2089 : vector<16x128xf32>
    %add3A_2100 = arith.addf %add3A_2076, %exp3A_2099 : vector<16x128xf32>
    %slice3A_2101 = vector.extract_strided_slice %get3A_3 {offsets = [0, 22912], sizes = [16, 128], strides = [1, 1]} : vector<16x32768xf32> to vector<16x128xf32>
    %max3A_2102 = arith.maximumf %max3A_2078, %slice3A_2101 : vector<16x128xf32>
    %min3A_2103 = arith.minimumf %max3A_2078, %slice3A_2101 : vector<16x128xf32>
    %max3A_2104 = arith.maximumf %max3A_2080, %min3A_2103 : vector<16x128xf32>
    %min3A_2105 = arith.minimumf %max3A_2080, %min3A_2103 : vector<16x128xf32>
    %max3A_2106 = arith.maximumf %max3A_2082, %min3A_2105 : vector<16x128xf32>
    %min3A_2107 = arith.minimumf %max3A_2082, %min3A_2105 : vector<16x128xf32>
    %max3A_2108 = arith.maximumf %max3A_2084, %min3A_2107 : vector<16x128xf32>
    %min3A_2109 = arith.minimumf %max3A_2084, %min3A_2107 : vector<16x128xf32>
    %max3A_2110 = arith.maximumf %max3A_2086, %min3A_2109 : vector<16x128xf32>
    %exp3A_2111 = math.exp %slice3A_2101 : vector<16x128xf32>
    %add3A_2112 = arith.addf %add3A_2088, %exp3A_2111 : vector<16x128xf32>
    %slice3A_2113 = vector.extract_strided_slice %get3A_3 {offsets = [0, 23040], sizes = [16, 128], strides = [1, 1]} : vector<16x32768xf32> to vector<16x128xf32>
    %max3A_2114 = arith.maximumf %max3A_2090, %slice3A_2113 : vector<16x128xf32>
    %min3A_2115 = arith.minimumf %max3A_2090, %slice3A_2113 : vector<16x128xf32>
    %max3A_2116 = arith.maximumf %max3A_2092, %min3A_2115 : vector<16x128xf32>
    %min3A_2117 = arith.minimumf %max3A_2092, %min3A_2115 : vector<16x128xf32>
    %max3A_2118 = arith.maximumf %max3A_2094, %min3A_2117 : vector<16x128xf32>
    %min3A_2119 = arith.minimumf %max3A_2094, %min3A_2117 : vector<16x128xf32>
    %max3A_2120 = arith.maximumf %max3A_2096, %min3A_2119 : vector<16x128xf32>
    %min3A_2121 = arith.minimumf %max3A_2096, %min3A_2119 : vector<16x128xf32>
    %max3A_2122 = arith.maximumf %max3A_2098, %min3A_2121 : vector<16x128xf32>
    %exp3A_2123 = math.exp %slice3A_2113 : vector<16x128xf32>
    %add3A_2124 = arith.addf %add3A_2100, %exp3A_2123 : vector<16x128xf32>
    %slice3A_2125 = vector.extract_strided_slice %get3A_3 {offsets = [0, 23168], sizes = [16, 128], strides = [1, 1]} : vector<16x32768xf32> to vector<16x128xf32>
    %max3A_2126 = arith.maximumf %max3A_2102, %slice3A_2125 : vector<16x128xf32>
    %min3A_2127 = arith.minimumf %max3A_2102, %slice3A_2125 : vector<16x128xf32>
    %max3A_2128 = arith.maximumf %max3A_2104, %min3A_2127 : vector<16x128xf32>
    %min3A_2129 = arith.minimumf %max3A_2104, %min3A_2127 : vector<16x128xf32>
    %max3A_2130 = arith.maximumf %max3A_2106, %min3A_2129 : vector<16x128xf32>
    %min3A_2131 = arith.minimumf %max3A_2106, %min3A_2129 : vector<16x128xf32>
    %max3A_2132 = arith.maximumf %max3A_2108, %min3A_2131 : vector<16x128xf32>
    %min3A_2133 = arith.minimumf %max3A_2108, %min3A_2131 : vector<16x128xf32>
    %max3A_2134 = arith.maximumf %max3A_2110, %min3A_2133 : vector<16x128xf32>
    %exp3A_2135 = math.exp %slice3A_2125 : vector<16x128xf32>
    %add3A_2136 = arith.addf %add3A_2112, %exp3A_2135 : vector<16x128xf32>
    %slice3A_2137 = vector.extract_strided_slice %get3A_3 {offsets = [0, 23296], sizes = [16, 128], strides = [1, 1]} : vector<16x32768xf32> to vector<16x128xf32>
    %max3A_2138 = arith.maximumf %max3A_2114, %slice3A_2137 : vector<16x128xf32>
    %min3A_2139 = arith.minimumf %max3A_2114, %slice3A_2137 : vector<16x128xf32>
    %max3A_2140 = arith.maximumf %max3A_2116, %min3A_2139 : vector<16x128xf32>
    %min3A_2141 = arith.minimumf %max3A_2116, %min3A_2139 : vector<16x128xf32>
    %max3A_2142 = arith.maximumf %max3A_2118, %min3A_2141 : vector<16x128xf32>
    %min3A_2143 = arith.minimumf %max3A_2118, %min3A_2141 : vector<16x128xf32>
    %max3A_2144 = arith.maximumf %max3A_2120, %min3A_2143 : vector<16x128xf32>
    %min3A_2145 = arith.minimumf %max3A_2120, %min3A_2143 : vector<16x128xf32>
    %max3A_2146 = arith.maximumf %max3A_2122, %min3A_2145 : vector<16x128xf32>
    %exp3A_2147 = math.exp %slice3A_2137 : vector<16x128xf32>
    %add3A_2148 = arith.addf %add3A_2124, %exp3A_2147 : vector<16x128xf32>
    %slice3A_2149 = vector.extract_strided_slice %get3A_3 {offsets = [0, 23424], sizes = [16, 128], strides = [1, 1]} : vector<16x32768xf32> to vector<16x128xf32>
    %max3A_2150 = arith.maximumf %max3A_2126, %slice3A_2149 : vector<16x128xf32>
    %min3A_2151 = arith.minimumf %max3A_2126, %slice3A_2149 : vector<16x128xf32>
    %max3A_2152 = arith.maximumf %max3A_2128, %min3A_2151 : vector<16x128xf32>
    %min3A_2153 = arith.minimumf %max3A_2128, %min3A_2151 : vector<16x128xf32>
    %max3A_2154 = arith.maximumf %max3A_2130, %min3A_2153 : vector<16x128xf32>
    %min3A_2155 = arith.minimumf %max3A_2130, %min3A_2153 : vector<16x128xf32>
    %max3A_2156 = arith.maximumf %max3A_2132, %min3A_2155 : vector<16x128xf32>
    %min3A_2157 = arith.minimumf %max3A_2132, %min3A_2155 : vector<16x128xf32>
    %max3A_2158 = arith.maximumf %max3A_2134, %min3A_2157 : vector<16x128xf32>
    %exp3A_2159 = math.exp %slice3A_2149 : vector<16x128xf32>
    %add3A_2160 = arith.addf %add3A_2136, %exp3A_2159 : vector<16x128xf32>
    %slice3A_2161 = vector.extract_strided_slice %get3A_3 {offsets = [0, 23552], sizes = [16, 128], strides = [1, 1]} : vector<16x32768xf32> to vector<16x128xf32>
    %max3A_2162 = arith.maximumf %max3A_2138, %slice3A_2161 : vector<16x128xf32>
    %min3A_2163 = arith.minimumf %max3A_2138, %slice3A_2161 : vector<16x128xf32>
    %max3A_2164 = arith.maximumf %max3A_2140, %min3A_2163 : vector<16x128xf32>
    %min3A_2165 = arith.minimumf %max3A_2140, %min3A_2163 : vector<16x128xf32>
    %max3A_2166 = arith.maximumf %max3A_2142, %min3A_2165 : vector<16x128xf32>
    %min3A_2167 = arith.minimumf %max3A_2142, %min3A_2165 : vector<16x128xf32>
    %max3A_2168 = arith.maximumf %max3A_2144, %min3A_2167 : vector<16x128xf32>
    %min3A_2169 = arith.minimumf %max3A_2144, %min3A_2167 : vector<16x128xf32>
    %max3A_2170 = arith.maximumf %max3A_2146, %min3A_2169 : vector<16x128xf32>
    %exp3A_2171 = math.exp %slice3A_2161 : vector<16x128xf32>
    %add3A_2172 = arith.addf %add3A_2148, %exp3A_2171 : vector<16x128xf32>
    %slice3A_2173 = vector.extract_strided_slice %get3A_3 {offsets = [0, 23680], sizes = [16, 128], strides = [1, 1]} : vector<16x32768xf32> to vector<16x128xf32>
    %max3A_2174 = arith.maximumf %max3A_2150, %slice3A_2173 : vector<16x128xf32>
    %min3A_2175 = arith.minimumf %max3A_2150, %slice3A_2173 : vector<16x128xf32>
    %max3A_2176 = arith.maximumf %max3A_2152, %min3A_2175 : vector<16x128xf32>
    %min3A_2177 = arith.minimumf %max3A_2152, %min3A_2175 : vector<16x128xf32>
    %max3A_2178 = arith.maximumf %max3A_2154, %min3A_2177 : vector<16x128xf32>
    %min3A_2179 = arith.minimumf %max3A_2154, %min3A_2177 : vector<16x128xf32>
    %max3A_2180 = arith.maximumf %max3A_2156, %min3A_2179 : vector<16x128xf32>
    %min3A_2181 = arith.minimumf %max3A_2156, %min3A_2179 : vector<16x128xf32>
    %max3A_2182 = arith.maximumf %max3A_2158, %min3A_2181 : vector<16x128xf32>
    %exp3A_2183 = math.exp %slice3A_2173 : vector<16x128xf32>
    %add3A_2184 = arith.addf %add3A_2160, %exp3A_2183 : vector<16x128xf32>
    %slice3A_2185 = vector.extract_strided_slice %get3A_3 {offsets = [0, 23808], sizes = [16, 128], strides = [1, 1]} : vector<16x32768xf32> to vector<16x128xf32>
    %max3A_2186 = arith.maximumf %max3A_2162, %slice3A_2185 : vector<16x128xf32>
    %min3A_2187 = arith.minimumf %max3A_2162, %slice3A_2185 : vector<16x128xf32>
    %max3A_2188 = arith.maximumf %max3A_2164, %min3A_2187 : vector<16x128xf32>
    %min3A_2189 = arith.minimumf %max3A_2164, %min3A_2187 : vector<16x128xf32>
    %max3A_2190 = arith.maximumf %max3A_2166, %min3A_2189 : vector<16x128xf32>
    %min3A_2191 = arith.minimumf %max3A_2166, %min3A_2189 : vector<16x128xf32>
    %max3A_2192 = arith.maximumf %max3A_2168, %min3A_2191 : vector<16x128xf32>
    %min3A_2193 = arith.minimumf %max3A_2168, %min3A_2191 : vector<16x128xf32>
    %max3A_2194 = arith.maximumf %max3A_2170, %min3A_2193 : vector<16x128xf32>
    %exp3A_2195 = math.exp %slice3A_2185 : vector<16x128xf32>
    %add3A_2196 = arith.addf %add3A_2172, %exp3A_2195 : vector<16x128xf32>
    %slice3A_2197 = vector.extract_strided_slice %get3A_3 {offsets = [0, 23936], sizes = [16, 128], strides = [1, 1]} : vector<16x32768xf32> to vector<16x128xf32>
    %max3A_2198 = arith.maximumf %max3A_2174, %slice3A_2197 : vector<16x128xf32>
    %min3A_2199 = arith.minimumf %max3A_2174, %slice3A_2197 : vector<16x128xf32>
    %max3A_2200 = arith.maximumf %max3A_2176, %min3A_2199 : vector<16x128xf32>
    %min3A_2201 = arith.minimumf %max3A_2176, %min3A_2199 : vector<16x128xf32>
    %max3A_2202 = arith.maximumf %max3A_2178, %min3A_2201 : vector<16x128xf32>
    %min3A_2203 = arith.minimumf %max3A_2178, %min3A_2201 : vector<16x128xf32>
    %max3A_2204 = arith.maximumf %max3A_2180, %min3A_2203 : vector<16x128xf32>
    %min3A_2205 = arith.minimumf %max3A_2180, %min3A_2203 : vector<16x128xf32>
    %max3A_2206 = arith.maximumf %max3A_2182, %min3A_2205 : vector<16x128xf32>
    %exp3A_2207 = math.exp %slice3A_2197 : vector<16x128xf32>
    %add3A_2208 = arith.addf %add3A_2184, %exp3A_2207 : vector<16x128xf32>
    %slice3A_2209 = vector.extract_strided_slice %get3A_3 {offsets = [0, 24064], sizes = [16, 128], strides = [1, 1]} : vector<16x32768xf32> to vector<16x128xf32>
    %max3A_2210 = arith.maximumf %max3A_2186, %slice3A_2209 : vector<16x128xf32>
    %min3A_2211 = arith.minimumf %max3A_2186, %slice3A_2209 : vector<16x128xf32>
    %max3A_2212 = arith.maximumf %max3A_2188, %min3A_2211 : vector<16x128xf32>
    %min3A_2213 = arith.minimumf %max3A_2188, %min3A_2211 : vector<16x128xf32>
    %max3A_2214 = arith.maximumf %max3A_2190, %min3A_2213 : vector<16x128xf32>
    %min3A_2215 = arith.minimumf %max3A_2190, %min3A_2213 : vector<16x128xf32>
    %max3A_2216 = arith.maximumf %max3A_2192, %min3A_2215 : vector<16x128xf32>
    %min3A_2217 = arith.minimumf %max3A_2192, %min3A_2215 : vector<16x128xf32>
    %max3A_2218 = arith.maximumf %max3A_2194, %min3A_2217 : vector<16x128xf32>
    %exp3A_2219 = math.exp %slice3A_2209 : vector<16x128xf32>
    %add3A_2220 = arith.addf %add3A_2196, %exp3A_2219 : vector<16x128xf32>
    %slice3A_2221 = vector.extract_strided_slice %get3A_3 {offsets = [0, 24192], sizes = [16, 128], strides = [1, 1]} : vector<16x32768xf32> to vector<16x128xf32>
    %max3A_2222 = arith.maximumf %max3A_2198, %slice3A_2221 : vector<16x128xf32>
    %min3A_2223 = arith.minimumf %max3A_2198, %slice3A_2221 : vector<16x128xf32>
    %max3A_2224 = arith.maximumf %max3A_2200, %min3A_2223 : vector<16x128xf32>
    %min3A_2225 = arith.minimumf %max3A_2200, %min3A_2223 : vector<16x128xf32>
    %max3A_2226 = arith.maximumf %max3A_2202, %min3A_2225 : vector<16x128xf32>
    %min3A_2227 = arith.minimumf %max3A_2202, %min3A_2225 : vector<16x128xf32>
    %max3A_2228 = arith.maximumf %max3A_2204, %min3A_2227 : vector<16x128xf32>
    %min3A_2229 = arith.minimumf %max3A_2204, %min3A_2227 : vector<16x128xf32>
    %max3A_2230 = arith.maximumf %max3A_2206, %min3A_2229 : vector<16x128xf32>
    %exp3A_2231 = math.exp %slice3A_2221 : vector<16x128xf32>
    %add3A_2232 = arith.addf %add3A_2208, %exp3A_2231 : vector<16x128xf32>
    %slice3A_2233 = vector.extract_strided_slice %get3A_3 {offsets = [0, 24320], sizes = [16, 128], strides = [1, 1]} : vector<16x32768xf32> to vector<16x128xf32>
    %max3A_2234 = arith.maximumf %max3A_2210, %slice3A_2233 : vector<16x128xf32>
    %min3A_2235 = arith.minimumf %max3A_2210, %slice3A_2233 : vector<16x128xf32>
    %max3A_2236 = arith.maximumf %max3A_2212, %min3A_2235 : vector<16x128xf32>
    %min3A_2237 = arith.minimumf %max3A_2212, %min3A_2235 : vector<16x128xf32>
    %max3A_2238 = arith.maximumf %max3A_2214, %min3A_2237 : vector<16x128xf32>
    %min3A_2239 = arith.minimumf %max3A_2214, %min3A_2237 : vector<16x128xf32>
    %max3A_2240 = arith.maximumf %max3A_2216, %min3A_2239 : vector<16x128xf32>
    %min3A_2241 = arith.minimumf %max3A_2216, %min3A_2239 : vector<16x128xf32>
    %max3A_2242 = arith.maximumf %max3A_2218, %min3A_2241 : vector<16x128xf32>
    %exp3A_2243 = math.exp %slice3A_2233 : vector<16x128xf32>
    %add3A_2244 = arith.addf %add3A_2220, %exp3A_2243 : vector<16x128xf32>
    %slice3A_2245 = vector.extract_strided_slice %get3A_3 {offsets = [0, 24448], sizes = [16, 128], strides = [1, 1]} : vector<16x32768xf32> to vector<16x128xf32>
    %max3A_2246 = arith.maximumf %max3A_2222, %slice3A_2245 : vector<16x128xf32>
    %min3A_2247 = arith.minimumf %max3A_2222, %slice3A_2245 : vector<16x128xf32>
    %max3A_2248 = arith.maximumf %max3A_2224, %min3A_2247 : vector<16x128xf32>
    %min3A_2249 = arith.minimumf %max3A_2224, %min3A_2247 : vector<16x128xf32>
    %max3A_2250 = arith.maximumf %max3A_2226, %min3A_2249 : vector<16x128xf32>
    %min3A_2251 = arith.minimumf %max3A_2226, %min3A_2249 : vector<16x128xf32>
    %max3A_2252 = arith.maximumf %max3A_2228, %min3A_2251 : vector<16x128xf32>
    %min3A_2253 = arith.minimumf %max3A_2228, %min3A_2251 : vector<16x128xf32>
    %max3A_2254 = arith.maximumf %max3A_2230, %min3A_2253 : vector<16x128xf32>
    %exp3A_2255 = math.exp %slice3A_2245 : vector<16x128xf32>
    %add3A_2256 = arith.addf %add3A_2232, %exp3A_2255 : vector<16x128xf32>
    %slice3A_2257 = vector.extract_strided_slice %get3A_3 {offsets = [0, 24576], sizes = [16, 128], strides = [1, 1]} : vector<16x32768xf32> to vector<16x128xf32>
    %max3A_2258 = arith.maximumf %max3A_2234, %slice3A_2257 : vector<16x128xf32>
    %min3A_2259 = arith.minimumf %max3A_2234, %slice3A_2257 : vector<16x128xf32>
    %max3A_2260 = arith.maximumf %max3A_2236, %min3A_2259 : vector<16x128xf32>
    %min3A_2261 = arith.minimumf %max3A_2236, %min3A_2259 : vector<16x128xf32>
    %max3A_2262 = arith.maximumf %max3A_2238, %min3A_2261 : vector<16x128xf32>
    %min3A_2263 = arith.minimumf %max3A_2238, %min3A_2261 : vector<16x128xf32>
    %max3A_2264 = arith.maximumf %max3A_2240, %min3A_2263 : vector<16x128xf32>
    %min3A_2265 = arith.minimumf %max3A_2240, %min3A_2263 : vector<16x128xf32>
    %max3A_2266 = arith.maximumf %max3A_2242, %min3A_2265 : vector<16x128xf32>
    %exp3A_2267 = math.exp %slice3A_2257 : vector<16x128xf32>
    %add3A_2268 = arith.addf %add3A_2244, %exp3A_2267 : vector<16x128xf32>
    %slice3A_2269 = vector.extract_strided_slice %get3A_3 {offsets = [0, 24704], sizes = [16, 128], strides = [1, 1]} : vector<16x32768xf32> to vector<16x128xf32>
    %max3A_2270 = arith.maximumf %max3A_2246, %slice3A_2269 : vector<16x128xf32>
    %min3A_2271 = arith.minimumf %max3A_2246, %slice3A_2269 : vector<16x128xf32>
    %max3A_2272 = arith.maximumf %max3A_2248, %min3A_2271 : vector<16x128xf32>
    %min3A_2273 = arith.minimumf %max3A_2248, %min3A_2271 : vector<16x128xf32>
    %max3A_2274 = arith.maximumf %max3A_2250, %min3A_2273 : vector<16x128xf32>
    %min3A_2275 = arith.minimumf %max3A_2250, %min3A_2273 : vector<16x128xf32>
    %max3A_2276 = arith.maximumf %max3A_2252, %min3A_2275 : vector<16x128xf32>
    %min3A_2277 = arith.minimumf %max3A_2252, %min3A_2275 : vector<16x128xf32>
    %max3A_2278 = arith.maximumf %max3A_2254, %min3A_2277 : vector<16x128xf32>
    %exp3A_2279 = math.exp %slice3A_2269 : vector<16x128xf32>
    %add3A_2280 = arith.addf %add3A_2256, %exp3A_2279 : vector<16x128xf32>
    %slice3A_2281 = vector.extract_strided_slice %get3A_3 {offsets = [0, 24832], sizes = [16, 128], strides = [1, 1]} : vector<16x32768xf32> to vector<16x128xf32>
    %max3A_2282 = arith.maximumf %max3A_2258, %slice3A_2281 : vector<16x128xf32>
    %min3A_2283 = arith.minimumf %max3A_2258, %slice3A_2281 : vector<16x128xf32>
    %max3A_2284 = arith.maximumf %max3A_2260, %min3A_2283 : vector<16x128xf32>
    %min3A_2285 = arith.minimumf %max3A_2260, %min3A_2283 : vector<16x128xf32>
    %max3A_2286 = arith.maximumf %max3A_2262, %min3A_2285 : vector<16x128xf32>
    %min3A_2287 = arith.minimumf %max3A_2262, %min3A_2285 : vector<16x128xf32>
    %max3A_2288 = arith.maximumf %max3A_2264, %min3A_2287 : vector<16x128xf32>
    %min3A_2289 = arith.minimumf %max3A_2264, %min3A_2287 : vector<16x128xf32>
    %max3A_2290 = arith.maximumf %max3A_2266, %min3A_2289 : vector<16x128xf32>
    %exp3A_2291 = math.exp %slice3A_2281 : vector<16x128xf32>
    %add3A_2292 = arith.addf %add3A_2268, %exp3A_2291 : vector<16x128xf32>
    %slice3A_2293 = vector.extract_strided_slice %get3A_3 {offsets = [0, 24960], sizes = [16, 128], strides = [1, 1]} : vector<16x32768xf32> to vector<16x128xf32>
    %max3A_2294 = arith.maximumf %max3A_2270, %slice3A_2293 : vector<16x128xf32>
    %min3A_2295 = arith.minimumf %max3A_2270, %slice3A_2293 : vector<16x128xf32>
    %max3A_2296 = arith.maximumf %max3A_2272, %min3A_2295 : vector<16x128xf32>
    %min3A_2297 = arith.minimumf %max3A_2272, %min3A_2295 : vector<16x128xf32>
    %max3A_2298 = arith.maximumf %max3A_2274, %min3A_2297 : vector<16x128xf32>
    %min3A_2299 = arith.minimumf %max3A_2274, %min3A_2297 : vector<16x128xf32>
    %max3A_2300 = arith.maximumf %max3A_2276, %min3A_2299 : vector<16x128xf32>
    %min3A_2301 = arith.minimumf %max3A_2276, %min3A_2299 : vector<16x128xf32>
    %max3A_2302 = arith.maximumf %max3A_2278, %min3A_2301 : vector<16x128xf32>
    %exp3A_2303 = math.exp %slice3A_2293 : vector<16x128xf32>
    %add3A_2304 = arith.addf %add3A_2280, %exp3A_2303 : vector<16x128xf32>
    %slice3A_2305 = vector.extract_strided_slice %get3A_3 {offsets = [0, 25088], sizes = [16, 128], strides = [1, 1]} : vector<16x32768xf32> to vector<16x128xf32>
    %max3A_2306 = arith.maximumf %max3A_2282, %slice3A_2305 : vector<16x128xf32>
    %min3A_2307 = arith.minimumf %max3A_2282, %slice3A_2305 : vector<16x128xf32>
    %max3A_2308 = arith.maximumf %max3A_2284, %min3A_2307 : vector<16x128xf32>
    %min3A_2309 = arith.minimumf %max3A_2284, %min3A_2307 : vector<16x128xf32>
    %max3A_2310 = arith.maximumf %max3A_2286, %min3A_2309 : vector<16x128xf32>
    %min3A_2311 = arith.minimumf %max3A_2286, %min3A_2309 : vector<16x128xf32>
    %max3A_2312 = arith.maximumf %max3A_2288, %min3A_2311 : vector<16x128xf32>
    %min3A_2313 = arith.minimumf %max3A_2288, %min3A_2311 : vector<16x128xf32>
    %max3A_2314 = arith.maximumf %max3A_2290, %min3A_2313 : vector<16x128xf32>
    %exp3A_2315 = math.exp %slice3A_2305 : vector<16x128xf32>
    %add3A_2316 = arith.addf %add3A_2292, %exp3A_2315 : vector<16x128xf32>
    %slice3A_2317 = vector.extract_strided_slice %get3A_3 {offsets = [0, 25216], sizes = [16, 128], strides = [1, 1]} : vector<16x32768xf32> to vector<16x128xf32>
    %max3A_2318 = arith.maximumf %max3A_2294, %slice3A_2317 : vector<16x128xf32>
    %min3A_2319 = arith.minimumf %max3A_2294, %slice3A_2317 : vector<16x128xf32>
    %max3A_2320 = arith.maximumf %max3A_2296, %min3A_2319 : vector<16x128xf32>
    %min3A_2321 = arith.minimumf %max3A_2296, %min3A_2319 : vector<16x128xf32>
    %max3A_2322 = arith.maximumf %max3A_2298, %min3A_2321 : vector<16x128xf32>
    %min3A_2323 = arith.minimumf %max3A_2298, %min3A_2321 : vector<16x128xf32>
    %max3A_2324 = arith.maximumf %max3A_2300, %min3A_2323 : vector<16x128xf32>
    %min3A_2325 = arith.minimumf %max3A_2300, %min3A_2323 : vector<16x128xf32>
    %max3A_2326 = arith.maximumf %max3A_2302, %min3A_2325 : vector<16x128xf32>
    %exp3A_2327 = math.exp %slice3A_2317 : vector<16x128xf32>
    %add3A_2328 = arith.addf %add3A_2304, %exp3A_2327 : vector<16x128xf32>
    %slice3A_2329 = vector.extract_strided_slice %get3A_3 {offsets = [0, 25344], sizes = [16, 128], strides = [1, 1]} : vector<16x32768xf32> to vector<16x128xf32>
    %max3A_2330 = arith.maximumf %max3A_2306, %slice3A_2329 : vector<16x128xf32>
    %min3A_2331 = arith.minimumf %max3A_2306, %slice3A_2329 : vector<16x128xf32>
    %max3A_2332 = arith.maximumf %max3A_2308, %min3A_2331 : vector<16x128xf32>
    %min3A_2333 = arith.minimumf %max3A_2308, %min3A_2331 : vector<16x128xf32>
    %max3A_2334 = arith.maximumf %max3A_2310, %min3A_2333 : vector<16x128xf32>
    %min3A_2335 = arith.minimumf %max3A_2310, %min3A_2333 : vector<16x128xf32>
    %max3A_2336 = arith.maximumf %max3A_2312, %min3A_2335 : vector<16x128xf32>
    %min3A_2337 = arith.minimumf %max3A_2312, %min3A_2335 : vector<16x128xf32>
    %max3A_2338 = arith.maximumf %max3A_2314, %min3A_2337 : vector<16x128xf32>
    %exp3A_2339 = math.exp %slice3A_2329 : vector<16x128xf32>
    %add3A_2340 = arith.addf %add3A_2316, %exp3A_2339 : vector<16x128xf32>
    %slice3A_2341 = vector.extract_strided_slice %get3A_3 {offsets = [0, 25472], sizes = [16, 128], strides = [1, 1]} : vector<16x32768xf32> to vector<16x128xf32>
    %max3A_2342 = arith.maximumf %max3A_2318, %slice3A_2341 : vector<16x128xf32>
    %min3A_2343 = arith.minimumf %max3A_2318, %slice3A_2341 : vector<16x128xf32>
    %max3A_2344 = arith.maximumf %max3A_2320, %min3A_2343 : vector<16x128xf32>
    %min3A_2345 = arith.minimumf %max3A_2320, %min3A_2343 : vector<16x128xf32>
    %max3A_2346 = arith.maximumf %max3A_2322, %min3A_2345 : vector<16x128xf32>
    %min3A_2347 = arith.minimumf %max3A_2322, %min3A_2345 : vector<16x128xf32>
    %max3A_2348 = arith.maximumf %max3A_2324, %min3A_2347 : vector<16x128xf32>
    %min3A_2349 = arith.minimumf %max3A_2324, %min3A_2347 : vector<16x128xf32>
    %max3A_2350 = arith.maximumf %max3A_2326, %min3A_2349 : vector<16x128xf32>
    %exp3A_2351 = math.exp %slice3A_2341 : vector<16x128xf32>
    %add3A_2352 = arith.addf %add3A_2328, %exp3A_2351 : vector<16x128xf32>
    %slice3A_2353 = vector.extract_strided_slice %get3A_3 {offsets = [0, 25600], sizes = [16, 128], strides = [1, 1]} : vector<16x32768xf32> to vector<16x128xf32>
    %max3A_2354 = arith.maximumf %max3A_2330, %slice3A_2353 : vector<16x128xf32>
    %min3A_2355 = arith.minimumf %max3A_2330, %slice3A_2353 : vector<16x128xf32>
    %max3A_2356 = arith.maximumf %max3A_2332, %min3A_2355 : vector<16x128xf32>
    %min3A_2357 = arith.minimumf %max3A_2332, %min3A_2355 : vector<16x128xf32>
    %max3A_2358 = arith.maximumf %max3A_2334, %min3A_2357 : vector<16x128xf32>
    %min3A_2359 = arith.minimumf %max3A_2334, %min3A_2357 : vector<16x128xf32>
    %max3A_2360 = arith.maximumf %max3A_2336, %min3A_2359 : vector<16x128xf32>
    %min3A_2361 = arith.minimumf %max3A_2336, %min3A_2359 : vector<16x128xf32>
    %max3A_2362 = arith.maximumf %max3A_2338, %min3A_2361 : vector<16x128xf32>
    %exp3A_2363 = math.exp %slice3A_2353 : vector<16x128xf32>
    %add3A_2364 = arith.addf %add3A_2340, %exp3A_2363 : vector<16x128xf32>
    %slice3A_2365 = vector.extract_strided_slice %get3A_3 {offsets = [0, 25728], sizes = [16, 128], strides = [1, 1]} : vector<16x32768xf32> to vector<16x128xf32>
    %max3A_2366 = arith.maximumf %max3A_2342, %slice3A_2365 : vector<16x128xf32>
    %min3A_2367 = arith.minimumf %max3A_2342, %slice3A_2365 : vector<16x128xf32>
    %max3A_2368 = arith.maximumf %max3A_2344, %min3A_2367 : vector<16x128xf32>
    %min3A_2369 = arith.minimumf %max3A_2344, %min3A_2367 : vector<16x128xf32>
    %max3A_2370 = arith.maximumf %max3A_2346, %min3A_2369 : vector<16x128xf32>
    %min3A_2371 = arith.minimumf %max3A_2346, %min3A_2369 : vector<16x128xf32>
    %max3A_2372 = arith.maximumf %max3A_2348, %min3A_2371 : vector<16x128xf32>
    %min3A_2373 = arith.minimumf %max3A_2348, %min3A_2371 : vector<16x128xf32>
    %max3A_2374 = arith.maximumf %max3A_2350, %min3A_2373 : vector<16x128xf32>
    %exp3A_2375 = math.exp %slice3A_2365 : vector<16x128xf32>
    %add3A_2376 = arith.addf %add3A_2352, %exp3A_2375 : vector<16x128xf32>
    %slice3A_2377 = vector.extract_strided_slice %get3A_3 {offsets = [0, 25856], sizes = [16, 128], strides = [1, 1]} : vector<16x32768xf32> to vector<16x128xf32>
    %max3A_2378 = arith.maximumf %max3A_2354, %slice3A_2377 : vector<16x128xf32>
    %min3A_2379 = arith.minimumf %max3A_2354, %slice3A_2377 : vector<16x128xf32>
    %max3A_2380 = arith.maximumf %max3A_2356, %min3A_2379 : vector<16x128xf32>
    %min3A_2381 = arith.minimumf %max3A_2356, %min3A_2379 : vector<16x128xf32>
    %max3A_2382 = arith.maximumf %max3A_2358, %min3A_2381 : vector<16x128xf32>
    %min3A_2383 = arith.minimumf %max3A_2358, %min3A_2381 : vector<16x128xf32>
    %max3A_2384 = arith.maximumf %max3A_2360, %min3A_2383 : vector<16x128xf32>
    %min3A_2385 = arith.minimumf %max3A_2360, %min3A_2383 : vector<16x128xf32>
    %max3A_2386 = arith.maximumf %max3A_2362, %min3A_2385 : vector<16x128xf32>
    %exp3A_2387 = math.exp %slice3A_2377 : vector<16x128xf32>
    %add3A_2388 = arith.addf %add3A_2364, %exp3A_2387 : vector<16x128xf32>
    %slice3A_2389 = vector.extract_strided_slice %get3A_3 {offsets = [0, 25984], sizes = [16, 128], strides = [1, 1]} : vector<16x32768xf32> to vector<16x128xf32>
    %max3A_2390 = arith.maximumf %max3A_2366, %slice3A_2389 : vector<16x128xf32>
    %min3A_2391 = arith.minimumf %max3A_2366, %slice3A_2389 : vector<16x128xf32>
    %max3A_2392 = arith.maximumf %max3A_2368, %min3A_2391 : vector<16x128xf32>
    %min3A_2393 = arith.minimumf %max3A_2368, %min3A_2391 : vector<16x128xf32>
    %max3A_2394 = arith.maximumf %max3A_2370, %min3A_2393 : vector<16x128xf32>
    %min3A_2395 = arith.minimumf %max3A_2370, %min3A_2393 : vector<16x128xf32>
    %max3A_2396 = arith.maximumf %max3A_2372, %min3A_2395 : vector<16x128xf32>
    %min3A_2397 = arith.minimumf %max3A_2372, %min3A_2395 : vector<16x128xf32>
    %max3A_2398 = arith.maximumf %max3A_2374, %min3A_2397 : vector<16x128xf32>
    %exp3A_2399 = math.exp %slice3A_2389 : vector<16x128xf32>
    %add3A_2400 = arith.addf %add3A_2376, %exp3A_2399 : vector<16x128xf32>
    %slice3A_2401 = vector.extract_strided_slice %get3A_3 {offsets = [0, 26112], sizes = [16, 128], strides = [1, 1]} : vector<16x32768xf32> to vector<16x128xf32>
    %max3A_2402 = arith.maximumf %max3A_2378, %slice3A_2401 : vector<16x128xf32>
    %min3A_2403 = arith.minimumf %max3A_2378, %slice3A_2401 : vector<16x128xf32>
    %max3A_2404 = arith.maximumf %max3A_2380, %min3A_2403 : vector<16x128xf32>
    %min3A_2405 = arith.minimumf %max3A_2380, %min3A_2403 : vector<16x128xf32>
    %max3A_2406 = arith.maximumf %max3A_2382, %min3A_2405 : vector<16x128xf32>
    %min3A_2407 = arith.minimumf %max3A_2382, %min3A_2405 : vector<16x128xf32>
    %max3A_2408 = arith.maximumf %max3A_2384, %min3A_2407 : vector<16x128xf32>
    %min3A_2409 = arith.minimumf %max3A_2384, %min3A_2407 : vector<16x128xf32>
    %max3A_2410 = arith.maximumf %max3A_2386, %min3A_2409 : vector<16x128xf32>
    %exp3A_2411 = math.exp %slice3A_2401 : vector<16x128xf32>
    %add3A_2412 = arith.addf %add3A_2388, %exp3A_2411 : vector<16x128xf32>
    %slice3A_2413 = vector.extract_strided_slice %get3A_3 {offsets = [0, 26240], sizes = [16, 128], strides = [1, 1]} : vector<16x32768xf32> to vector<16x128xf32>
    %max3A_2414 = arith.maximumf %max3A_2390, %slice3A_2413 : vector<16x128xf32>
    %min3A_2415 = arith.minimumf %max3A_2390, %slice3A_2413 : vector<16x128xf32>
    %max3A_2416 = arith.maximumf %max3A_2392, %min3A_2415 : vector<16x128xf32>
    %min3A_2417 = arith.minimumf %max3A_2392, %min3A_2415 : vector<16x128xf32>
    %max3A_2418 = arith.maximumf %max3A_2394, %min3A_2417 : vector<16x128xf32>
    %min3A_2419 = arith.minimumf %max3A_2394, %min3A_2417 : vector<16x128xf32>
    %max3A_2420 = arith.maximumf %max3A_2396, %min3A_2419 : vector<16x128xf32>
    %min3A_2421 = arith.minimumf %max3A_2396, %min3A_2419 : vector<16x128xf32>
    %max3A_2422 = arith.maximumf %max3A_2398, %min3A_2421 : vector<16x128xf32>
    %exp3A_2423 = math.exp %slice3A_2413 : vector<16x128xf32>
    %add3A_2424 = arith.addf %add3A_2400, %exp3A_2423 : vector<16x128xf32>
    %slice3A_2425 = vector.extract_strided_slice %get3A_3 {offsets = [0, 26368], sizes = [16, 128], strides = [1, 1]} : vector<16x32768xf32> to vector<16x128xf32>
    %max3A_2426 = arith.maximumf %max3A_2402, %slice3A_2425 : vector<16x128xf32>
    %min3A_2427 = arith.minimumf %max3A_2402, %slice3A_2425 : vector<16x128xf32>
    %max3A_2428 = arith.maximumf %max3A_2404, %min3A_2427 : vector<16x128xf32>
    %min3A_2429 = arith.minimumf %max3A_2404, %min3A_2427 : vector<16x128xf32>
    %max3A_2430 = arith.maximumf %max3A_2406, %min3A_2429 : vector<16x128xf32>
    %min3A_2431 = arith.minimumf %max3A_2406, %min3A_2429 : vector<16x128xf32>
    %max3A_2432 = arith.maximumf %max3A_2408, %min3A_2431 : vector<16x128xf32>
    %min3A_2433 = arith.minimumf %max3A_2408, %min3A_2431 : vector<16x128xf32>
    %max3A_2434 = arith.maximumf %max3A_2410, %min3A_2433 : vector<16x128xf32>
    %exp3A_2435 = math.exp %slice3A_2425 : vector<16x128xf32>
    %add3A_2436 = arith.addf %add3A_2412, %exp3A_2435 : vector<16x128xf32>
    %slice3A_2437 = vector.extract_strided_slice %get3A_3 {offsets = [0, 26496], sizes = [16, 128], strides = [1, 1]} : vector<16x32768xf32> to vector<16x128xf32>
    %max3A_2438 = arith.maximumf %max3A_2414, %slice3A_2437 : vector<16x128xf32>
    %min3A_2439 = arith.minimumf %max3A_2414, %slice3A_2437 : vector<16x128xf32>
    %max3A_2440 = arith.maximumf %max3A_2416, %min3A_2439 : vector<16x128xf32>
    %min3A_2441 = arith.minimumf %max3A_2416, %min3A_2439 : vector<16x128xf32>
    %max3A_2442 = arith.maximumf %max3A_2418, %min3A_2441 : vector<16x128xf32>
    %min3A_2443 = arith.minimumf %max3A_2418, %min3A_2441 : vector<16x128xf32>
    %max3A_2444 = arith.maximumf %max3A_2420, %min3A_2443 : vector<16x128xf32>
    %min3A_2445 = arith.minimumf %max3A_2420, %min3A_2443 : vector<16x128xf32>
    %max3A_2446 = arith.maximumf %max3A_2422, %min3A_2445 : vector<16x128xf32>
    %exp3A_2447 = math.exp %slice3A_2437 : vector<16x128xf32>
    %add3A_2448 = arith.addf %add3A_2424, %exp3A_2447 : vector<16x128xf32>
    %slice3A_2449 = vector.extract_strided_slice %get3A_3 {offsets = [0, 26624], sizes = [16, 128], strides = [1, 1]} : vector<16x32768xf32> to vector<16x128xf32>
    %max3A_2450 = arith.maximumf %max3A_2426, %slice3A_2449 : vector<16x128xf32>
    %min3A_2451 = arith.minimumf %max3A_2426, %slice3A_2449 : vector<16x128xf32>
    %max3A_2452 = arith.maximumf %max3A_2428, %min3A_2451 : vector<16x128xf32>
    %min3A_2453 = arith.minimumf %max3A_2428, %min3A_2451 : vector<16x128xf32>
    %max3A_2454 = arith.maximumf %max3A_2430, %min3A_2453 : vector<16x128xf32>
    %min3A_2455 = arith.minimumf %max3A_2430, %min3A_2453 : vector<16x128xf32>
    %max3A_2456 = arith.maximumf %max3A_2432, %min3A_2455 : vector<16x128xf32>
    %min3A_2457 = arith.minimumf %max3A_2432, %min3A_2455 : vector<16x128xf32>
    %max3A_2458 = arith.maximumf %max3A_2434, %min3A_2457 : vector<16x128xf32>
    %exp3A_2459 = math.exp %slice3A_2449 : vector<16x128xf32>
    %add3A_2460 = arith.addf %add3A_2436, %exp3A_2459 : vector<16x128xf32>
    %slice3A_2461 = vector.extract_strided_slice %get3A_3 {offsets = [0, 26752], sizes = [16, 128], strides = [1, 1]} : vector<16x32768xf32> to vector<16x128xf32>
    %max3A_2462 = arith.maximumf %max3A_2438, %slice3A_2461 : vector<16x128xf32>
    %min3A_2463 = arith.minimumf %max3A_2438, %slice3A_2461 : vector<16x128xf32>
    %max3A_2464 = arith.maximumf %max3A_2440, %min3A_2463 : vector<16x128xf32>
    %min3A_2465 = arith.minimumf %max3A_2440, %min3A_2463 : vector<16x128xf32>
    %max3A_2466 = arith.maximumf %max3A_2442, %min3A_2465 : vector<16x128xf32>
    %min3A_2467 = arith.minimumf %max3A_2442, %min3A_2465 : vector<16x128xf32>
    %max3A_2468 = arith.maximumf %max3A_2444, %min3A_2467 : vector<16x128xf32>
    %min3A_2469 = arith.minimumf %max3A_2444, %min3A_2467 : vector<16x128xf32>
    %max3A_2470 = arith.maximumf %max3A_2446, %min3A_2469 : vector<16x128xf32>
    %exp3A_2471 = math.exp %slice3A_2461 : vector<16x128xf32>
    %add3A_2472 = arith.addf %add3A_2448, %exp3A_2471 : vector<16x128xf32>
    %slice3A_2473 = vector.extract_strided_slice %get3A_3 {offsets = [0, 26880], sizes = [16, 128], strides = [1, 1]} : vector<16x32768xf32> to vector<16x128xf32>
    %max3A_2474 = arith.maximumf %max3A_2450, %slice3A_2473 : vector<16x128xf32>
    %min3A_2475 = arith.minimumf %max3A_2450, %slice3A_2473 : vector<16x128xf32>
    %max3A_2476 = arith.maximumf %max3A_2452, %min3A_2475 : vector<16x128xf32>
    %min3A_2477 = arith.minimumf %max3A_2452, %min3A_2475 : vector<16x128xf32>
    %max3A_2478 = arith.maximumf %max3A_2454, %min3A_2477 : vector<16x128xf32>
    %min3A_2479 = arith.minimumf %max3A_2454, %min3A_2477 : vector<16x128xf32>
    %max3A_2480 = arith.maximumf %max3A_2456, %min3A_2479 : vector<16x128xf32>
    %min3A_2481 = arith.minimumf %max3A_2456, %min3A_2479 : vector<16x128xf32>
    %max3A_2482 = arith.maximumf %max3A_2458, %min3A_2481 : vector<16x128xf32>
    %exp3A_2483 = math.exp %slice3A_2473 : vector<16x128xf32>
    %add3A_2484 = arith.addf %add3A_2460, %exp3A_2483 : vector<16x128xf32>
    %slice3A_2485 = vector.extract_strided_slice %get3A_3 {offsets = [0, 27008], sizes = [16, 128], strides = [1, 1]} : vector<16x32768xf32> to vector<16x128xf32>
    %max3A_2486 = arith.maximumf %max3A_2462, %slice3A_2485 : vector<16x128xf32>
    %min3A_2487 = arith.minimumf %max3A_2462, %slice3A_2485 : vector<16x128xf32>
    %max3A_2488 = arith.maximumf %max3A_2464, %min3A_2487 : vector<16x128xf32>
    %min3A_2489 = arith.minimumf %max3A_2464, %min3A_2487 : vector<16x128xf32>
    %max3A_2490 = arith.maximumf %max3A_2466, %min3A_2489 : vector<16x128xf32>
    %min3A_2491 = arith.minimumf %max3A_2466, %min3A_2489 : vector<16x128xf32>
    %max3A_2492 = arith.maximumf %max3A_2468, %min3A_2491 : vector<16x128xf32>
    %min3A_2493 = arith.minimumf %max3A_2468, %min3A_2491 : vector<16x128xf32>
    %max3A_2494 = arith.maximumf %max3A_2470, %min3A_2493 : vector<16x128xf32>
    %exp3A_2495 = math.exp %slice3A_2485 : vector<16x128xf32>
    %add3A_2496 = arith.addf %add3A_2472, %exp3A_2495 : vector<16x128xf32>
    %slice3A_2497 = vector.extract_strided_slice %get3A_3 {offsets = [0, 27136], sizes = [16, 128], strides = [1, 1]} : vector<16x32768xf32> to vector<16x128xf32>
    %max3A_2498 = arith.maximumf %max3A_2474, %slice3A_2497 : vector<16x128xf32>
    %min3A_2499 = arith.minimumf %max3A_2474, %slice3A_2497 : vector<16x128xf32>
    %max3A_2500 = arith.maximumf %max3A_2476, %min3A_2499 : vector<16x128xf32>
    %min3A_2501 = arith.minimumf %max3A_2476, %min3A_2499 : vector<16x128xf32>
    %max3A_2502 = arith.maximumf %max3A_2478, %min3A_2501 : vector<16x128xf32>
    %min3A_2503 = arith.minimumf %max3A_2478, %min3A_2501 : vector<16x128xf32>
    %max3A_2504 = arith.maximumf %max3A_2480, %min3A_2503 : vector<16x128xf32>
    %min3A_2505 = arith.minimumf %max3A_2480, %min3A_2503 : vector<16x128xf32>
    %max3A_2506 = arith.maximumf %max3A_2482, %min3A_2505 : vector<16x128xf32>
    %exp3A_2507 = math.exp %slice3A_2497 : vector<16x128xf32>
    %add3A_2508 = arith.addf %add3A_2484, %exp3A_2507 : vector<16x128xf32>
    %slice3A_2509 = vector.extract_strided_slice %get3A_3 {offsets = [0, 27264], sizes = [16, 128], strides = [1, 1]} : vector<16x32768xf32> to vector<16x128xf32>
    %max3A_2510 = arith.maximumf %max3A_2486, %slice3A_2509 : vector<16x128xf32>
    %min3A_2511 = arith.minimumf %max3A_2486, %slice3A_2509 : vector<16x128xf32>
    %max3A_2512 = arith.maximumf %max3A_2488, %min3A_2511 : vector<16x128xf32>
    %min3A_2513 = arith.minimumf %max3A_2488, %min3A_2511 : vector<16x128xf32>
    %max3A_2514 = arith.maximumf %max3A_2490, %min3A_2513 : vector<16x128xf32>
    %min3A_2515 = arith.minimumf %max3A_2490, %min3A_2513 : vector<16x128xf32>
    %max3A_2516 = arith.maximumf %max3A_2492, %min3A_2515 : vector<16x128xf32>
    %min3A_2517 = arith.minimumf %max3A_2492, %min3A_2515 : vector<16x128xf32>
    %max3A_2518 = arith.maximumf %max3A_2494, %min3A_2517 : vector<16x128xf32>
    %exp3A_2519 = math.exp %slice3A_2509 : vector<16x128xf32>
    %add3A_2520 = arith.addf %add3A_2496, %exp3A_2519 : vector<16x128xf32>
    %slice3A_2521 = vector.extract_strided_slice %get3A_3 {offsets = [0, 27392], sizes = [16, 128], strides = [1, 1]} : vector<16x32768xf32> to vector<16x128xf32>
    %max3A_2522 = arith.maximumf %max3A_2498, %slice3A_2521 : vector<16x128xf32>
    %min3A_2523 = arith.minimumf %max3A_2498, %slice3A_2521 : vector<16x128xf32>
    %max3A_2524 = arith.maximumf %max3A_2500, %min3A_2523 : vector<16x128xf32>
    %min3A_2525 = arith.minimumf %max3A_2500, %min3A_2523 : vector<16x128xf32>
    %max3A_2526 = arith.maximumf %max3A_2502, %min3A_2525 : vector<16x128xf32>
    %min3A_2527 = arith.minimumf %max3A_2502, %min3A_2525 : vector<16x128xf32>
    %max3A_2528 = arith.maximumf %max3A_2504, %min3A_2527 : vector<16x128xf32>
    %min3A_2529 = arith.minimumf %max3A_2504, %min3A_2527 : vector<16x128xf32>
    %max3A_2530 = arith.maximumf %max3A_2506, %min3A_2529 : vector<16x128xf32>
    %exp3A_2531 = math.exp %slice3A_2521 : vector<16x128xf32>
    %add3A_2532 = arith.addf %add3A_2508, %exp3A_2531 : vector<16x128xf32>
    %slice3A_2533 = vector.extract_strided_slice %get3A_3 {offsets = [0, 27520], sizes = [16, 128], strides = [1, 1]} : vector<16x32768xf32> to vector<16x128xf32>
    %max3A_2534 = arith.maximumf %max3A_2510, %slice3A_2533 : vector<16x128xf32>
    %min3A_2535 = arith.minimumf %max3A_2510, %slice3A_2533 : vector<16x128xf32>
    %max3A_2536 = arith.maximumf %max3A_2512, %min3A_2535 : vector<16x128xf32>
    %min3A_2537 = arith.minimumf %max3A_2512, %min3A_2535 : vector<16x128xf32>
    %max3A_2538 = arith.maximumf %max3A_2514, %min3A_2537 : vector<16x128xf32>
    %min3A_2539 = arith.minimumf %max3A_2514, %min3A_2537 : vector<16x128xf32>
    %max3A_2540 = arith.maximumf %max3A_2516, %min3A_2539 : vector<16x128xf32>
    %min3A_2541 = arith.minimumf %max3A_2516, %min3A_2539 : vector<16x128xf32>
    %max3A_2542 = arith.maximumf %max3A_2518, %min3A_2541 : vector<16x128xf32>
    %exp3A_2543 = math.exp %slice3A_2533 : vector<16x128xf32>
    %add3A_2544 = arith.addf %add3A_2520, %exp3A_2543 : vector<16x128xf32>
    %slice3A_2545 = vector.extract_strided_slice %get3A_3 {offsets = [0, 27648], sizes = [16, 128], strides = [1, 1]} : vector<16x32768xf32> to vector<16x128xf32>
    %max3A_2546 = arith.maximumf %max3A_2522, %slice3A_2545 : vector<16x128xf32>
    %min3A_2547 = arith.minimumf %max3A_2522, %slice3A_2545 : vector<16x128xf32>
    %max3A_2548 = arith.maximumf %max3A_2524, %min3A_2547 : vector<16x128xf32>
    %min3A_2549 = arith.minimumf %max3A_2524, %min3A_2547 : vector<16x128xf32>
    %max3A_2550 = arith.maximumf %max3A_2526, %min3A_2549 : vector<16x128xf32>
    %min3A_2551 = arith.minimumf %max3A_2526, %min3A_2549 : vector<16x128xf32>
    %max3A_2552 = arith.maximumf %max3A_2528, %min3A_2551 : vector<16x128xf32>
    %min3A_2553 = arith.minimumf %max3A_2528, %min3A_2551 : vector<16x128xf32>
    %max3A_2554 = arith.maximumf %max3A_2530, %min3A_2553 : vector<16x128xf32>
    %exp3A_2555 = math.exp %slice3A_2545 : vector<16x128xf32>
    %add3A_2556 = arith.addf %add3A_2532, %exp3A_2555 : vector<16x128xf32>
    %slice3A_2557 = vector.extract_strided_slice %get3A_3 {offsets = [0, 27776], sizes = [16, 128], strides = [1, 1]} : vector<16x32768xf32> to vector<16x128xf32>
    %max3A_2558 = arith.maximumf %max3A_2534, %slice3A_2557 : vector<16x128xf32>
    %min3A_2559 = arith.minimumf %max3A_2534, %slice3A_2557 : vector<16x128xf32>
    %max3A_2560 = arith.maximumf %max3A_2536, %min3A_2559 : vector<16x128xf32>
    %min3A_2561 = arith.minimumf %max3A_2536, %min3A_2559 : vector<16x128xf32>
    %max3A_2562 = arith.maximumf %max3A_2538, %min3A_2561 : vector<16x128xf32>
    %min3A_2563 = arith.minimumf %max3A_2538, %min3A_2561 : vector<16x128xf32>
    %max3A_2564 = arith.maximumf %max3A_2540, %min3A_2563 : vector<16x128xf32>
    %min3A_2565 = arith.minimumf %max3A_2540, %min3A_2563 : vector<16x128xf32>
    %max3A_2566 = arith.maximumf %max3A_2542, %min3A_2565 : vector<16x128xf32>
    %exp3A_2567 = math.exp %slice3A_2557 : vector<16x128xf32>
    %add3A_2568 = arith.addf %add3A_2544, %exp3A_2567 : vector<16x128xf32>
    %slice3A_2569 = vector.extract_strided_slice %get3A_3 {offsets = [0, 27904], sizes = [16, 128], strides = [1, 1]} : vector<16x32768xf32> to vector<16x128xf32>
    %max3A_2570 = arith.maximumf %max3A_2546, %slice3A_2569 : vector<16x128xf32>
    %min3A_2571 = arith.minimumf %max3A_2546, %slice3A_2569 : vector<16x128xf32>
    %max3A_2572 = arith.maximumf %max3A_2548, %min3A_2571 : vector<16x128xf32>
    %min3A_2573 = arith.minimumf %max3A_2548, %min3A_2571 : vector<16x128xf32>
    %max3A_2574 = arith.maximumf %max3A_2550, %min3A_2573 : vector<16x128xf32>
    %min3A_2575 = arith.minimumf %max3A_2550, %min3A_2573 : vector<16x128xf32>
    %max3A_2576 = arith.maximumf %max3A_2552, %min3A_2575 : vector<16x128xf32>
    %min3A_2577 = arith.minimumf %max3A_2552, %min3A_2575 : vector<16x128xf32>
    %max3A_2578 = arith.maximumf %max3A_2554, %min3A_2577 : vector<16x128xf32>
    %exp3A_2579 = math.exp %slice3A_2569 : vector<16x128xf32>
    %add3A_2580 = arith.addf %add3A_2556, %exp3A_2579 : vector<16x128xf32>
    %slice3A_2581 = vector.extract_strided_slice %get3A_3 {offsets = [0, 28032], sizes = [16, 128], strides = [1, 1]} : vector<16x32768xf32> to vector<16x128xf32>
    %max3A_2582 = arith.maximumf %max3A_2558, %slice3A_2581 : vector<16x128xf32>
    %min3A_2583 = arith.minimumf %max3A_2558, %slice3A_2581 : vector<16x128xf32>
    %max3A_2584 = arith.maximumf %max3A_2560, %min3A_2583 : vector<16x128xf32>
    %min3A_2585 = arith.minimumf %max3A_2560, %min3A_2583 : vector<16x128xf32>
    %max3A_2586 = arith.maximumf %max3A_2562, %min3A_2585 : vector<16x128xf32>
    %min3A_2587 = arith.minimumf %max3A_2562, %min3A_2585 : vector<16x128xf32>
    %max3A_2588 = arith.maximumf %max3A_2564, %min3A_2587 : vector<16x128xf32>
    %min3A_2589 = arith.minimumf %max3A_2564, %min3A_2587 : vector<16x128xf32>
    %max3A_2590 = arith.maximumf %max3A_2566, %min3A_2589 : vector<16x128xf32>
    %exp3A_2591 = math.exp %slice3A_2581 : vector<16x128xf32>
    %add3A_2592 = arith.addf %add3A_2568, %exp3A_2591 : vector<16x128xf32>
    %slice3A_2593 = vector.extract_strided_slice %get3A_3 {offsets = [0, 28160], sizes = [16, 128], strides = [1, 1]} : vector<16x32768xf32> to vector<16x128xf32>
    %max3A_2594 = arith.maximumf %max3A_2570, %slice3A_2593 : vector<16x128xf32>
    %min3A_2595 = arith.minimumf %max3A_2570, %slice3A_2593 : vector<16x128xf32>
    %max3A_2596 = arith.maximumf %max3A_2572, %min3A_2595 : vector<16x128xf32>
    %min3A_2597 = arith.minimumf %max3A_2572, %min3A_2595 : vector<16x128xf32>
    %max3A_2598 = arith.maximumf %max3A_2574, %min3A_2597 : vector<16x128xf32>
    %min3A_2599 = arith.minimumf %max3A_2574, %min3A_2597 : vector<16x128xf32>
    %max3A_2600 = arith.maximumf %max3A_2576, %min3A_2599 : vector<16x128xf32>
    %min3A_2601 = arith.minimumf %max3A_2576, %min3A_2599 : vector<16x128xf32>
    %max3A_2602 = arith.maximumf %max3A_2578, %min3A_2601 : vector<16x128xf32>
    %exp3A_2603 = math.exp %slice3A_2593 : vector<16x128xf32>
    %add3A_2604 = arith.addf %add3A_2580, %exp3A_2603 : vector<16x128xf32>
    %slice3A_2605 = vector.extract_strided_slice %get3A_3 {offsets = [0, 28288], sizes = [16, 128], strides = [1, 1]} : vector<16x32768xf32> to vector<16x128xf32>
    %max3A_2606 = arith.maximumf %max3A_2582, %slice3A_2605 : vector<16x128xf32>
    %min3A_2607 = arith.minimumf %max3A_2582, %slice3A_2605 : vector<16x128xf32>
    %max3A_2608 = arith.maximumf %max3A_2584, %min3A_2607 : vector<16x128xf32>
    %min3A_2609 = arith.minimumf %max3A_2584, %min3A_2607 : vector<16x128xf32>
    %max3A_2610 = arith.maximumf %max3A_2586, %min3A_2609 : vector<16x128xf32>
    %min3A_2611 = arith.minimumf %max3A_2586, %min3A_2609 : vector<16x128xf32>
    %max3A_2612 = arith.maximumf %max3A_2588, %min3A_2611 : vector<16x128xf32>
    %min3A_2613 = arith.minimumf %max3A_2588, %min3A_2611 : vector<16x128xf32>
    %max3A_2614 = arith.maximumf %max3A_2590, %min3A_2613 : vector<16x128xf32>
    %exp3A_2615 = math.exp %slice3A_2605 : vector<16x128xf32>
    %add3A_2616 = arith.addf %add3A_2592, %exp3A_2615 : vector<16x128xf32>
    %slice3A_2617 = vector.extract_strided_slice %get3A_3 {offsets = [0, 28416], sizes = [16, 128], strides = [1, 1]} : vector<16x32768xf32> to vector<16x128xf32>
    %max3A_2618 = arith.maximumf %max3A_2594, %slice3A_2617 : vector<16x128xf32>
    %min3A_2619 = arith.minimumf %max3A_2594, %slice3A_2617 : vector<16x128xf32>
    %max3A_2620 = arith.maximumf %max3A_2596, %min3A_2619 : vector<16x128xf32>
    %min3A_2621 = arith.minimumf %max3A_2596, %min3A_2619 : vector<16x128xf32>
    %max3A_2622 = arith.maximumf %max3A_2598, %min3A_2621 : vector<16x128xf32>
    %min3A_2623 = arith.minimumf %max3A_2598, %min3A_2621 : vector<16x128xf32>
    %max3A_2624 = arith.maximumf %max3A_2600, %min3A_2623 : vector<16x128xf32>
    %min3A_2625 = arith.minimumf %max3A_2600, %min3A_2623 : vector<16x128xf32>
    %max3A_2626 = arith.maximumf %max3A_2602, %min3A_2625 : vector<16x128xf32>
    %exp3A_2627 = math.exp %slice3A_2617 : vector<16x128xf32>
    %add3A_2628 = arith.addf %add3A_2604, %exp3A_2627 : vector<16x128xf32>
    %slice3A_2629 = vector.extract_strided_slice %get3A_3 {offsets = [0, 28544], sizes = [16, 128], strides = [1, 1]} : vector<16x32768xf32> to vector<16x128xf32>
    %max3A_2630 = arith.maximumf %max3A_2606, %slice3A_2629 : vector<16x128xf32>
    %min3A_2631 = arith.minimumf %max3A_2606, %slice3A_2629 : vector<16x128xf32>
    %max3A_2632 = arith.maximumf %max3A_2608, %min3A_2631 : vector<16x128xf32>
    %min3A_2633 = arith.minimumf %max3A_2608, %min3A_2631 : vector<16x128xf32>
    %max3A_2634 = arith.maximumf %max3A_2610, %min3A_2633 : vector<16x128xf32>
    %min3A_2635 = arith.minimumf %max3A_2610, %min3A_2633 : vector<16x128xf32>
    %max3A_2636 = arith.maximumf %max3A_2612, %min3A_2635 : vector<16x128xf32>
    %min3A_2637 = arith.minimumf %max3A_2612, %min3A_2635 : vector<16x128xf32>
    %max3A_2638 = arith.maximumf %max3A_2614, %min3A_2637 : vector<16x128xf32>
    %exp3A_2639 = math.exp %slice3A_2629 : vector<16x128xf32>
    %add3A_2640 = arith.addf %add3A_2616, %exp3A_2639 : vector<16x128xf32>
    %slice3A_2641 = vector.extract_strided_slice %get3A_3 {offsets = [0, 28672], sizes = [16, 128], strides = [1, 1]} : vector<16x32768xf32> to vector<16x128xf32>
    %max3A_2642 = arith.maximumf %max3A_2618, %slice3A_2641 : vector<16x128xf32>
    %min3A_2643 = arith.minimumf %max3A_2618, %slice3A_2641 : vector<16x128xf32>
    %max3A_2644 = arith.maximumf %max3A_2620, %min3A_2643 : vector<16x128xf32>
    %min3A_2645 = arith.minimumf %max3A_2620, %min3A_2643 : vector<16x128xf32>
    %max3A_2646 = arith.maximumf %max3A_2622, %min3A_2645 : vector<16x128xf32>
    %min3A_2647 = arith.minimumf %max3A_2622, %min3A_2645 : vector<16x128xf32>
    %max3A_2648 = arith.maximumf %max3A_2624, %min3A_2647 : vector<16x128xf32>
    %min3A_2649 = arith.minimumf %max3A_2624, %min3A_2647 : vector<16x128xf32>
    %max3A_2650 = arith.maximumf %max3A_2626, %min3A_2649 : vector<16x128xf32>
    %exp3A_2651 = math.exp %slice3A_2641 : vector<16x128xf32>
    %add3A_2652 = arith.addf %add3A_2628, %exp3A_2651 : vector<16x128xf32>
    %slice3A_2653 = vector.extract_strided_slice %get3A_3 {offsets = [0, 28800], sizes = [16, 128], strides = [1, 1]} : vector<16x32768xf32> to vector<16x128xf32>
    %max3A_2654 = arith.maximumf %max3A_2630, %slice3A_2653 : vector<16x128xf32>
    %min3A_2655 = arith.minimumf %max3A_2630, %slice3A_2653 : vector<16x128xf32>
    %max3A_2656 = arith.maximumf %max3A_2632, %min3A_2655 : vector<16x128xf32>
    %min3A_2657 = arith.minimumf %max3A_2632, %min3A_2655 : vector<16x128xf32>
    %max3A_2658 = arith.maximumf %max3A_2634, %min3A_2657 : vector<16x128xf32>
    %min3A_2659 = arith.minimumf %max3A_2634, %min3A_2657 : vector<16x128xf32>
    %max3A_2660 = arith.maximumf %max3A_2636, %min3A_2659 : vector<16x128xf32>
    %min3A_2661 = arith.minimumf %max3A_2636, %min3A_2659 : vector<16x128xf32>
    %max3A_2662 = arith.maximumf %max3A_2638, %min3A_2661 : vector<16x128xf32>
    %exp3A_2663 = math.exp %slice3A_2653 : vector<16x128xf32>
    %add3A_2664 = arith.addf %add3A_2640, %exp3A_2663 : vector<16x128xf32>
    %slice3A_2665 = vector.extract_strided_slice %get3A_3 {offsets = [0, 28928], sizes = [16, 128], strides = [1, 1]} : vector<16x32768xf32> to vector<16x128xf32>
    %max3A_2666 = arith.maximumf %max3A_2642, %slice3A_2665 : vector<16x128xf32>
    %min3A_2667 = arith.minimumf %max3A_2642, %slice3A_2665 : vector<16x128xf32>
    %max3A_2668 = arith.maximumf %max3A_2644, %min3A_2667 : vector<16x128xf32>
    %min3A_2669 = arith.minimumf %max3A_2644, %min3A_2667 : vector<16x128xf32>
    %max3A_2670 = arith.maximumf %max3A_2646, %min3A_2669 : vector<16x128xf32>
    %min3A_2671 = arith.minimumf %max3A_2646, %min3A_2669 : vector<16x128xf32>
    %max3A_2672 = arith.maximumf %max3A_2648, %min3A_2671 : vector<16x128xf32>
    %min3A_2673 = arith.minimumf %max3A_2648, %min3A_2671 : vector<16x128xf32>
    %max3A_2674 = arith.maximumf %max3A_2650, %min3A_2673 : vector<16x128xf32>
    %exp3A_2675 = math.exp %slice3A_2665 : vector<16x128xf32>
    %add3A_2676 = arith.addf %add3A_2652, %exp3A_2675 : vector<16x128xf32>
    %slice3A_2677 = vector.extract_strided_slice %get3A_3 {offsets = [0, 29056], sizes = [16, 128], strides = [1, 1]} : vector<16x32768xf32> to vector<16x128xf32>
    %max3A_2678 = arith.maximumf %max3A_2654, %slice3A_2677 : vector<16x128xf32>
    %min3A_2679 = arith.minimumf %max3A_2654, %slice3A_2677 : vector<16x128xf32>
    %max3A_2680 = arith.maximumf %max3A_2656, %min3A_2679 : vector<16x128xf32>
    %min3A_2681 = arith.minimumf %max3A_2656, %min3A_2679 : vector<16x128xf32>
    %max3A_2682 = arith.maximumf %max3A_2658, %min3A_2681 : vector<16x128xf32>
    %min3A_2683 = arith.minimumf %max3A_2658, %min3A_2681 : vector<16x128xf32>
    %max3A_2684 = arith.maximumf %max3A_2660, %min3A_2683 : vector<16x128xf32>
    %min3A_2685 = arith.minimumf %max3A_2660, %min3A_2683 : vector<16x128xf32>
    %max3A_2686 = arith.maximumf %max3A_2662, %min3A_2685 : vector<16x128xf32>
    %exp3A_2687 = math.exp %slice3A_2677 : vector<16x128xf32>
    %add3A_2688 = arith.addf %add3A_2664, %exp3A_2687 : vector<16x128xf32>
    %slice3A_2689 = vector.extract_strided_slice %get3A_3 {offsets = [0, 29184], sizes = [16, 128], strides = [1, 1]} : vector<16x32768xf32> to vector<16x128xf32>
    %max3A_2690 = arith.maximumf %max3A_2666, %slice3A_2689 : vector<16x128xf32>
    %min3A_2691 = arith.minimumf %max3A_2666, %slice3A_2689 : vector<16x128xf32>
    %max3A_2692 = arith.maximumf %max3A_2668, %min3A_2691 : vector<16x128xf32>
    %min3A_2693 = arith.minimumf %max3A_2668, %min3A_2691 : vector<16x128xf32>
    %max3A_2694 = arith.maximumf %max3A_2670, %min3A_2693 : vector<16x128xf32>
    %min3A_2695 = arith.minimumf %max3A_2670, %min3A_2693 : vector<16x128xf32>
    %max3A_2696 = arith.maximumf %max3A_2672, %min3A_2695 : vector<16x128xf32>
    %min3A_2697 = arith.minimumf %max3A_2672, %min3A_2695 : vector<16x128xf32>
    %max3A_2698 = arith.maximumf %max3A_2674, %min3A_2697 : vector<16x128xf32>
    %exp3A_2699 = math.exp %slice3A_2689 : vector<16x128xf32>
    %add3A_2700 = arith.addf %add3A_2676, %exp3A_2699 : vector<16x128xf32>
    %slice3A_2701 = vector.extract_strided_slice %get3A_3 {offsets = [0, 29312], sizes = [16, 128], strides = [1, 1]} : vector<16x32768xf32> to vector<16x128xf32>
    %max3A_2702 = arith.maximumf %max3A_2678, %slice3A_2701 : vector<16x128xf32>
    %min3A_2703 = arith.minimumf %max3A_2678, %slice3A_2701 : vector<16x128xf32>
    %max3A_2704 = arith.maximumf %max3A_2680, %min3A_2703 : vector<16x128xf32>
    %min3A_2705 = arith.minimumf %max3A_2680, %min3A_2703 : vector<16x128xf32>
    %max3A_2706 = arith.maximumf %max3A_2682, %min3A_2705 : vector<16x128xf32>
    %min3A_2707 = arith.minimumf %max3A_2682, %min3A_2705 : vector<16x128xf32>
    %max3A_2708 = arith.maximumf %max3A_2684, %min3A_2707 : vector<16x128xf32>
    %min3A_2709 = arith.minimumf %max3A_2684, %min3A_2707 : vector<16x128xf32>
    %max3A_2710 = arith.maximumf %max3A_2686, %min3A_2709 : vector<16x128xf32>
    %exp3A_2711 = math.exp %slice3A_2701 : vector<16x128xf32>
    %add3A_2712 = arith.addf %add3A_2688, %exp3A_2711 : vector<16x128xf32>
    %slice3A_2713 = vector.extract_strided_slice %get3A_3 {offsets = [0, 29440], sizes = [16, 128], strides = [1, 1]} : vector<16x32768xf32> to vector<16x128xf32>
    %max3A_2714 = arith.maximumf %max3A_2690, %slice3A_2713 : vector<16x128xf32>
    %min3A_2715 = arith.minimumf %max3A_2690, %slice3A_2713 : vector<16x128xf32>
    %max3A_2716 = arith.maximumf %max3A_2692, %min3A_2715 : vector<16x128xf32>
    %min3A_2717 = arith.minimumf %max3A_2692, %min3A_2715 : vector<16x128xf32>
    %max3A_2718 = arith.maximumf %max3A_2694, %min3A_2717 : vector<16x128xf32>
    %min3A_2719 = arith.minimumf %max3A_2694, %min3A_2717 : vector<16x128xf32>
    %max3A_2720 = arith.maximumf %max3A_2696, %min3A_2719 : vector<16x128xf32>
    %min3A_2721 = arith.minimumf %max3A_2696, %min3A_2719 : vector<16x128xf32>
    %max3A_2722 = arith.maximumf %max3A_2698, %min3A_2721 : vector<16x128xf32>
    %exp3A_2723 = math.exp %slice3A_2713 : vector<16x128xf32>
    %add3A_2724 = arith.addf %add3A_2700, %exp3A_2723 : vector<16x128xf32>
    %slice3A_2725 = vector.extract_strided_slice %get3A_3 {offsets = [0, 29568], sizes = [16, 128], strides = [1, 1]} : vector<16x32768xf32> to vector<16x128xf32>
    %max3A_2726 = arith.maximumf %max3A_2702, %slice3A_2725 : vector<16x128xf32>
    %min3A_2727 = arith.minimumf %max3A_2702, %slice3A_2725 : vector<16x128xf32>
    %max3A_2728 = arith.maximumf %max3A_2704, %min3A_2727 : vector<16x128xf32>
    %min3A_2729 = arith.minimumf %max3A_2704, %min3A_2727 : vector<16x128xf32>
    %max3A_2730 = arith.maximumf %max3A_2706, %min3A_2729 : vector<16x128xf32>
    %min3A_2731 = arith.minimumf %max3A_2706, %min3A_2729 : vector<16x128xf32>
    %max3A_2732 = arith.maximumf %max3A_2708, %min3A_2731 : vector<16x128xf32>
    %min3A_2733 = arith.minimumf %max3A_2708, %min3A_2731 : vector<16x128xf32>
    %max3A_2734 = arith.maximumf %max3A_2710, %min3A_2733 : vector<16x128xf32>
    %exp3A_2735 = math.exp %slice3A_2725 : vector<16x128xf32>
    %add3A_2736 = arith.addf %add3A_2712, %exp3A_2735 : vector<16x128xf32>
    %slice3A_2737 = vector.extract_strided_slice %get3A_3 {offsets = [0, 29696], sizes = [16, 128], strides = [1, 1]} : vector<16x32768xf32> to vector<16x128xf32>
    %max3A_2738 = arith.maximumf %max3A_2714, %slice3A_2737 : vector<16x128xf32>
    %min3A_2739 = arith.minimumf %max3A_2714, %slice3A_2737 : vector<16x128xf32>
    %max3A_2740 = arith.maximumf %max3A_2716, %min3A_2739 : vector<16x128xf32>
    %min3A_2741 = arith.minimumf %max3A_2716, %min3A_2739 : vector<16x128xf32>
    %max3A_2742 = arith.maximumf %max3A_2718, %min3A_2741 : vector<16x128xf32>
    %min3A_2743 = arith.minimumf %max3A_2718, %min3A_2741 : vector<16x128xf32>
    %max3A_2744 = arith.maximumf %max3A_2720, %min3A_2743 : vector<16x128xf32>
    %min3A_2745 = arith.minimumf %max3A_2720, %min3A_2743 : vector<16x128xf32>
    %max3A_2746 = arith.maximumf %max3A_2722, %min3A_2745 : vector<16x128xf32>
    %exp3A_2747 = math.exp %slice3A_2737 : vector<16x128xf32>
    %add3A_2748 = arith.addf %add3A_2724, %exp3A_2747 : vector<16x128xf32>
    %slice3A_2749 = vector.extract_strided_slice %get3A_3 {offsets = [0, 29824], sizes = [16, 128], strides = [1, 1]} : vector<16x32768xf32> to vector<16x128xf32>
    %max3A_2750 = arith.maximumf %max3A_2726, %slice3A_2749 : vector<16x128xf32>
    %min3A_2751 = arith.minimumf %max3A_2726, %slice3A_2749 : vector<16x128xf32>
    %max3A_2752 = arith.maximumf %max3A_2728, %min3A_2751 : vector<16x128xf32>
    %min3A_2753 = arith.minimumf %max3A_2728, %min3A_2751 : vector<16x128xf32>
    %max3A_2754 = arith.maximumf %max3A_2730, %min3A_2753 : vector<16x128xf32>
    %min3A_2755 = arith.minimumf %max3A_2730, %min3A_2753 : vector<16x128xf32>
    %max3A_2756 = arith.maximumf %max3A_2732, %min3A_2755 : vector<16x128xf32>
    %min3A_2757 = arith.minimumf %max3A_2732, %min3A_2755 : vector<16x128xf32>
    %max3A_2758 = arith.maximumf %max3A_2734, %min3A_2757 : vector<16x128xf32>
    %exp3A_2759 = math.exp %slice3A_2749 : vector<16x128xf32>
    %add3A_2760 = arith.addf %add3A_2736, %exp3A_2759 : vector<16x128xf32>
    %slice3A_2761 = vector.extract_strided_slice %get3A_3 {offsets = [0, 29952], sizes = [16, 128], strides = [1, 1]} : vector<16x32768xf32> to vector<16x128xf32>
    %max3A_2762 = arith.maximumf %max3A_2738, %slice3A_2761 : vector<16x128xf32>
    %min3A_2763 = arith.minimumf %max3A_2738, %slice3A_2761 : vector<16x128xf32>
    %max3A_2764 = arith.maximumf %max3A_2740, %min3A_2763 : vector<16x128xf32>
    %min3A_2765 = arith.minimumf %max3A_2740, %min3A_2763 : vector<16x128xf32>
    %max3A_2766 = arith.maximumf %max3A_2742, %min3A_2765 : vector<16x128xf32>
    %min3A_2767 = arith.minimumf %max3A_2742, %min3A_2765 : vector<16x128xf32>
    %max3A_2768 = arith.maximumf %max3A_2744, %min3A_2767 : vector<16x128xf32>
    %min3A_2769 = arith.minimumf %max3A_2744, %min3A_2767 : vector<16x128xf32>
    %max3A_2770 = arith.maximumf %max3A_2746, %min3A_2769 : vector<16x128xf32>
    %exp3A_2771 = math.exp %slice3A_2761 : vector<16x128xf32>
    %add3A_2772 = arith.addf %add3A_2748, %exp3A_2771 : vector<16x128xf32>
    %slice3A_2773 = vector.extract_strided_slice %get3A_3 {offsets = [0, 30080], sizes = [16, 128], strides = [1, 1]} : vector<16x32768xf32> to vector<16x128xf32>
    %max3A_2774 = arith.maximumf %max3A_2750, %slice3A_2773 : vector<16x128xf32>
    %min3A_2775 = arith.minimumf %max3A_2750, %slice3A_2773 : vector<16x128xf32>
    %max3A_2776 = arith.maximumf %max3A_2752, %min3A_2775 : vector<16x128xf32>
    %min3A_2777 = arith.minimumf %max3A_2752, %min3A_2775 : vector<16x128xf32>
    %max3A_2778 = arith.maximumf %max3A_2754, %min3A_2777 : vector<16x128xf32>
    %min3A_2779 = arith.minimumf %max3A_2754, %min3A_2777 : vector<16x128xf32>
    %max3A_2780 = arith.maximumf %max3A_2756, %min3A_2779 : vector<16x128xf32>
    %min3A_2781 = arith.minimumf %max3A_2756, %min3A_2779 : vector<16x128xf32>
    %max3A_2782 = arith.maximumf %max3A_2758, %min3A_2781 : vector<16x128xf32>
    %exp3A_2783 = math.exp %slice3A_2773 : vector<16x128xf32>
    %add3A_2784 = arith.addf %add3A_2760, %exp3A_2783 : vector<16x128xf32>
    %slice3A_2785 = vector.extract_strided_slice %get3A_3 {offsets = [0, 30208], sizes = [16, 128], strides = [1, 1]} : vector<16x32768xf32> to vector<16x128xf32>
    %max3A_2786 = arith.maximumf %max3A_2762, %slice3A_2785 : vector<16x128xf32>
    %min3A_2787 = arith.minimumf %max3A_2762, %slice3A_2785 : vector<16x128xf32>
    %max3A_2788 = arith.maximumf %max3A_2764, %min3A_2787 : vector<16x128xf32>
    %min3A_2789 = arith.minimumf %max3A_2764, %min3A_2787 : vector<16x128xf32>
    %max3A_2790 = arith.maximumf %max3A_2766, %min3A_2789 : vector<16x128xf32>
    %min3A_2791 = arith.minimumf %max3A_2766, %min3A_2789 : vector<16x128xf32>
    %max3A_2792 = arith.maximumf %max3A_2768, %min3A_2791 : vector<16x128xf32>
    %min3A_2793 = arith.minimumf %max3A_2768, %min3A_2791 : vector<16x128xf32>
    %max3A_2794 = arith.maximumf %max3A_2770, %min3A_2793 : vector<16x128xf32>
    %exp3A_2795 = math.exp %slice3A_2785 : vector<16x128xf32>
    %add3A_2796 = arith.addf %add3A_2772, %exp3A_2795 : vector<16x128xf32>
    %slice3A_2797 = vector.extract_strided_slice %get3A_3 {offsets = [0, 30336], sizes = [16, 128], strides = [1, 1]} : vector<16x32768xf32> to vector<16x128xf32>
    %max3A_2798 = arith.maximumf %max3A_2774, %slice3A_2797 : vector<16x128xf32>
    %min3A_2799 = arith.minimumf %max3A_2774, %slice3A_2797 : vector<16x128xf32>
    %max3A_2800 = arith.maximumf %max3A_2776, %min3A_2799 : vector<16x128xf32>
    %min3A_2801 = arith.minimumf %max3A_2776, %min3A_2799 : vector<16x128xf32>
    %max3A_2802 = arith.maximumf %max3A_2778, %min3A_2801 : vector<16x128xf32>
    %min3A_2803 = arith.minimumf %max3A_2778, %min3A_2801 : vector<16x128xf32>
    %max3A_2804 = arith.maximumf %max3A_2780, %min3A_2803 : vector<16x128xf32>
    %min3A_2805 = arith.minimumf %max3A_2780, %min3A_2803 : vector<16x128xf32>
    %max3A_2806 = arith.maximumf %max3A_2782, %min3A_2805 : vector<16x128xf32>
    %exp3A_2807 = math.exp %slice3A_2797 : vector<16x128xf32>
    %add3A_2808 = arith.addf %add3A_2784, %exp3A_2807 : vector<16x128xf32>
    %slice3A_2809 = vector.extract_strided_slice %get3A_3 {offsets = [0, 30464], sizes = [16, 128], strides = [1, 1]} : vector<16x32768xf32> to vector<16x128xf32>
    %max3A_2810 = arith.maximumf %max3A_2786, %slice3A_2809 : vector<16x128xf32>
    %min3A_2811 = arith.minimumf %max3A_2786, %slice3A_2809 : vector<16x128xf32>
    %max3A_2812 = arith.maximumf %max3A_2788, %min3A_2811 : vector<16x128xf32>
    %min3A_2813 = arith.minimumf %max3A_2788, %min3A_2811 : vector<16x128xf32>
    %max3A_2814 = arith.maximumf %max3A_2790, %min3A_2813 : vector<16x128xf32>
    %min3A_2815 = arith.minimumf %max3A_2790, %min3A_2813 : vector<16x128xf32>
    %max3A_2816 = arith.maximumf %max3A_2792, %min3A_2815 : vector<16x128xf32>
    %min3A_2817 = arith.minimumf %max3A_2792, %min3A_2815 : vector<16x128xf32>
    %max3A_2818 = arith.maximumf %max3A_2794, %min3A_2817 : vector<16x128xf32>
    %exp3A_2819 = math.exp %slice3A_2809 : vector<16x128xf32>
    %add3A_2820 = arith.addf %add3A_2796, %exp3A_2819 : vector<16x128xf32>
    %slice3A_2821 = vector.extract_strided_slice %get3A_3 {offsets = [0, 30592], sizes = [16, 128], strides = [1, 1]} : vector<16x32768xf32> to vector<16x128xf32>
    %max3A_2822 = arith.maximumf %max3A_2798, %slice3A_2821 : vector<16x128xf32>
    %min3A_2823 = arith.minimumf %max3A_2798, %slice3A_2821 : vector<16x128xf32>
    %max3A_2824 = arith.maximumf %max3A_2800, %min3A_2823 : vector<16x128xf32>
    %min3A_2825 = arith.minimumf %max3A_2800, %min3A_2823 : vector<16x128xf32>
    %max3A_2826 = arith.maximumf %max3A_2802, %min3A_2825 : vector<16x128xf32>
    %min3A_2827 = arith.minimumf %max3A_2802, %min3A_2825 : vector<16x128xf32>
    %max3A_2828 = arith.maximumf %max3A_2804, %min3A_2827 : vector<16x128xf32>
    %min3A_2829 = arith.minimumf %max3A_2804, %min3A_2827 : vector<16x128xf32>
    %max3A_2830 = arith.maximumf %max3A_2806, %min3A_2829 : vector<16x128xf32>
    %exp3A_2831 = math.exp %slice3A_2821 : vector<16x128xf32>
    %add3A_2832 = arith.addf %add3A_2808, %exp3A_2831 : vector<16x128xf32>
    %slice3A_2833 = vector.extract_strided_slice %get3A_3 {offsets = [0, 30720], sizes = [16, 128], strides = [1, 1]} : vector<16x32768xf32> to vector<16x128xf32>
    %max3A_2834 = arith.maximumf %max3A_2810, %slice3A_2833 : vector<16x128xf32>
    %min3A_2835 = arith.minimumf %max3A_2810, %slice3A_2833 : vector<16x128xf32>
    %max3A_2836 = arith.maximumf %max3A_2812, %min3A_2835 : vector<16x128xf32>
    %min3A_2837 = arith.minimumf %max3A_2812, %min3A_2835 : vector<16x128xf32>
    %max3A_2838 = arith.maximumf %max3A_2814, %min3A_2837 : vector<16x128xf32>
    %min3A_2839 = arith.minimumf %max3A_2814, %min3A_2837 : vector<16x128xf32>
    %max3A_2840 = arith.maximumf %max3A_2816, %min3A_2839 : vector<16x128xf32>
    %min3A_2841 = arith.minimumf %max3A_2816, %min3A_2839 : vector<16x128xf32>
    %max3A_2842 = arith.maximumf %max3A_2818, %min3A_2841 : vector<16x128xf32>
    %exp3A_2843 = math.exp %slice3A_2833 : vector<16x128xf32>
    %add3A_2844 = arith.addf %add3A_2820, %exp3A_2843 : vector<16x128xf32>
    %slice3A_2845 = vector.extract_strided_slice %get3A_3 {offsets = [0, 30848], sizes = [16, 128], strides = [1, 1]} : vector<16x32768xf32> to vector<16x128xf32>
    %max3A_2846 = arith.maximumf %max3A_2822, %slice3A_2845 : vector<16x128xf32>
    %min3A_2847 = arith.minimumf %max3A_2822, %slice3A_2845 : vector<16x128xf32>
    %max3A_2848 = arith.maximumf %max3A_2824, %min3A_2847 : vector<16x128xf32>
    %min3A_2849 = arith.minimumf %max3A_2824, %min3A_2847 : vector<16x128xf32>
    %max3A_2850 = arith.maximumf %max3A_2826, %min3A_2849 : vector<16x128xf32>
    %min3A_2851 = arith.minimumf %max3A_2826, %min3A_2849 : vector<16x128xf32>
    %max3A_2852 = arith.maximumf %max3A_2828, %min3A_2851 : vector<16x128xf32>
    %min3A_2853 = arith.minimumf %max3A_2828, %min3A_2851 : vector<16x128xf32>
    %max3A_2854 = arith.maximumf %max3A_2830, %min3A_2853 : vector<16x128xf32>
    %exp3A_2855 = math.exp %slice3A_2845 : vector<16x128xf32>
    %add3A_2856 = arith.addf %add3A_2832, %exp3A_2855 : vector<16x128xf32>
    %slice3A_2857 = vector.extract_strided_slice %get3A_3 {offsets = [0, 30976], sizes = [16, 128], strides = [1, 1]} : vector<16x32768xf32> to vector<16x128xf32>
    %max3A_2858 = arith.maximumf %max3A_2834, %slice3A_2857 : vector<16x128xf32>
    %min3A_2859 = arith.minimumf %max3A_2834, %slice3A_2857 : vector<16x128xf32>
    %max3A_2860 = arith.maximumf %max3A_2836, %min3A_2859 : vector<16x128xf32>
    %min3A_2861 = arith.minimumf %max3A_2836, %min3A_2859 : vector<16x128xf32>
    %max3A_2862 = arith.maximumf %max3A_2838, %min3A_2861 : vector<16x128xf32>
    %min3A_2863 = arith.minimumf %max3A_2838, %min3A_2861 : vector<16x128xf32>
    %max3A_2864 = arith.maximumf %max3A_2840, %min3A_2863 : vector<16x128xf32>
    %min3A_2865 = arith.minimumf %max3A_2840, %min3A_2863 : vector<16x128xf32>
    %max3A_2866 = arith.maximumf %max3A_2842, %min3A_2865 : vector<16x128xf32>
    %exp3A_2867 = math.exp %slice3A_2857 : vector<16x128xf32>
    %add3A_2868 = arith.addf %add3A_2844, %exp3A_2867 : vector<16x128xf32>
    %slice3A_2869 = vector.extract_strided_slice %get3A_3 {offsets = [0, 31104], sizes = [16, 128], strides = [1, 1]} : vector<16x32768xf32> to vector<16x128xf32>
    %max3A_2870 = arith.maximumf %max3A_2846, %slice3A_2869 : vector<16x128xf32>
    %min3A_2871 = arith.minimumf %max3A_2846, %slice3A_2869 : vector<16x128xf32>
    %max3A_2872 = arith.maximumf %max3A_2848, %min3A_2871 : vector<16x128xf32>
    %min3A_2873 = arith.minimumf %max3A_2848, %min3A_2871 : vector<16x128xf32>
    %max3A_2874 = arith.maximumf %max3A_2850, %min3A_2873 : vector<16x128xf32>
    %min3A_2875 = arith.minimumf %max3A_2850, %min3A_2873 : vector<16x128xf32>
    %max3A_2876 = arith.maximumf %max3A_2852, %min3A_2875 : vector<16x128xf32>
    %min3A_2877 = arith.minimumf %max3A_2852, %min3A_2875 : vector<16x128xf32>
    %max3A_2878 = arith.maximumf %max3A_2854, %min3A_2877 : vector<16x128xf32>
    %exp3A_2879 = math.exp %slice3A_2869 : vector<16x128xf32>
    %add3A_2880 = arith.addf %add3A_2856, %exp3A_2879 : vector<16x128xf32>
    %slice3A_2881 = vector.extract_strided_slice %get3A_3 {offsets = [0, 31232], sizes = [16, 128], strides = [1, 1]} : vector<16x32768xf32> to vector<16x128xf32>
    %max3A_2882 = arith.maximumf %max3A_2858, %slice3A_2881 : vector<16x128xf32>
    %min3A_2883 = arith.minimumf %max3A_2858, %slice3A_2881 : vector<16x128xf32>
    %max3A_2884 = arith.maximumf %max3A_2860, %min3A_2883 : vector<16x128xf32>
    %min3A_2885 = arith.minimumf %max3A_2860, %min3A_2883 : vector<16x128xf32>
    %max3A_2886 = arith.maximumf %max3A_2862, %min3A_2885 : vector<16x128xf32>
    %min3A_2887 = arith.minimumf %max3A_2862, %min3A_2885 : vector<16x128xf32>
    %max3A_2888 = arith.maximumf %max3A_2864, %min3A_2887 : vector<16x128xf32>
    %min3A_2889 = arith.minimumf %max3A_2864, %min3A_2887 : vector<16x128xf32>
    %max3A_2890 = arith.maximumf %max3A_2866, %min3A_2889 : vector<16x128xf32>
    %exp3A_2891 = math.exp %slice3A_2881 : vector<16x128xf32>
    %add3A_2892 = arith.addf %add3A_2868, %exp3A_2891 : vector<16x128xf32>
    %slice3A_2893 = vector.extract_strided_slice %get3A_3 {offsets = [0, 31360], sizes = [16, 128], strides = [1, 1]} : vector<16x32768xf32> to vector<16x128xf32>
    %max3A_2894 = arith.maximumf %max3A_2870, %slice3A_2893 : vector<16x128xf32>
    %min3A_2895 = arith.minimumf %max3A_2870, %slice3A_2893 : vector<16x128xf32>
    %max3A_2896 = arith.maximumf %max3A_2872, %min3A_2895 : vector<16x128xf32>
    %min3A_2897 = arith.minimumf %max3A_2872, %min3A_2895 : vector<16x128xf32>
    %max3A_2898 = arith.maximumf %max3A_2874, %min3A_2897 : vector<16x128xf32>
    %min3A_2899 = arith.minimumf %max3A_2874, %min3A_2897 : vector<16x128xf32>
    %max3A_2900 = arith.maximumf %max3A_2876, %min3A_2899 : vector<16x128xf32>
    %min3A_2901 = arith.minimumf %max3A_2876, %min3A_2899 : vector<16x128xf32>
    %max3A_2902 = arith.maximumf %max3A_2878, %min3A_2901 : vector<16x128xf32>
    %exp3A_2903 = math.exp %slice3A_2893 : vector<16x128xf32>
    %add3A_2904 = arith.addf %add3A_2880, %exp3A_2903 : vector<16x128xf32>
    %slice3A_2905 = vector.extract_strided_slice %get3A_3 {offsets = [0, 31488], sizes = [16, 128], strides = [1, 1]} : vector<16x32768xf32> to vector<16x128xf32>
    %max3A_2906 = arith.maximumf %max3A_2882, %slice3A_2905 : vector<16x128xf32>
    %min3A_2907 = arith.minimumf %max3A_2882, %slice3A_2905 : vector<16x128xf32>
    %max3A_2908 = arith.maximumf %max3A_2884, %min3A_2907 : vector<16x128xf32>
    %min3A_2909 = arith.minimumf %max3A_2884, %min3A_2907 : vector<16x128xf32>
    %max3A_2910 = arith.maximumf %max3A_2886, %min3A_2909 : vector<16x128xf32>
    %min3A_2911 = arith.minimumf %max3A_2886, %min3A_2909 : vector<16x128xf32>
    %max3A_2912 = arith.maximumf %max3A_2888, %min3A_2911 : vector<16x128xf32>
    %min3A_2913 = arith.minimumf %max3A_2888, %min3A_2911 : vector<16x128xf32>
    %max3A_2914 = arith.maximumf %max3A_2890, %min3A_2913 : vector<16x128xf32>
    %exp3A_2915 = math.exp %slice3A_2905 : vector<16x128xf32>
    %add3A_2916 = arith.addf %add3A_2892, %exp3A_2915 : vector<16x128xf32>
    %slice3A_2917 = vector.extract_strided_slice %get3A_3 {offsets = [0, 31616], sizes = [16, 128], strides = [1, 1]} : vector<16x32768xf32> to vector<16x128xf32>
    %max3A_2918 = arith.maximumf %max3A_2894, %slice3A_2917 : vector<16x128xf32>
    %min3A_2919 = arith.minimumf %max3A_2894, %slice3A_2917 : vector<16x128xf32>
    %max3A_2920 = arith.maximumf %max3A_2896, %min3A_2919 : vector<16x128xf32>
    %min3A_2921 = arith.minimumf %max3A_2896, %min3A_2919 : vector<16x128xf32>
    %max3A_2922 = arith.maximumf %max3A_2898, %min3A_2921 : vector<16x128xf32>
    %min3A_2923 = arith.minimumf %max3A_2898, %min3A_2921 : vector<16x128xf32>
    %max3A_2924 = arith.maximumf %max3A_2900, %min3A_2923 : vector<16x128xf32>
    %min3A_2925 = arith.minimumf %max3A_2900, %min3A_2923 : vector<16x128xf32>
    %max3A_2926 = arith.maximumf %max3A_2902, %min3A_2925 : vector<16x128xf32>
    %exp3A_2927 = math.exp %slice3A_2917 : vector<16x128xf32>
    %add3A_2928 = arith.addf %add3A_2904, %exp3A_2927 : vector<16x128xf32>
    %slice3A_2929 = vector.extract_strided_slice %get3A_3 {offsets = [0, 31744], sizes = [16, 128], strides = [1, 1]} : vector<16x32768xf32> to vector<16x128xf32>
    %max3A_2930 = arith.maximumf %max3A_2906, %slice3A_2929 : vector<16x128xf32>
    %min3A_2931 = arith.minimumf %max3A_2906, %slice3A_2929 : vector<16x128xf32>
    %max3A_2932 = arith.maximumf %max3A_2908, %min3A_2931 : vector<16x128xf32>
    %min3A_2933 = arith.minimumf %max3A_2908, %min3A_2931 : vector<16x128xf32>
    %max3A_2934 = arith.maximumf %max3A_2910, %min3A_2933 : vector<16x128xf32>
    %min3A_2935 = arith.minimumf %max3A_2910, %min3A_2933 : vector<16x128xf32>
    %max3A_2936 = arith.maximumf %max3A_2912, %min3A_2935 : vector<16x128xf32>
    %min3A_2937 = arith.minimumf %max3A_2912, %min3A_2935 : vector<16x128xf32>
    %max3A_2938 = arith.maximumf %max3A_2914, %min3A_2937 : vector<16x128xf32>
    %exp3A_2939 = math.exp %slice3A_2929 : vector<16x128xf32>
    %add3A_2940 = arith.addf %add3A_2916, %exp3A_2939 : vector<16x128xf32>
    %slice3A_2941 = vector.extract_strided_slice %get3A_3 {offsets = [0, 31872], sizes = [16, 128], strides = [1, 1]} : vector<16x32768xf32> to vector<16x128xf32>
    %max3A_2942 = arith.maximumf %max3A_2918, %slice3A_2941 : vector<16x128xf32>
    %min3A_2943 = arith.minimumf %max3A_2918, %slice3A_2941 : vector<16x128xf32>
    %max3A_2944 = arith.maximumf %max3A_2920, %min3A_2943 : vector<16x128xf32>
    %min3A_2945 = arith.minimumf %max3A_2920, %min3A_2943 : vector<16x128xf32>
    %max3A_2946 = arith.maximumf %max3A_2922, %min3A_2945 : vector<16x128xf32>
    %min3A_2947 = arith.minimumf %max3A_2922, %min3A_2945 : vector<16x128xf32>
    %max3A_2948 = arith.maximumf %max3A_2924, %min3A_2947 : vector<16x128xf32>
    %min3A_2949 = arith.minimumf %max3A_2924, %min3A_2947 : vector<16x128xf32>
    %max3A_2950 = arith.maximumf %max3A_2926, %min3A_2949 : vector<16x128xf32>
    %exp3A_2951 = math.exp %slice3A_2941 : vector<16x128xf32>
    %add3A_2952 = arith.addf %add3A_2928, %exp3A_2951 : vector<16x128xf32>
    %slice3A_2953 = vector.extract_strided_slice %get3A_3 {offsets = [0, 32000], sizes = [16, 128], strides = [1, 1]} : vector<16x32768xf32> to vector<16x128xf32>
    %max3A_2954 = arith.maximumf %max3A_2930, %slice3A_2953 : vector<16x128xf32>
    %min3A_2955 = arith.minimumf %max3A_2930, %slice3A_2953 : vector<16x128xf32>
    %max3A_2956 = arith.maximumf %max3A_2932, %min3A_2955 : vector<16x128xf32>
    %min3A_2957 = arith.minimumf %max3A_2932, %min3A_2955 : vector<16x128xf32>
    %max3A_2958 = arith.maximumf %max3A_2934, %min3A_2957 : vector<16x128xf32>
    %min3A_2959 = arith.minimumf %max3A_2934, %min3A_2957 : vector<16x128xf32>
    %max3A_2960 = arith.maximumf %max3A_2936, %min3A_2959 : vector<16x128xf32>
    %min3A_2961 = arith.minimumf %max3A_2936, %min3A_2959 : vector<16x128xf32>
    %max3A_2962 = arith.maximumf %max3A_2938, %min3A_2961 : vector<16x128xf32>
    %exp3A_2963 = math.exp %slice3A_2953 : vector<16x128xf32>
    %add3A_2964 = arith.addf %add3A_2940, %exp3A_2963 : vector<16x128xf32>
    %slice3A_2965 = vector.extract_strided_slice %get3A_3 {offsets = [0, 32128], sizes = [16, 128], strides = [1, 1]} : vector<16x32768xf32> to vector<16x128xf32>
    %max3A_2966 = arith.maximumf %max3A_2942, %slice3A_2965 : vector<16x128xf32>
    %min3A_2967 = arith.minimumf %max3A_2942, %slice3A_2965 : vector<16x128xf32>
    %max3A_2968 = arith.maximumf %max3A_2944, %min3A_2967 : vector<16x128xf32>
    %min3A_2969 = arith.minimumf %max3A_2944, %min3A_2967 : vector<16x128xf32>
    %max3A_2970 = arith.maximumf %max3A_2946, %min3A_2969 : vector<16x128xf32>
    %min3A_2971 = arith.minimumf %max3A_2946, %min3A_2969 : vector<16x128xf32>
    %max3A_2972 = arith.maximumf %max3A_2948, %min3A_2971 : vector<16x128xf32>
    %min3A_2973 = arith.minimumf %max3A_2948, %min3A_2971 : vector<16x128xf32>
    %max3A_2974 = arith.maximumf %max3A_2950, %min3A_2973 : vector<16x128xf32>
    %exp3A_2975 = math.exp %slice3A_2965 : vector<16x128xf32>
    %add3A_2976 = arith.addf %add3A_2952, %exp3A_2975 : vector<16x128xf32>
    %slice3A_2977 = vector.extract_strided_slice %get3A_3 {offsets = [0, 32256], sizes = [16, 128], strides = [1, 1]} : vector<16x32768xf32> to vector<16x128xf32>
    %max3A_2978 = arith.maximumf %max3A_2954, %slice3A_2977 : vector<16x128xf32>
    %min3A_2979 = arith.minimumf %max3A_2954, %slice3A_2977 : vector<16x128xf32>
    %max3A_2980 = arith.maximumf %max3A_2956, %min3A_2979 : vector<16x128xf32>
    %min3A_2981 = arith.minimumf %max3A_2956, %min3A_2979 : vector<16x128xf32>
    %max3A_2982 = arith.maximumf %max3A_2958, %min3A_2981 : vector<16x128xf32>
    %min3A_2983 = arith.minimumf %max3A_2958, %min3A_2981 : vector<16x128xf32>
    %max3A_2984 = arith.maximumf %max3A_2960, %min3A_2983 : vector<16x128xf32>
    %min3A_2985 = arith.minimumf %max3A_2960, %min3A_2983 : vector<16x128xf32>
    %max3A_2986 = arith.maximumf %max3A_2962, %min3A_2985 : vector<16x128xf32>
    %exp3A_2987 = math.exp %slice3A_2977 : vector<16x128xf32>
    %add3A_2988 = arith.addf %add3A_2964, %exp3A_2987 : vector<16x128xf32>
    %slice3A_2989 = vector.extract_strided_slice %get3A_3 {offsets = [0, 32384], sizes = [16, 128], strides = [1, 1]} : vector<16x32768xf32> to vector<16x128xf32>
    %max3A_2990 = arith.maximumf %max3A_2966, %slice3A_2989 : vector<16x128xf32>
    %min3A_2991 = arith.minimumf %max3A_2966, %slice3A_2989 : vector<16x128xf32>
    %max3A_2992 = arith.maximumf %max3A_2968, %min3A_2991 : vector<16x128xf32>
    %min3A_2993 = arith.minimumf %max3A_2968, %min3A_2991 : vector<16x128xf32>
    %max3A_2994 = arith.maximumf %max3A_2970, %min3A_2993 : vector<16x128xf32>
    %min3A_2995 = arith.minimumf %max3A_2970, %min3A_2993 : vector<16x128xf32>
    %max3A_2996 = arith.maximumf %max3A_2972, %min3A_2995 : vector<16x128xf32>
    %min3A_2997 = arith.minimumf %max3A_2972, %min3A_2995 : vector<16x128xf32>
    %max3A_2998 = arith.maximumf %max3A_2974, %min3A_2997 : vector<16x128xf32>
    %exp3A_2999 = math.exp %slice3A_2989 : vector<16x128xf32>
    %add3A_3000 = arith.addf %add3A_2976, %exp3A_2999 : vector<16x128xf32>
    %slice3A_3001 = vector.extract_strided_slice %get3A_3 {offsets = [0, 32512], sizes = [16, 128], strides = [1, 1]} : vector<16x32768xf32> to vector<16x128xf32>
    %max3A_3002 = arith.maximumf %max3A_2978, %slice3A_3001 : vector<16x128xf32>
    %min3A_3003 = arith.minimumf %max3A_2978, %slice3A_3001 : vector<16x128xf32>
    %max3A_3004 = arith.maximumf %max3A_2980, %min3A_3003 : vector<16x128xf32>
    %min3A_3005 = arith.minimumf %max3A_2980, %min3A_3003 : vector<16x128xf32>
    %max3A_3006 = arith.maximumf %max3A_2982, %min3A_3005 : vector<16x128xf32>
    %min3A_3007 = arith.minimumf %max3A_2982, %min3A_3005 : vector<16x128xf32>
    %max3A_3008 = arith.maximumf %max3A_2984, %min3A_3007 : vector<16x128xf32>
    %min3A_3009 = arith.minimumf %max3A_2984, %min3A_3007 : vector<16x128xf32>
    %max3A_3010 = arith.maximumf %max3A_2986, %min3A_3009 : vector<16x128xf32>
    %exp3A_3011 = math.exp %slice3A_3001 : vector<16x128xf32>
    %add3A_3012 = arith.addf %add3A_2988, %exp3A_3011 : vector<16x128xf32>
    %slice3A_3013 = vector.extract_strided_slice %get3A_3 {offsets = [0, 32640], sizes = [16, 128], strides = [1, 1]} : vector<16x32768xf32> to vector<16x128xf32>
    %max3A_3014 = arith.maximumf %max3A_2990, %slice3A_3013 : vector<16x128xf32>
    %min3A_3015 = arith.minimumf %max3A_2990, %slice3A_3013 : vector<16x128xf32>
    %max3A_3016 = arith.maximumf %max3A_2992, %min3A_3015 : vector<16x128xf32>
    %min3A_3017 = arith.minimumf %max3A_2992, %min3A_3015 : vector<16x128xf32>
    %max3A_3018 = arith.maximumf %max3A_2994, %min3A_3017 : vector<16x128xf32>
    %min3A_3019 = arith.minimumf %max3A_2994, %min3A_3017 : vector<16x128xf32>
    %max3A_3020 = arith.maximumf %max3A_2996, %min3A_3019 : vector<16x128xf32>
    %min3A_3021 = arith.minimumf %max3A_2996, %min3A_3019 : vector<16x128xf32>
    %max3A_3022 = arith.maximumf %max3A_2998, %min3A_3021 : vector<16x128xf32>
    %exp3A_3023 = math.exp %slice3A_3013 : vector<16x128xf32>
    %add3A_3024 = arith.addf %add3A_3000, %exp3A_3023 : vector<16x128xf32>
    %concatenate3A = tpu.concatenate %max3A_3002, %max3A_3004, %max3A_3006, %max3A_3008, %max3A_3010, %max3A_3014, %max3A_3016, %max3A_3018, %max3A_3020, %max3A_3022 in 1 : vector<16x128xf32>, vector<16x128xf32>, vector<16x128xf32>, vector<16x128xf32>, vector<16x128xf32>, vector<16x128xf32>, vector<16x128xf32>, vector<16x128xf32>, vector<16x128xf32>, vector<16x128xf32> -> vector<16x1280xf32>
    %reduce_max3A = arith.constant dense<0xFF800000> : vector<16xf32>
    %reduce_max3A_3025 = vector.multi_reduction <maximumf>, %concatenate3A, %reduce_max3A [1] : vector<16x1280xf32> to vector<16xf32>
    %broadcast_in_dim3A = vector.shape_cast %reduce_max3A_3025 : vector<16xf32> to vector<16x1xf32>
    %ge3A = vector.broadcast %broadcast_in_dim3A : vector<16x1xf32> to vector<16x1280xf32>
    %ge3A_3026 = arith.cmpf oge, %concatenate3A, %ge3A : vector<16x1280xf32>
    %jit3A = arith.constant 0xFF800000 : f32
    %broadcast_in_dim3A_3027 = vector.broadcast %jit3A : f32 to vector<16x1280xf32>
    %select_n3A = arith.select %ge3A_3026, %broadcast_in_dim3A_3027, %concatenate3A : vector<16x1280xi1>, vector<16x1280xf32>
    %reduce_max3A_3028 = arith.constant dense<0xFF800000> : vector<16xf32>
    %reduce_max3A_3029 = vector.multi_reduction <maximumf>, %select_n3A, %reduce_max3A_3028 [1] : vector<16x1280xf32> to vector<16xf32>
    %broadcast_in_dim3A_3030 = vector.shape_cast %reduce_max3A_3029 : vector<16xf32> to vector<16x1xf32>
    %ge3A_3031 = vector.broadcast %broadcast_in_dim3A_3030 : vector<16x1xf32> to vector<16x1280xf32>
    %ge3A_3032 = arith.cmpf oge, %concatenate3A, %ge3A_3031 : vector<16x1280xf32>
    %jit3A_3033 = arith.constant 0xFF800000 : f32
    %broadcast_in_dim3A_3034 = vector.broadcast %jit3A_3033 : f32 to vector<16x1280xf32>
    %select_n3A_3035 = arith.select %ge3A_3032, %broadcast_in_dim3A_3034, %concatenate3A : vector<16x1280xi1>, vector<16x1280xf32>
    %reduce_max3A_3036 = arith.constant dense<0xFF800000> : vector<16xf32>
    %reduce_max3A_3037 = vector.multi_reduction <maximumf>, %select_n3A_3035, %reduce_max3A_3036 [1] : vector<16x1280xf32> to vector<16xf32>
    %broadcast_in_dim3A_3038 = vector.shape_cast %reduce_max3A_3037 : vector<16xf32> to vector<16x1xf32>
    %ge3A_3039 = vector.broadcast %broadcast_in_dim3A_3038 : vector<16x1xf32> to vector<16x1280xf32>
    %ge3A_3040 = arith.cmpf oge, %concatenate3A, %ge3A_3039 : vector<16x1280xf32>
    %jit3A_3041 = arith.constant 0xFF800000 : f32
    %broadcast_in_dim3A_3042 = vector.broadcast %jit3A_3041 : f32 to vector<16x1280xf32>
    %select_n3A_3043 = arith.select %ge3A_3040, %broadcast_in_dim3A_3042, %concatenate3A : vector<16x1280xi1>, vector<16x1280xf32>
    %reduce_max3A_3044 = arith.constant dense<0xFF800000> : vector<16xf32>
    %reduce_max3A_3045 = vector.multi_reduction <maximumf>, %select_n3A_3043, %reduce_max3A_3044 [1] : vector<16x1280xf32> to vector<16xf32>
    %broadcast_in_dim3A_3046 = vector.shape_cast %reduce_max3A_3045 : vector<16xf32> to vector<16x1xf32>
    %ge3A_3047 = vector.broadcast %broadcast_in_dim3A_3046 : vector<16x1xf32> to vector<16x1280xf32>
    %ge3A_3048 = arith.cmpf oge, %concatenate3A, %ge3A_3047 : vector<16x1280xf32>
    %jit3A_3049 = arith.constant 0xFF800000 : f32
    %broadcast_in_dim3A_3050 = vector.broadcast %jit3A_3049 : f32 to vector<16x1280xf32>
    %select_n3A_3051 = arith.select %ge3A_3048, %broadcast_in_dim3A_3050, %concatenate3A : vector<16x1280xi1>, vector<16x1280xf32>
    %reduce_max3A_3052 = arith.constant dense<0xFF800000> : vector<16xf32>
    %reduce_max3A_3053 = vector.multi_reduction <maximumf>, %select_n3A_3051, %reduce_max3A_3052 [1] : vector<16x1280xf32> to vector<16xf32>
    %broadcast_in_dim3A_3054 = vector.shape_cast %reduce_max3A_3053 : vector<16xf32> to vector<16x1xf32>
    %add3A_3055 = arith.addf %add3A_3012, %add3A_3024 : vector<16x128xf32>
    %reduce_sum3A = arith.constant dense<0.000000e+00> : vector<16xf32>
    %reduce_sum3A_3056 = vector.multi_reduction <add>, %add3A_3055, %reduce_sum3A [1] : vector<16x128xf32> to vector<16xf32>
    %broadcast_in_dim3A_3057 = vector.shape_cast %reduce_sum3A_3056 : vector<16xf32> to vector<16x1xf32>
    %iota3A = tpu.iota {dimensions = array<i32: 1>} : vector<16x128xi32>
    %and3A = arith.constant 127 : i32
    %and3A_3058 = vector.broadcast %and3A : i32 to vector<16x1xi32>
    %and3A_3059 = arith.andi %get3A_9, %and3A_3058 : vector<16x1xi32>
    %eq3A_3060 = vector.broadcast %and3A_3059 : vector<16x1xi32> to vector<16x128xi32>
    %eq3A_3061 = arith.cmpi eq, %iota3A, %eq3A_3060 : vector<16x128xi32>
    %jit3A_3062 = arith.constant 0xFF800000 : f32
    %broadcast_in_dim3A_3063 = vector.broadcast %jit3A_3062 : f32 to vector<16x128xf32>
    %select_n3A_3064 = arith.select %eq3A_3061, %get3A_6, %broadcast_in_dim3A_3063 : vector<16x128xi1>, vector<16x128xf32>
    %reduce_max3A_3065 = arith.constant dense<0xFF800000> : vector<16xf32>
    %reduce_max3A_3066 = vector.multi_reduction <maximumf>, %select_n3A_3064, %reduce_max3A_3065 [1] : vector<16x128xf32> to vector<16xf32>
    %broadcast_in_dim3A_3067 = vector.shape_cast %reduce_max3A_3066 : vector<16xf32> to vector<16x1xf32>
    %exp3A_3068 = math.exp %broadcast_in_dim3A_3067 : vector<16x1xf32>
    %div3A = arith.divf %exp3A_3068, %broadcast_in_dim3A_3057 : vector<16x1xf32>
    %exp3A_3069 = math.exp %div3A : vector<16x1xf32>
    %broadcast_in_dim3A_3070 = arith.constant 0.000000e+00 : f32
    %broadcast_in_dim3A_3071 = vector.broadcast %broadcast_in_dim3A_3070 : f32 to vector<16x1xf32>
    %ne3A = arith.cmpf one, %broadcast_in_dim3A, %broadcast_in_dim3A_3067 : vector<16x1xf32>
    %exp3A_3072 = math.exp %broadcast_in_dim3A : vector<16x1xf32>
    %div3A_3073 = arith.divf %exp3A_3072, %broadcast_in_dim3A_3057 : vector<16x1xf32>
    %exp3A_3074 = math.exp %div3A_3073 : vector<16x1xf32>
    %jit3A_3075 = arith.constant 0.000000e+00 : f32
    %broadcast_in_dim3A_3076 = vector.broadcast %jit3A_3075 : f32 to vector<16x1xf32>
    %select_n3A_3077 = arith.select %ne3A, %exp3A_3074, %broadcast_in_dim3A_3076 : vector<16x1xi1>, vector<16x1xf32>
    %add3A_3078 = arith.addf %exp3A_3069, %select_n3A_3077 : vector<16x1xf32>
    %jit3A_3079 = arith.constant 1.000000e+00 : f32
    %jit3A_3080 = arith.constant 0.000000e+00 : f32
    %broadcast_in_dim3A_3081 = vector.broadcast %jit3A_3079 : f32 to vector<16x1xf32>
    %broadcast_in_dim3A_3082 = vector.broadcast %jit3A_3080 : f32 to vector<16x1xf32>
    %select_n3A_3083 = arith.select %ne3A, %broadcast_in_dim3A_3081, %broadcast_in_dim3A_3082 : vector<16x1xi1>, vector<16x1xf32>
    %add3A_3084 = arith.addf %broadcast_in_dim3A_3071, %select_n3A_3083 : vector<16x1xf32>
    %ne3A_3085 = arith.cmpf one, %broadcast_in_dim3A_3030, %broadcast_in_dim3A_3067 : vector<16x1xf32>
    %exp3A_3086 = math.exp %broadcast_in_dim3A_3030 : vector<16x1xf32>
    %div3A_3087 = arith.divf %exp3A_3086, %broadcast_in_dim3A_3057 : vector<16x1xf32>
    %exp3A_3088 = math.exp %div3A_3087 : vector<16x1xf32>
    %jit3A_3089 = arith.constant 0.000000e+00 : f32
    %broadcast_in_dim3A_3090 = vector.broadcast %jit3A_3089 : f32 to vector<16x1xf32>
    %select_n3A_3091 = arith.select %ne3A_3085, %exp3A_3088, %broadcast_in_dim3A_3090 : vector<16x1xi1>, vector<16x1xf32>
    %add3A_3092 = arith.addf %add3A_3078, %select_n3A_3091 : vector<16x1xf32>
    %jit3A_3093 = arith.constant 1.000000e+00 : f32
    %jit3A_3094 = arith.constant 0.000000e+00 : f32
    %broadcast_in_dim3A_3095 = vector.broadcast %jit3A_3093 : f32 to vector<16x1xf32>
    %broadcast_in_dim3A_3096 = vector.broadcast %jit3A_3094 : f32 to vector<16x1xf32>
    %select_n3A_3097 = arith.select %ne3A_3085, %broadcast_in_dim3A_3095, %broadcast_in_dim3A_3096 : vector<16x1xi1>, vector<16x1xf32>
    %add3A_3098 = arith.addf %add3A_3084, %select_n3A_3097 : vector<16x1xf32>
    %ne3A_3099 = arith.cmpf one, %broadcast_in_dim3A_3038, %broadcast_in_dim3A_3067 : vector<16x1xf32>
    %exp3A_3100 = math.exp %broadcast_in_dim3A_3038 : vector<16x1xf32>
    %div3A_3101 = arith.divf %exp3A_3100, %broadcast_in_dim3A_3057 : vector<16x1xf32>
    %exp3A_3102 = math.exp %div3A_3101 : vector<16x1xf32>
    %jit3A_3103 = arith.constant 0.000000e+00 : f32
    %broadcast_in_dim3A_3104 = vector.broadcast %jit3A_3103 : f32 to vector<16x1xf32>
    %select_n3A_3105 = arith.select %ne3A_3099, %exp3A_3102, %broadcast_in_dim3A_3104 : vector<16x1xi1>, vector<16x1xf32>
    %add3A_3106 = arith.addf %add3A_3092, %select_n3A_3105 : vector<16x1xf32>
    %jit3A_3107 = arith.constant 1.000000e+00 : f32
    %jit3A_3108 = arith.constant 0.000000e+00 : f32
    %broadcast_in_dim3A_3109 = vector.broadcast %jit3A_3107 : f32 to vector<16x1xf32>
    %broadcast_in_dim3A_3110 = vector.broadcast %jit3A_3108 : f32 to vector<16x1xf32>
    %select_n3A_3111 = arith.select %ne3A_3099, %broadcast_in_dim3A_3109, %broadcast_in_dim3A_3110 : vector<16x1xi1>, vector<16x1xf32>
    %add3A_3112 = arith.addf %add3A_3098, %select_n3A_3111 : vector<16x1xf32>
    %ne3A_3113 = arith.cmpf one, %broadcast_in_dim3A_3046, %broadcast_in_dim3A_3067 : vector<16x1xf32>
    %exp3A_3114 = math.exp %broadcast_in_dim3A_3046 : vector<16x1xf32>
    %div3A_3115 = arith.divf %exp3A_3114, %broadcast_in_dim3A_3057 : vector<16x1xf32>
    %exp3A_3116 = math.exp %div3A_3115 : vector<16x1xf32>
    %jit3A_3117 = arith.constant 0.000000e+00 : f32
    %broadcast_in_dim3A_3118 = vector.broadcast %jit3A_3117 : f32 to vector<16x1xf32>
    %select_n3A_3119 = arith.select %ne3A_3113, %exp3A_3116, %broadcast_in_dim3A_3118 : vector<16x1xi1>, vector<16x1xf32>
    %add3A_3120 = arith.addf %add3A_3106, %select_n3A_3119 : vector<16x1xf32>
    %jit3A_3121 = arith.constant 1.000000e+00 : f32
    %jit3A_3122 = arith.constant 0.000000e+00 : f32
    %broadcast_in_dim3A_3123 = vector.broadcast %jit3A_3121 : f32 to vector<16x1xf32>
    %broadcast_in_dim3A_3124 = vector.broadcast %jit3A_3122 : f32 to vector<16x1xf32>
    %select_n3A_3125 = arith.select %ne3A_3113, %broadcast_in_dim3A_3123, %broadcast_in_dim3A_3124 : vector<16x1xi1>, vector<16x1xf32>
    %add3A_3126 = arith.addf %add3A_3112, %select_n3A_3125 : vector<16x1xf32>
    %ne3A_3127 = arith.cmpf one, %broadcast_in_dim3A_3054, %broadcast_in_dim3A_3067 : vector<16x1xf32>
    %exp3A_3128 = math.exp %broadcast_in_dim3A_3054 : vector<16x1xf32>
    %div3A_3129 = arith.divf %exp3A_3128, %broadcast_in_dim3A_3057 : vector<16x1xf32>
    %exp3A_3130 = math.exp %div3A_3129 : vector<16x1xf32>
    %jit3A_3131 = arith.constant 0.000000e+00 : f32
    %broadcast_in_dim3A_3132 = vector.broadcast %jit3A_3131 : f32 to vector<16x1xf32>
    %select_n3A_3133 = arith.select %ne3A_3127, %exp3A_3130, %broadcast_in_dim3A_3132 : vector<16x1xi1>, vector<16x1xf32>
    %add3A_3134 = arith.addf %add3A_3120, %select_n3A_3133 : vector<16x1xf32>
    %jit3A_3135 = arith.constant 1.000000e+00 : f32
    %jit3A_3136 = arith.constant 0.000000e+00 : f32
    %broadcast_in_dim3A_3137 = vector.broadcast %jit3A_3135 : f32 to vector<16x1xf32>
    %broadcast_in_dim3A_3138 = vector.broadcast %jit3A_3136 : f32 to vector<16x1xf32>
    %select_n3A_3139 = arith.select %ne3A_3127, %broadcast_in_dim3A_3137, %broadcast_in_dim3A_3138 : vector<16x1xi1>, vector<16x1xf32>
    %add3A_3140 = arith.addf %add3A_3126, %select_n3A_3139 : vector<16x1xf32>
    %div3A_3141 = arith.divf %exp3A_3069, %add3A_3134 : vector<16x1xf32>
    %add3A_3142 = arith.constant 1.000000e+00 : f32
    %add3A_3143 = vector.broadcast %add3A_3142 : f32 to vector<16x1xf32>
    %add3A_3144 = arith.addf %add3A_3140, %add3A_3143 : vector<16x1xf32>
    %mul3A = arith.mulf %add3A_3144, %div3A_3141 : vector<16x1xf32>
    %sub3A = arith.constant 1.000000e+00 : f32
    %sub3A_3145 = vector.broadcast %sub3A : f32 to vector<16x1xf32>
    %sub3A_3146 = arith.subf %sub3A_3145, %mul3A : vector<16x1xf32>
    %div3A_3147 = arith.divf %sub3A_3146, %add3A_3140 : vector<16x1xf32>
    %ne3A_3148 = arith.constant 0 : i32
    %ne3A_3149 = vector.broadcast %ne3A_3148 : i32 to vector<16x1xi32>
    %ne3A_3150 = arith.cmpi ne, %get3A_9, %ne3A_3149 : vector<16x1xi32>
    %ne3A_3151 = arith.cmpf one, %broadcast_in_dim3A, %broadcast_in_dim3A_3067 : vector<16x1xf32>
    %and3A_3152 = arith.andi %ne3A_3150, %ne3A_3151 : vector<16x1xi1>
    %convert_element_type3A_3153 = arith.extui %and3A_3152 : vector<16x1xi1> to vector<16x1xi32>
    %convert_element_type3A_3154 = arith.sitofp %convert_element_type3A_3153 : vector<16x1xi32> to vector<16x1xf32>
    %get3A_3155 = arith.constant 0 : index
    %get3A_3156 = memref.load %arg5[%get3A_3155] : memref<2xf32, #tpu.memory_space<smem>>
    %mul3A_3157 = arith.mulf %div3A_3147, %convert_element_type3A_3154 : vector<16x1xf32>
    %reduce_sum3A_3158 = vector.shape_cast %mul3A_3157 : vector<16x1xf32> to vector<1x16x1xf32>
    %reduce_sum3A_3159 = arith.constant dense<0.000000e+00> : vector<1xf32>
    %reduce_sum3A_3160 = vector.multi_reduction <add>, %reduce_sum3A_3158, %reduce_sum3A_3159 [1, 2] : vector<1x16x1xf32> to vector<1xf32>
    %reduce_sum3A_3161 = vector.shape_cast %reduce_sum3A_3160 : vector<1xf32> to vector<1x1x1xf32>
    %reduce_sum3A_3162 = vector.extract %reduce_sum3A_3161[0, 0, 0] : f32 from vector<1x1x1xf32>
    %add3A_3163 = arith.addf %get3A_3156, %reduce_sum3A_3162 : f32
    %swap3A = arith.constant 0 : index
    %swap3A_3164 = memref.load %arg5[%swap3A] : memref<2xf32, #tpu.memory_space<smem>>
    memref.store %add3A_3163, %arg5[%swap3A] : memref<2xf32, #tpu.memory_space<smem>>
    %get3A_3165 = arith.constant 1 : index
    %get3A_3166 = memref.load %arg5[%get3A_3165] : memref<2xf32, #tpu.memory_space<smem>>
    %reduce_sum3A_3167 = vector.shape_cast %convert_element_type3A_3154 : vector<16x1xf32> to vector<1x16x1xf32>
    %reduce_sum3A_3168 = arith.constant dense<0.000000e+00> : vector<1xf32>
    %reduce_sum3A_3169 = vector.multi_reduction <add>, %reduce_sum3A_3167, %reduce_sum3A_3168 [1, 2] : vector<1x16x1xf32> to vector<1xf32>
    %reduce_sum3A_3170 = vector.shape_cast %reduce_sum3A_3169 : vector<1xf32> to vector<1x1x1xf32>
    %reduce_sum3A_3171 = vector.extract %reduce_sum3A_3170[0, 0, 0] : f32 from vector<1x1x1xf32>
    %add3A_3172 = arith.addf %get3A_3166, %reduce_sum3A_3171 : f32
    %swap3A_3173 = arith.constant 1 : index
    %swap3A_3174 = memref.load %arg5[%swap3A_3173] : memref<2xf32, #tpu.memory_space<smem>>
    memref.store %add3A_3172, %arg5[%swap3A_3173] : memref<2xf32, #tpu.memory_space<smem>>
    %eq3A_3175 = arith.constant 63 : i32
    %eq3A_3176 = arith.cmpi eq, %arg0, %eq3A_3175 : i32
    %convert_element_type3A_3177 = arith.extui %eq3A_3176 : i1 to i32
    %cond3A_3178 = arith.constant 0 : i32
    %cond3A_3179 = arith.cmpi ne, %convert_element_type3A_3177, %cond3A_3178 : i32
    scf.if %cond3A_3179 {
      %get3A_3180 = arith.constant 1 : index
      %get3A_3181 = memref.load %arg5[%get3A_3180] : memref<2xf32, #tpu.memory_space<smem>>
      %gt3A = arith.constant 0.000000e+00 : f32
      %gt3A_3182 = arith.cmpf ogt, %get3A_3181, %gt3A : f32
      %get3A_3183 = arith.constant 0 : index
      %get3A_3184 = memref.load %arg5[%get3A_3183] : memref<2xf32, #tpu.memory_space<smem>>
      %max3A_3185 = arith.constant 1.000000e+00 : f32
      %max3A_3186 = arith.maximumf %get3A_3181, %max3A_3185 : f32
      %div3A_3187 = arith.divf %get3A_3184, %max3A_3186 : f32
      %jit3A_3188 = arith.constant 0.000000e+00 : f32
      %select_n3A_3189 = arith.select %gt3A_3182, %div3A_3187, %jit3A_3188 : f32
      %swap3A_3190 = arith.constant 0 : index
      %swap3A_3191 = arith.constant 0 : index
      %swap3A_3192 = memref.load %arg4[%swap3A_3190, %swap3A_3191] : memref<1x1xf32, #tpu.memory_space<smem>>
      memref.store %select_n3A_3189, %arg4[%swap3A_3190, %swap3A_3191] : memref<1x1xf32, #tpu.memory_space<smem>>
    } else {
    }
    return
  }
  func.func @transform_0(%arg0: i32) -> (i32, i32) {
    %c0_i32 = arith.constant 0 : i32
    %c0_i32_0 = arith.constant 0 : i32
    return %arg0, %c0_i32 : i32, i32
  }
  func.func @transform_1(%arg0: i32) -> (i32, i32) {
    %c0_i32 = arith.constant 0 : i32
    %c0_i32_0 = arith.constant 0 : i32
    return %arg0, %c0_i32 : i32, i32
  }
  func.func @transform_2(%arg0: i32) -> (i32, i32) {
    %c0_i32 = arith.constant 0 : i32
    %c0_i32_0 = arith.constant 0 : i32
    return %arg0, %c0_i32 : i32, i32
  }
  func.func @transform_3(%arg0: i32) -> (i32, i32) {
    %c0_i32 = arith.constant 0 : i32
    %c0_i32_0 = arith.constant 0 : i32
    %c0_i32_1 = arith.constant 0 : i32
    return %c0_i32, %c0_i32_0 : i32, i32
  }
}

</mosaic_0001>

<sc_bundles>
// kernel: kernel.4.cloned.1.call-start
scs
__scs_entry_jumppad:
0x0: {  	(pc) =	sbr.rel $0x88, $3  }
0x1: {  	(tag) =	ssettag $0x0;
	lr =	simm.s32 $0x1  }
0x2: {  	[smem:$0x3F9F] =	sst lr;
	_ =	strace $0xD0000000  }
0x3: {  	_ = 	snop  }
0x4: {  	_ = 	snop  }
0x5: {  	_ = 	snop  }
0x6: {  	_ = 	snop  }
0x7: {  	_ = 	snop  }
__scs_overlays_trampoline_lowered:
0x8: {  	[smem:$0x3FAE] =	sst s0  }
0x9: {  	[smem:$0x3FAF] =	sst s1  }
0xa: {  	[smem:$0x3FB0] =	sst s2  }
0xb: {  	[smem:$0x3FB1] =	sst s3  }
0xc: {  	[smem:$0x3FB2] =	sst s4  }
0xd: {  	[smem:$0x3FB3] =	sst s5  }
0xe: {  	[smem:$0x3FB4] =	sst s6  }
0xf: {  	[smem:$0x3FB5] =	sst s7  }
0x10: {  	[smem:$0x3FB6] =	sst s8  }
0x11: {  	[smem:$0x3FB7] =	sst s9;
	s0 =	simm.s32 @!p0 $0x0  }
0x12: {  	s1 =	sld [smem:$0x3F9D];
	s0 =	simm.s32 @p0 $0x1  }
0x13: {  	[smem:$0x3FB8] =	sst s0;
	s0 =	simm.s32 @!p1 $0x0  }
0x14: {  	s2 =	sld [smem:$0x3F9C];
	s0 =	simm.s32 @p1 $0x1  }
0x15: {  	[smem:$0x3FB9] =	sst s0;
	s0 =	simm.s32 @!p2 $0x0  }
0x16: {  	s3 =	sld [smem:$0x3FDB];
	s0 =	simm.s32 @p2 $0x1  }
0x17: {  	s4 =	simm.s32 $0x1BF5;
	[smem:$0x3FBB] =	sst s0  }
0x18: {  	s0 =	sld [smem:$0x3F9E];
	_ =	swait.ge [sflag:s4], $0x0  }
0x19: {  	s7 =	sld [smem:$0x3F9F]  }
0x1a: {  	s8 =	sadd.s32 $0xFFFFE003, lr  }
0x1b: {  	s9 =	sadd.s32 $0xFFFFFEF7, lr;
	s5 =	simm.s32 $0xFFFFFFFF;
	p2 =	slt.u32 s8, $0xFFFFF086  }
0x1c: {  	p1 =	slt.u32 s9, $0xF7A;
	s5 =	simm.s32 @!p2 $0x0  }
0x1d: {  	s5 =	simm.s32 @p1 $0x1;
	p0 =	seq.s32 s7, s2  }
0x1e: {  	s7 =	smul.u32 @!p0 $0xF7A, s2;
	p2 =	seq.s32 @!p0 s5, $0x0  }
0x1f: {  	s9 =	smul.u32 $0xF7A, s1;
	s8 =	simm.s32 @!p0 $0x1BF5;
	p2 =	por !p2, p0  }
0x20: {  	[sflag:s8] =	ssyncset.s32 @!p0 $0xFFFFF086;
	s6 =	sadd.s32 @!p0 s3, s7;
	s7 =	simm.s32 @!p0 $0x108  }
0x21: {  	s3 =	sadd.s32 s3, s9;
	s6 =	sadd.s32 @!p0 $0x88, s6;
	s7 =	simm.s32 @p2 $0x1082  }
0x22: {  	[simem:s7], [sflag:s8] =	dma.local @!p0 [hbm:s6], $0xF7A  }
0x23: {  	s9 =	sor.u32 $0xD0000000, s2;
	s6 =	simm.s32 $0x108;
	_ =	swait.ge @!p0 [sflag:s8], $0x0  }
0x24: {  	s3 =	sadd.s32 $0x88, s3;
	s6 =	simm.s32 @!p1 $0x1082;
	[sflag:s4] =	ssyncset.s32 $0xFFFFF086  }
0x25: {  	[simem:s6], [sflag:s4] =	dma.local [hbm:s3], $0xF7A  }
0x26: {  	[smem:$0x3F9F] =	sst s1;
	(tag) =	ssettag s2;
	_ =	strace s9  }
0x27: {  	s1 =	sld [smem:$0x3FAF]  }
0x28: {  	s2 =	sld [smem:$0x3FB0]  }
0x29: {  	s4 =	sld [smem:$0x3FB2]  }
0x2a: {  	p0 =	seq.s32 s5, $0x0;
	s5 =	sld [smem:$0x3FB3]  }
0x2b: {  	s6 =	sld [smem:$0x3FB4]  }
0x2c: {  	s7 =	sld [smem:$0x3FB5]  }
0x2d: {  	s3 =	simm.s32 $0x108;
	s8 =	sld [smem:$0x3FB6]  }
0x2e: {  	s3 =	simm.s32 @!p0 $0x1082;
	s9 =	sld [smem:$0x3FB7]  }
0x2f: {  	lr =	sadd.s32 s0, s3;
	s0 =	sld [smem:$0x3FAE]  }
0x30: {  	s3 =	sld [smem:$0x3FB1]  }
0x31: {  	[smem:$0x3FBA] =	sst s10  }
0x32: {  	s10 =	sld [smem:$0x3FB8];
	_ =	sdelay $0x3  }
0x33: {  	p0 =	seq.s32 s10, $0x1;
	s10 =	sld [smem:$0x3FBA];
	_ =	sdelay $0x3  }
0x34: {  	[smem:$0x3FBA] =	sst s10  }
0x35: {  	s10 =	sld [smem:$0x3FB9];
	_ =	sdelay $0x3  }
0x36: {  	p1 =	seq.s32 s10, $0x1;
	s10 =	sld [smem:$0x3FBA];
	_ =	sdelay $0x3  }
0x37: {  	[smem:$0x3FBA] =	sst s10  }
0x38: {  	s10 =	sld [smem:$0x3FBB]  }
0x39: {  	_ = 	snop;
	(pc) =	sbr.ind lr, $3  }
0x3a: {  	_ = 	snop  }
0x3b: {  	_ = 	snop  }
0x3c: {  	p2 =	seq.s32 s10, $0x1;
	s10 =	sld [smem:$0x3FBA]  }
0x3d: {  	_ =	shalt  }
0x3e: {  	_ =	shalt  }
0x3f: {  	_ =	shalt  }
0x40: {  	_ =	shalt  }
0x41: {  	_ =	shalt  }
0x42: {  	_ =	shalt  }
0x43: {  	_ =	shalt  }
0x44: {  	_ =	shalt  }
0x45: {  	_ =	shalt  }
0x46: {  	_ =	shalt  }
0x47: {  	_ =	shalt  }
0x48: {  	_ =	shalt  }
0x49: {  	_ =	shalt  }
0x4a: {  	_ =	shalt  }
0x4b: {  	_ =	shalt  }
0x4c: {  	_ =	shalt  }
0x4d: {  	_ =	shalt  }
0x4e: {  	_ =	shalt  }
0x4f: {  	_ =	shalt  }
0x50: {  	_ =	shalt  }
0x51: {  	_ =	shalt  }
0x52: {  	_ =	shalt  }
0x53: {  	_ =	shalt  }
0x54: {  	_ =	shalt  }
0x55: {  	_ =	shalt  }
0x56: {  	_ =	shalt  }
0x57: {  	_ =	shalt  }
0x58: {  	_ =	shalt  }
0x59: {  	_ =	shalt  }
0x5a: {  	_ =	shalt  }
0x5b: {  	_ =	shalt  }
0x5c: {  	_ =	shalt  }
0x5d: {  	_ =	shalt  }
0x5e: {  	_ =	shalt  }
0x5f: {  	_ =	shalt  }
0x60: {  	_ =	shalt  }
0x61: {  	_ =	shalt  }
0x62: {  	_ =	shalt  }
0x63: {  	_ =	shalt  }
0x64: {  	_ =	shalt  }
0x65: {  	_ =	shalt  }
0x66: {  	_ =	shalt  }
0x67: {  	_ =	shalt  }
0x68: {  	_ =	shalt  }
0x69: {  	_ =	shalt  }
0x6a: {  	_ =	shalt  }
0x6b: {  	_ =	shalt  }
0x6c: {  	_ =	shalt  }
0x6d: {  	_ =	shalt  }
0x6e: {  	_ =	shalt  }
0x6f: {  	_ =	shalt  }
0x70: {  	_ =	shalt  }
0x71: {  	_ =	shalt  }
0x72: {  	_ =	shalt  }
0x73: {  	_ =	shalt  }
0x74: {  	_ =	shalt  }
0x75: {  	_ =	shalt  }
0x76: {  	_ =	shalt  }
0x77: {  	_ =	shalt  }
0x78: {  	_ =	shalt  }
0x79: {  	_ =	shalt  }
0x7a: {  	_ =	shalt  }
0x7b: {  	_ =	shalt  }
0x7c: {  	_ =	shalt  }
0x7d: {  	_ =	shalt  }
0x7e: {  	_ =	shalt  }
0x7f: {  	_ =	shalt  }
0x80: {  	_ =	shalt  }
0x81: {  	_ =	shalt  }
0x82: {  	_ =	shalt  }
0x83: {  	_ =	shalt  }
0x84: {  	_ =	shalt  }
0x85: {  	_ =	shalt  }
0x86: {  	_ =	shalt  }
0x87: {  	_ =	shalt  }
.Lfunc_end0:
.L_simem_size_0:
called_computation_lowered:
.L_overlay_start_0:
0x88: {  	s0 =	sld [smem:$0x3FD9]  }
0x89: {  	s1 =	sld [smem:$0x3FFE];
	_ =	sdelay $0x3  }
0x8a: {  	s0 =	sadd.s32 s1, s0  }
0x8b: {  	[smem:$0x3FC6] =	sst s0  }
0x8c: {  	_ = 	snop  }
0x8d: {  	(tm) =	ssettm $0x1  }
0x8e: {  	s15 =	sld [smem:$0x3FFB];
	_ =	sdelay $0x3  }
0x8f: {  	_ =	strace s15  }
0x90: {  	s0 =	sld [smem:$0x3FFC];
	_ =	sdelay $0x3  }
0x91: {  	_ =	strace s0  }
0x92: {  	s0 =	sld [smem:$0x3FFD];
	_ =	sdelay $0x3  }
0x93: {  	_ =	strace s0  }
0x94: {  	_ =	strace $0x8FFFFFFF  }
0x95: {  	s16 =	sld [smem:$0x3FDB];
	_ =	sdelay $0x1  }
0x96: {  	s17 =	simm.s32 $_scs_section_size  }
0x97: {  	s2 =	simm.s32 $_size__tile_overlayer_lowered;
	s3 =	simm.s32 $_tile_overlayer_lowered  }
0x98: {  	s20 =	simm.s32 $0x1BFF;
	s19 =	sshll.u32 s3, $0x1;
	s0 =	sadd.s32 s17, s16  }
0x99: {  	s4 =	simm.s32 $0x0;
	s18 =	sshll.u32 s2, $0x1;
	s2 =	sadd.s32 s19, s0  }
0x9a: {  	[timem:s4], [sflag:s20] =	dma.local [hbm:s2], s18  }
0x9b: {  	_ =	swait.ge [sflag:s20], s18  }
0x9c: {  	s1 =	ssub.s32 $0x0, s18;
	[sflag:s20] =	ssyncset.done $0x0  }
0x9d: {  	[sflag:s20] =	ssyncadd.s32 s1;
	_ =	sdelay $0x1  }
0x9e: {  	s21 =	simm.s32 $0x1B8B  }
0x9f: {  	_ =	swait.ge [sflag:s21], $0x1  }
0xa0: {  	[sflag:s21] =	ssyncset.done $0x0  }
0xa1: {  	s23 =	simm.s32 $0x1B8E;
	s22 =	sld [smem:$0x3FFE];
	[sflag:s21] =	ssyncadd.s32 $0xFFFFFFFF  }
0xa2: {  	s24 =	simm.s32 $execute0_lowered;
	[smem:$0x3FD2] =	sst s23  }
0xa3: {  	s2 =	sshll.u32 s24, $0x1;
	_ =	strace $0x80000046;
	[dreg:$0x1] =	wrdreg $0xFFFFFFFF  }
0xa4: {  	s25 =	simm.s32 $_size_execute0_lowered;
	s0 =	sadd.s32 s0, s2;
	[dreg:$0x0] =	wrdreg $0x0  }
0xa5: {  	s2 =	sshll.u32 s25, $0x1;
	[dreg:$0x2] =	wrdreg s0  }
0xa6: {  	[dreg:$0x3] =	wrdreg s2  }
0xa7: {  	[dreg:$0x4] =	wrdreg $0xC0  }
0xa8: {  	_ =	task [dreg:s4], $0x5FFFF  }
0xa9: {  	[dreg:$0x1] =	wrdreg $0xFFFFFFFF  }
0xaa: {  	[dreg:$0x0] =	wrdreg $0x60  }
0xab: {  	[dreg:$0x2] =	wrdreg s22  }
0xac: {  	[dreg:$0x3] =	wrdreg $0x9  }
0xad: {  	_ =	task.clear_ibuf [dreg:s4], $0x4FFFF;
	_ =	strace $0x90000046  }
0xae: {  	s26 =	simm.s32 $0x9;
	_ =	strace $0x80000048  }
0xaf: {  	_ =	swait.ge [sflag:s26], $0x1  }
0xb0: {  	[sflag:s26] =	ssyncadd.s32 $0xFFFFFFFF  }
0xb1: {  	_ =	strace $0x90000048  }
0xb2: {  	_ =	sfence  }
0xb3: {  	s28 =	sld [smem:$0x0];
	_ =	sdelay $0x1  }
0xb4: {  	s29 =	srdreg.scid  }
0xb5: {  	s30 =	sshll.u32 s29, $0xD;
	s31 =	sshrl.u32 s29, $0x2  }
0xb6: {  	s1 =	sand.u32 $0x1, s29;
	s2 =	sand.u32 $0x4000, s30;
	s0 =	sadd.s32 s31, s28  }
0xb7: {  	s1 =	sor.u32 s2, s1;
	s0 =	sshll.u32 s0, $0x11  }
0xb8: {  	s0 =	sor.u32 s0, s1  }
0xb9: {  	s0 =	sadd.s32 $0x8F2B, s0  }
0xba: {  	[sflag:s0] =	ssyncadd.remote.s32 $0x1  }
0xbb: {  	_ =	sfence.sel $0xFFFF  }
0xbc: {  	[dreg:$0x0] =	wrdreg $0xFFFFFFFF;
	(pc) =	sbr.abs _section_cstart, $3  }
0xbd: {  	[dreg:$0x1] =	wrdreg $0xFFFFFFFF  }
0xbe: {  	_ =	task.clear_ibuf [dreg:s4], $0x2FFFF;
	_ =	strace $0x9FFFFFFF  }
0xbf: {  	(tm) =	ssettm $0x7FFFFFFF  }
tec
execute0_lowered:
.L_overlay_start_1:
0x0: {  	(tag) =	ssettag $0x1  }
0x1: {  	s2 =	rddreg [dreg:$0x0];
	s1 =	stileid.u32  }
0x2: {  	s0 =	rddreg [dreg:$0x1];
	s3 =	simm.s32 $0x0;
	s4 =	sshll.u32 s1, $0x3  }
0x3: {  	[smem:$0x7FF] =	sst s3;
	s4 =	sadd.s32 s4, s2  }
0x4: {  	s25 =	simm.s32 $0x2;
	_ =	strace $0x80000047;
	s4 =	sadd.s32 $0x400800, s4  }
0x5: {  	[tilespmem:s3], [sflag:$0x2] =	stream.linear.gather [hbm4b:s4+s3], $0x40, $0x38;
	[tilespmem:$0x2100] =	vst v63  }
0x6: {  	_ =	swait.ge [sflag:s25], $0x40  }
0x7: {  	[sflag:s25] =	ssyncset.done $0x0  }
0x8: {  	[sflag:s25] =	ssyncadd.s32 $0xFFFFFFC0  }
0x9: {  	v0 =	vld [tilespmem:$0x0]  }
0xa: {  	v2 =	vlaneseq.u32;
	s5 =	sshll.u32 s1, $0x6;
	v1 =	vld [tilespmem:$0x10]  }
0xb: {  	v2 =	vmul.u32 $0x100, v2;
	s6 =	sor.u32 $0x10, s5;
	v3 =	vmov s5;
	s26 =	sor.u32 $0x20, s5;
	v5 =	vld [tilespmem:$0x20]  }
0xc: {  	s5 =	sor.u32 $0x30, s5;
	v4 =	vmov s6;
	v3 =	vshll.u32 v3, $0x8;
	v57 =	vmov s26;
	v6 =	vld [tilespmem:$0x30]  }
0xd: {  	v58 =	vmov s5;
	v4 =	vshll.u32 v4, $0x8;
	v3 =	vor.u32 v2, v3  }
0xe: {  	v60 =	vshll.u32 v58, $0x8;
	v4 =	vor.u32 v2, v4;
	v0 =	vshra.s32 v0, $0x7  }
0xf: {  	v1 =	vshra.s32 v1, $0x7;
	v0 =	vadd.s32 v3, v0;
	v3 =	vshll.u32 v57, $0x8  }
0x10: {  	v61 =	vshra.s32 v5, $0x7;
	v1 =	vadd.s32 v4, v1;
	[tilespmem:$0x80] =	vst v0;
	v59 =	vor.u32 v2, v3  }
0x11: {  	v62 =	vshra.s32 v6, $0x7;
	v2 =	vor.u32 v2, v60;
	[tilespmem:$0x90] =	vst v1;
	v0 =	vadd.s32 v59, v61  }
0x12: {  	s29 =	simm.s32 $0x40;
	s7 =	simm.s32 $0x80;
	v63 =	vadd.s32 v2, v62;
	[tilespmem:$0xA0] =	vst v0  }
0x13: {  	s8 =	simm.s32 $0x100;
	s30 =	simm.s32 $0x1;
	s28 =	sadd.s32 $0x800, s2;
	[tilespmem:$0xB0] =	vst v63  }
0x14: {  	[tilespmem:s8], [sflag:$0x1] =	stream.indirect.gather [hbm4b:s28+s29], $0x80, s7, s29, $0xb8;
	[tilespmem:$0x2100] =	vst v63  }
0x15: {  	s31 =	sshll.u32 s1, $0xA;
	_ =	swait.ge [sflag:s30], $0x2000  }
0x16: {  	s2 =	sadd.s32 s31, s2;
	[sflag:s30] =	ssyncset.done $0x0  }
0x17: {  	s2 =	sadd.s32 $0x400A00, s2;
	[sflag:s30] =	ssyncadd.s32 $0xFFFFE000  }
0x18: {  	[hbm4b:s2+s3] =	stream.linear.scatter [tilespmem:s8], [sflag:$0x2], $0x2000, $0x38;
	[tilespmem:$0x2100] =	vst v63  }
0x19: {  	_ =	swait.ge [sflag:s25], $0x2000  }
0x1a: {  	[sflag:s25] =	ssyncset.done $0x0  }
0x1b: {  	[sflag:s25] =	ssyncadd.s32 $0xFFFFE000  }
0x1c: {  	_ =	sfence.sel $0x180000  }
0x1d: {  	[bflag:$0x0] =	sbarrier.arrive $0xFFFF  }
0x1e: {  	p0 =	sne.s32 s1, $0x0;
	_ =	strace $0x90000047  }
0x1f: {  	s0 =	sadd.s32 @!p0 $0x100000, s0;
	[bflag:$0x2] =	sbarrier.arrive $0xFFFF  }
0x20: {  	[sflag:s0] =	ssyncadd.tile.s32 @!p0 $0x1;
	_ =	shalt  }
.Lfunc_end2:
_tile_overlayer_lowered:
.L_overlay_start_2:
0x21: {  	(tag) =	ssettag $0x2  }
0x22: {  	s0 =	rddreg [dreg:$0x0];
	s2 =	stileid.u32  }
0x23: {  	s1 =	rddreg [dreg:$0x1];
	p0 =	sne.s32 s2, $0x0  }
0x24: {  	s3 =	rddreg [dreg:$0x2];
	[bflag:$0x3] =	sbarrier.arrive $0xFFFF;
	s2 =	simm.s32 @!p0 $0x1C02  }
0x25: {  	[timem:s3], [sflag:s2] =	dma.local @!p0 [hbm:s0], s1  }
0x26: {  	s0 =	simm.s32 @!p0 $0x2  }
0x27: {  	_ =	swait.ge @!p0 [sflag:s0], s1  }
0x28: {  	s1 =	ssub.s32 @!p0 $0x0, s1;
	[sflag:s0] =	ssyncset.done @!p0 $0x0  }
0x29: {  	[sflag:s0] =	ssyncadd.s32 @!p0 s1  }
0x2a: {  	[bflag:$0x3] =	sbarrier.arrive $0xFFFF  }
0x2b: {  	_ =	shalt  }

</sc_bundles>
